<compile_context>
chip_gen: v7x
topology: tpu7x:2x2x1
jax: 0.10.2.dev20260603
libtpu: 0.0.44.dev20260713+nightly
codegen_flags: <defaults>
</compile_context>

<pallas_src>
import jax
import jax.numpy as jnp
from jax import lax
from jax.experimental import pallas as pl
from jax.experimental.pallas import tpu as pltpu
from jax.experimental.pallas import tpu_sc as plsc

_N = 10000
_E = 320000
_D = 128
_NC = 2
_NS = 16
_NW = _NC * _NS
_CHUNK = 128
_TOTCH = _E // _CHUNK
_NCHUNK = -(-_TOTCH // _NW)
_ND = 10112
_WB = 632
_WBL = _N - (_NS - 1) * _WB

_mesh = plsc.VectorSubcoreMesh(core_axis_name="c", subcore_axis_name="s")


def _deg_body(dst_hbm, ones_hbm, init_hbm, out_hbm,
              dbuf0, dbuf1, ones_v, isem0, isem1, acc):
    cid = lax.axis_index("c")
    sid = lax.axis_index("s")
    wid = cid * _NS + sid
    base = wid * _NCHUNK

    @pl.when(sid == 0)
    def _():
        pltpu.sync_copy(init_hbm.at[pl.ds(cid * _ND, _ND)], acc)

    pltpu.sync_copy(ones_hbm, ones_v)
    plsc.subcore_barrier()

    def _dslice(j):
        return dst_hbm.at[pl.ds((base + j) * _CHUNK, _CHUNK)]

    dslots = ((dbuf0, isem0), (dbuf1, isem1))
    for b, (db, isem) in enumerate(dslots):
        pltpu.async_copy(_dslice(b), db, isem)

    def chunk(i, carry):
        for b, (db, isem) in enumerate(dslots):
            j = 2 * i + b

            @pl.when(jnp.logical_and(j < _NCHUNK, base + j < _TOTCH))
            def _():
                pltpu.make_async_copy(_dslice(j), db, isem).wait()
                pltpu.sync_copy(ones_v, acc.at[db], add=True)

                @pl.when(jnp.logical_and(j + 2 < _NCHUNK,
                                         base + j + 2 < _TOTCH))
                def _():
                    pltpu.async_copy(_dslice(j + 2), db, isem)
        return carry

    lax.fori_loop(0, (_NCHUNK + 1) // 2, chunk, 0)
    plsc.subcore_barrier()

    @pl.when(sid == 0)
    def _():
        pltpu.sync_copy(acc, out_hbm.at[cid, 0])


_deg_kernel = pl.kernel(
    _deg_body,
    out_type=jax.ShapeDtypeStruct((_NC, 1, _ND), jnp.float32),
    mesh=_mesh,
    scratch_types=[
        pltpu.VMEM((_CHUNK,), jnp.int32),
        pltpu.VMEM((_CHUNK,), jnp.int32),
        pltpu.VMEM((_CHUNK,), jnp.float32),
        pltpu.SemaphoreType.DMA,
        pltpu.SemaphoreType.DMA,
        pltpu.VMEM_SHARED((_ND,), jnp.float32),
    ],
)


def _agg_body(table_hbm, src_hbm, dst_hbm, zeros_hbm, out_hbm,
              sb0, sb1, sb2, sb3, sb4, sb5, db0, db1, db2, db3, db4, db5,
              rows0, rows1, rows2, gs0, gs1, gs2,
              ss0, ss1, ss2, ss3, ss4, ss5, ds0, ds1, ds2, ds3, ds4, ds5,
              acc):
    cid = lax.axis_index("c")
    sid = lax.axis_index("s")
    wid = cid * _NS + sid
    base = wid * _NCHUNK

    @pl.when(jnp.logical_and(sid == 0, cid == 0))
    def _():
        pltpu.sync_copy(table_hbm, acc)

    @pl.when(jnp.logical_and(sid == 0, cid == 1))
    def _():
        pltpu.sync_copy(zeros_hbm, acc)

    plsc.subcore_barrier()

    sbs = (sb0, sb1, sb2, sb3, sb4, sb5)
    dbs = (db0, db1, db2, db3, db4, db5)
    rows = (rows0, rows1, rows2)
    gss = (gs0, gs1, gs2)
    sss = (ss0, ss1, ss2, ss3, ss4, ss5)
    dss = (ds0, ds1, ds2, ds3, ds4, ds5)

    def _idx(ref, j):
        return ref.at[pl.ds((base + j) * _CHUNK, _CHUNK)]

    def _valid(j):
        return jnp.logical_and(j < _NCHUNK, base + j < _TOTCH)

    for j in range(3):
        pltpu.sync_copy(_idx(src_hbm, j), sbs[j])
        pltpu.sync_copy(_idx(dst_hbm, j), dbs[j])
        pltpu.async_copy(table_hbm.at[sbs[j]], rows[j], gss[j])
    for j in range(3, 6):
        pltpu.async_copy(_idx(src_hbm, j), sbs[j], sss[j])
        pltpu.async_copy(_idx(dst_hbm, j), dbs[j], dss[j])

    def body(i, carry):
        for b in range(6):
            j = 6 * i + b
            s, s3, r = b, (b + 3) % 6, b % 3

            @pl.when(_valid(j))
            def _():
                pltpu.make_async_copy(
                    table_hbm.at[sbs[s]], rows[r], gss[r]).wait()
                pltpu.sync_copy(rows[r], acc.at[dbs[s]], add=True)

                @pl.when(_valid(j + 3))
                def _():
                    pltpu.make_async_copy(
                        _idx(src_hbm, j + 3), sbs[s3], sss[s3]).wait()
                    pltpu.make_async_copy(
                        _idx(dst_hbm, j + 3), dbs[s3], dss[s3]).wait()
                    pltpu.async_copy(
                        table_hbm.at[sbs[s3]], rows[r], gss[r])

                @pl.when(_valid(j + 6))
                def _():
                    pltpu.async_copy(_idx(src_hbm, j + 6), sbs[s], sss[s])
                    pltpu.async_copy(_idx(dst_hbm, j + 6), dbs[s], dss[s])
        return carry

    lax.fori_loop(0, (_NCHUNK + 5) // 6, body, 0)
    plsc.subcore_barrier()

    @pl.when(sid < _NS - 1)
    def _():
        pltpu.sync_copy(acc.at[pl.ds(sid * _WB, _WB)],
                        out_hbm.at[cid, pl.ds(sid * _WB, _WB)])

    @pl.when(sid == _NS - 1)
    def _():
        pltpu.sync_copy(acc.at[pl.ds((_NS - 1) * _WB, _WBL)],
                        out_hbm.at[cid, pl.ds((_NS - 1) * _WB, _WBL)])


_agg_kernel = pl.kernel(
    _agg_body,
    out_type=jax.ShapeDtypeStruct((_NC, _N, _D), jnp.float32),
    mesh=_mesh,
    scratch_types=(
        [pltpu.VMEM((_CHUNK,), jnp.int32)] * 12
        + [pltpu.VMEM((_CHUNK, _D), jnp.float32)] * 3
        + [pltpu.SemaphoreType.DMA] * 15
        + [pltpu.VMEM_SHARED((_N, _D), jnp.float32)]
    ),
)


_BLK = 2000


def _prep_body(d0_ref, d1_ref, x_ref, xs_ref, dinv_ref):
    deg = d0_ref[...] + d1_ref[...]
    dinv = lax.rsqrt(deg)
    dinv_ref[...] = dinv
    xs_ref[...] = x_ref[...] * dinv


def _mm_body(p0_ref, p1_ref, dinv_ref, w1_ref, b1_ref, w2_ref, out_ref):
    t = p0_ref[...] + p1_ref[...]
    dinv = dinv_ref[...]
    a = jnp.dot(t, w1_ref[...], preferred_element_type=jnp.float32)
    h = jnp.maximum(a * dinv + b1_ref[...], 0.0)
    g = jnp.dot(h, w2_ref[...], preferred_element_type=jnp.float32)
    out_ref[...] = g * dinv


def _fin_body(q0_ref, q1_ref, dinv_ref, b2_ref, out_ref):
    out_ref[...] = (q0_ref[...] + q1_ref[...]) * dinv_ref[...] + b2_ref[...]


def _row_spec(cols):
    return pl.BlockSpec((_BLK, cols), lambda i: (i, 0))


def _full_spec(r, c):
    return pl.BlockSpec((r, c), lambda i: (0, 0))


_prep_call = pl.pallas_call(
    _prep_body,
    grid=(_N // _BLK,),
    in_specs=[_row_spec(1), _row_spec(1), _row_spec(_D)],
    out_specs=[_row_spec(_D), _row_spec(1)],
    out_shape=[
        jax.ShapeDtypeStruct((_N, _D), jnp.float32),
        jax.ShapeDtypeStruct((_N, 1), jnp.float32),
    ],
)

_mm_call = pl.pallas_call(
    _mm_body,
    grid=(_N // _BLK,),
    in_specs=[
        _row_spec(_D), _row_spec(_D), _row_spec(1),
        _full_spec(128, 256), _full_spec(1, 256), _full_spec(256, 128),
    ],
    out_specs=_row_spec(_D),
    out_shape=jax.ShapeDtypeStruct((_N, _D), jnp.float32),
)

_fin_call = pl.pallas_call(
    _fin_body,
    grid=(_N // _BLK,),
    in_specs=[_row_spec(_D), _row_spec(_D), _row_spec(1), _full_spec(1, _D)],
    out_specs=_row_spec(_D),
    out_shape=jax.ShapeDtypeStruct((_N, _D), jnp.float32),
)


def kernel(x, edge_index, W1, b1, W2, b2):
    ei = edge_index.astype(jnp.int32)
    src = ei[0]
    dst = ei[1]

    zeros_nd = jnp.zeros((_N, _D), jnp.float32)
    deg_init = jnp.concatenate(
        [jnp.ones((_ND,), jnp.float32), jnp.zeros((_ND,), jnp.float32)])
    ones_c = jnp.ones((_CHUNK,), jnp.float32)

    degp = _deg_kernel(dst, ones_c, deg_init)
    d0 = degp[0, 0, :_N].reshape(_N, 1)
    d1 = degp[1, 0, :_N].reshape(_N, 1)
    xs, dinv = _prep_call(d0, d1, x)

    p = _agg_kernel(xs, src, dst, zeros_nd)
    g2 = _mm_call(p[0], p[1], dinv, W1, b1.reshape(1, -1), W2)

    q = _agg_kernel(g2, src, dst, zeros_nd)
    out = _fin_call(q[0], q[1], dinv, b2.reshape(1, -1))
    return out

# --- scband reference (transcript-rebuilt; emitter-appended) ---
"""Pipeline reference for scband-gnnmodel-opt-57071525429604 (READ-ONLY COPY).

The authoritative reference and input builder live on the scoring server;
editing this copy changes nothing except your own understanding.
"""

import jax, jax.numpy as jnp
import numpy as np

N_NODES = 10000
N_EDGES = 320000
C_IN = 128
C_HID = 256
C_OUT = 128


def gcn_conv(x, edge_index, W, b):
    n = x.shape[0]
    src = edge_index[0]
    dst = edge_index[1]
    # add self loops (PyG GCNConv default add_self_loops=True)
    loop = jnp.arange(n, dtype=src.dtype)
    src = jnp.concatenate([src, loop])
    dst = jnp.concatenate([dst, loop])
    ew = jnp.ones(src.shape[0], dtype=x.dtype)
    # symmetric normalization: deg computed at dst (col), norm = d^-1/2[src]*d^-1/2[dst]
    deg = jnp.zeros((n,), dtype=x.dtype).at[dst].add(ew)
    dinv = jnp.where(deg > 0, jax.lax.rsqrt(jnp.maximum(deg, 1e-12)), 0.0)
    norm = dinv[src] * dinv[dst]
    h = x @ W  # linear transform (no bias inside lin)
    msg = jnp.take(h, src, axis=0) * norm[:, None]
    out = jnp.zeros((n, W.shape[1]), dtype=x.dtype).at[dst].add(msg)
    return out + b


def setup_inputs(seed: int = 0) -> dict:
    key = jax.random.key(seed)
    k1, k2, k3, k4, k5, k6 = jax.random.split(key, 6)
    x = jax.random.normal(k1, (N_NODES, C_IN), dtype=jnp.float32)
    edge_index = jax.random.randint(k2, (2, N_EDGES), 0, N_NODES, dtype=jnp.int64)
    # glorot-style init for GCN weights
    s1 = float(np.sqrt(6.0 / (C_IN + C_HID)))
    W1 = jax.random.uniform(k3, (C_IN, C_HID), dtype=jnp.float32, minval=-s1, maxval=s1)
    b1 = jnp.zeros((C_HID,), dtype=jnp.float32)
    s2 = float(np.sqrt(6.0 / (C_HID + C_OUT)))
    W2 = jax.random.uniform(k4, (C_HID, C_OUT), dtype=jnp.float32, minval=-s2, maxval=s2)
    b2 = jnp.zeros((C_OUT,), dtype=jnp.float32)
    return {"x": x, "edge_index": edge_index, "W1": W1, "b1": b1, "W2": W2, "b2": b2}


def reference(x, edge_index, W1, b1, W2, b2):
    # layer 1: GCNConv(c_in -> c_hidden)
    h = gcn_conv(x, edge_index, W1, b1)
    # ReLU (Dropout is identity in eval mode)
    h = jax.nn.relu(h)
    # layer 2: GCNConv(c_hidden -> c_out)
    out = gcn_conv(h, edge_index, W2, b2)
    return out

if __name__ == "__main__":
    import jax
    _d = setup_inputs()
    print(jax.jit(kernel)(*tuple(_d.values())))

</pallas_src>

<mosaic_0001>
#map = affine_map<(d0, d1) -> (0, 0)>
#map1 = affine_map<(d0, d1) -> (0)>
#map2 = affine_map<(d0, d1) -> (0, 0, 0)>
module attributes {stable_mosaic.version = 14 : i64} {
  func.func @_agg_body(%arg0: i32, %arg1: i32, %arg2: memref<10000x128xf32, #tpu.memory_space<hbm>>, %arg3: memref<320000xi32, #tpu.memory_space<hbm>>, %arg4: memref<320000xi32, #tpu.memory_space<hbm>>, %arg5: memref<10000x128xf32, #tpu.memory_space<hbm>>, %arg6: memref<2x10000x128xf32, #tpu.memory_space<hbm>>, %arg7: memref<128xi32, #tpu.memory_space<vmem>>, %arg8: memref<128xi32, #tpu.memory_space<vmem>>, %arg9: memref<128xi32, #tpu.memory_space<vmem>>, %arg10: memref<128xi32, #tpu.memory_space<vmem>>, %arg11: memref<128xi32, #tpu.memory_space<vmem>>, %arg12: memref<128xi32, #tpu.memory_space<vmem>>, %arg13: memref<128xi32, #tpu.memory_space<vmem>>, %arg14: memref<128xi32, #tpu.memory_space<vmem>>, %arg15: memref<128xi32, #tpu.memory_space<vmem>>, %arg16: memref<128xi32, #tpu.memory_space<vmem>>, %arg17: memref<128xi32, #tpu.memory_space<vmem>>, %arg18: memref<128xi32, #tpu.memory_space<vmem>>, %arg19: memref<128x128xf32, #tpu.memory_space<vmem>>, %arg20: memref<128x128xf32, #tpu.memory_space<vmem>>, %arg21: memref<128x128xf32, #tpu.memory_space<vmem>>, %arg22: memref<!tpu.dma_semaphore, #tpu.memory_space<semaphore_mem>>, %arg23: memref<!tpu.dma_semaphore, #tpu.memory_space<semaphore_mem>>, %arg24: memref<!tpu.dma_semaphore, #tpu.memory_space<semaphore_mem>>, %arg25: memref<!tpu.dma_semaphore, #tpu.memory_space<semaphore_mem>>, %arg26: memref<!tpu.dma_semaphore, #tpu.memory_space<semaphore_mem>>, %arg27: memref<!tpu.dma_semaphore, #tpu.memory_space<semaphore_mem>>, %arg28: memref<!tpu.dma_semaphore, #tpu.memory_space<semaphore_mem>>, %arg29: memref<!tpu.dma_semaphore, #tpu.memory_space<semaphore_mem>>, %arg30: memref<!tpu.dma_semaphore, #tpu.memory_space<semaphore_mem>>, %arg31: memref<!tpu.dma_semaphore, #tpu.memory_space<semaphore_mem>>, %arg32: memref<!tpu.dma_semaphore, #tpu.memory_space<semaphore_mem>>, %arg33: memref<!tpu.dma_semaphore, #tpu.memory_space<semaphore_mem>>, %arg34: memref<!tpu.dma_semaphore, #tpu.memory_space<semaphore_mem>>, %arg35: memref<!tpu.dma_semaphore, #tpu.memory_space<semaphore_mem>>, %arg36: memref<!tpu.dma_semaphore, #tpu.memory_space<semaphore_mem>>, %arg37: memref<10000x128xf32, #tpu.memory_space<vmem_shared>>) attributes {dimension_semantics = [#tpu.dimension_semantics<core_parallel>, #tpu.dimension_semantics<subcore_parallel>], iteration_bounds = array<i64: 2, 16>, scalar_prefetch = 0 : i64, scratch_operands = 31 : i64, tpu.core_type = #tpu.core_type<sc_vector_subcore>, window_params = [{transform_indices = #map}, {transform_indices = #map1}, {transform_indices = #map1}, {transform_indices = #map}, {transform_indices = #map2}]} {
    %mul3A = arith.constant 16 : i32
    %mul3A_0 = arith.muli %arg0, %mul3A : i32
    %add3A = arith.addi %mul3A_0, %arg1 : i32
    %mul3A_1 = arith.constant 79 : i32
    %mul3A_2 = arith.muli %add3A, %mul3A_1 : i32
    %eq3A = arith.constant 0 : i32
    %eq3A_3 = arith.cmpi eq, %arg1, %eq3A : i32
    %eq3A_4 = arith.constant 0 : i32
    %eq3A_5 = arith.cmpi eq, %arg0, %eq3A_4 : i32
    %and3A = arith.andi %eq3A_3, %eq3A_5 : i1
    %convert_element_type3A = arith.extui %and3A : i1 to i32
    %cond3A = arith.constant 0 : i32
    %cond3A_6 = arith.cmpi ne, %convert_element_type3A, %cond3A : i32
    scf.if %cond3A_6 {
      "tpu.region"() ({
        %run_scoped3A = tpu.sem_alloc : memref<!tpu.dma_semaphore, #tpu.memory_space<semaphore_mem>>
        tpu.enqueue_dma source(%arg2 : memref<10000x128xf32, #tpu.memory_space<hbm>>) target(%arg37 : memref<10000x128xf32, #tpu.memory_space<vmem_shared>>) target_semaphore(%run_scoped3A : memref<!tpu.dma_semaphore, #tpu.memory_space<semaphore_mem>>)
        tpu.wait_dma2 semaphore(%run_scoped3A : memref<!tpu.dma_semaphore, #tpu.memory_space<semaphore_mem>>) src(%arg2 : memref<10000x128xf32, #tpu.memory_space<hbm>>) dst(%arg37 : memref<10000x128xf32, #tpu.memory_space<vmem_shared>>)
        tpu.yield
      }) : () -> ()
    } else {
    }
    %eq3A_7 = arith.constant 0 : i32
    %eq3A_8 = arith.cmpi eq, %arg1, %eq3A_7 : i32
    %eq3A_9 = arith.constant 1 : i32
    %eq3A_10 = arith.cmpi eq, %arg0, %eq3A_9 : i32
    %and3A_11 = arith.andi %eq3A_8, %eq3A_10 : i1
    %convert_element_type3A_12 = arith.extui %and3A_11 : i1 to i32
    %cond3A_13 = arith.constant 0 : i32
    %cond3A_14 = arith.cmpi ne, %convert_element_type3A_12, %cond3A_13 : i32
    scf.if %cond3A_14 {
      "tpu.region"() ({
        %run_scoped3A = tpu.sem_alloc : memref<!tpu.dma_semaphore, #tpu.memory_space<semaphore_mem>>
        tpu.enqueue_dma source(%arg5 : memref<10000x128xf32, #tpu.memory_space<hbm>>) target(%arg37 : memref<10000x128xf32, #tpu.memory_space<vmem_shared>>) target_semaphore(%run_scoped3A : memref<!tpu.dma_semaphore, #tpu.memory_space<semaphore_mem>>)
        tpu.wait_dma2 semaphore(%run_scoped3A : memref<!tpu.dma_semaphore, #tpu.memory_space<semaphore_mem>>) src(%arg5 : memref<10000x128xf32, #tpu.memory_space<hbm>>) dst(%arg37 : memref<10000x128xf32, #tpu.memory_space<vmem_shared>>)
        tpu.yield
      }) : () -> ()
    } else {
    }
    %barrier3A = arith.constant 0 : index
    tpu.barrier barrier_id(%barrier3A)
    %add3A_15 = arith.constant 0 : i32
    %add3A_16 = arith.addi %mul3A_2, %add3A_15 : i32
    %mul3A_17 = arith.constant 128 : i32
    %mul3A_18 = arith.muli %add3A_16, %mul3A_17 : i32
    "tpu.region"() ({
      %run_scoped3A = tpu.sem_alloc : memref<!tpu.dma_semaphore, #tpu.memory_space<semaphore_mem>>
      %dma_start3A_98 = tpu.memref_slice %arg3[%mul3A_18] : memref<320000xi32, #tpu.memory_space<hbm>> -> memref<128xi32, #tpu.memory_space<hbm>>
      %dma_start3A_99 = tpu.memref_slice %arg3[%mul3A_18] : memref<320000xi32, #tpu.memory_space<hbm>> -> memref<128xi32, #tpu.memory_space<hbm>>
      tpu.enqueue_dma source(%dma_start3A_99 : memref<128xi32, #tpu.memory_space<hbm>>) target(%arg7 : memref<128xi32, #tpu.memory_space<vmem>>) target_semaphore(%run_scoped3A : memref<!tpu.dma_semaphore, #tpu.memory_space<semaphore_mem>>)
      %dma_wait3A = tpu.memref_slice %arg3[%mul3A_18] : memref<320000xi32, #tpu.memory_space<hbm>> -> memref<128xi32, #tpu.memory_space<hbm>>
      %dma_wait3A_100 = tpu.memref_slice %arg3[%mul3A_18] : memref<320000xi32, #tpu.memory_space<hbm>> -> memref<128xi32, #tpu.memory_space<hbm>>
      tpu.wait_dma2 semaphore(%run_scoped3A : memref<!tpu.dma_semaphore, #tpu.memory_space<semaphore_mem>>) src(%dma_wait3A_100 : memref<128xi32, #tpu.memory_space<hbm>>) dst(%arg7 : memref<128xi32, #tpu.memory_space<vmem>>)
      tpu.yield
    }) : () -> ()
    %add3A_19 = arith.constant 0 : i32
    %add3A_20 = arith.addi %mul3A_2, %add3A_19 : i32
    %mul3A_21 = arith.constant 128 : i32
    %mul3A_22 = arith.muli %add3A_20, %mul3A_21 : i32
    "tpu.region"() ({
      %run_scoped3A = tpu.sem_alloc : memref<!tpu.dma_semaphore, #tpu.memory_space<semaphore_mem>>
      %dma_start3A_98 = tpu.memref_slice %arg4[%mul3A_22] : memref<320000xi32, #tpu.memory_space<hbm>> -> memref<128xi32, #tpu.memory_space<hbm>>
      %dma_start3A_99 = tpu.memref_slice %arg4[%mul3A_22] : memref<320000xi32, #tpu.memory_space<hbm>> -> memref<128xi32, #tpu.memory_space<hbm>>
      tpu.enqueue_dma source(%dma_start3A_99 : memref<128xi32, #tpu.memory_space<hbm>>) target(%arg13 : memref<128xi32, #tpu.memory_space<vmem>>) target_semaphore(%run_scoped3A : memref<!tpu.dma_semaphore, #tpu.memory_space<semaphore_mem>>)
      %dma_wait3A = tpu.memref_slice %arg4[%mul3A_22] : memref<320000xi32, #tpu.memory_space<hbm>> -> memref<128xi32, #tpu.memory_space<hbm>>
      %dma_wait3A_100 = tpu.memref_slice %arg4[%mul3A_22] : memref<320000xi32, #tpu.memory_space<hbm>> -> memref<128xi32, #tpu.memory_space<hbm>>
      tpu.wait_dma2 semaphore(%run_scoped3A : memref<!tpu.dma_semaphore, #tpu.memory_space<semaphore_mem>>) src(%dma_wait3A_100 : memref<128xi32, #tpu.memory_space<hbm>>) dst(%arg13 : memref<128xi32, #tpu.memory_space<vmem>>)
      tpu.yield
    }) : () -> ()
    %dma_start3A = arith.constant 0 : i32
    %dma_start3A_23 = arith.constant 0 : i32
    %dma_start3A_24 = tpu.memref_slice %arg2[%dma_start3A, %dma_start3A_23] : memref<10000x128xf32, #tpu.memory_space<hbm>> -> memref<10000x128xf32, #tpu.memory_space<hbm>>
    tpu.enqueue_indirect_dma source(%dma_start3A_24 : memref<10000x128xf32, #tpu.memory_space<hbm>>) target(%arg19 : memref<128x128xf32, #tpu.memory_space<vmem>>) offsets(%arg7 : memref<128xi32, #tpu.memory_space<vmem>>) semaphore(%arg22 : memref<!tpu.dma_semaphore, #tpu.memory_space<semaphore_mem>>)
    %add3A_25 = arith.constant 1 : i32
    %add3A_26 = arith.addi %mul3A_2, %add3A_25 : i32
    %mul3A_27 = arith.constant 128 : i32
    %mul3A_28 = arith.muli %add3A_26, %mul3A_27 : i32
    "tpu.region"() ({
      %run_scoped3A = tpu.sem_alloc : memref<!tpu.dma_semaphore, #tpu.memory_space<semaphore_mem>>
      %dma_start3A_98 = tpu.memref_slice %arg3[%mul3A_28] : memref<320000xi32, #tpu.memory_space<hbm>> -> memref<128xi32, #tpu.memory_space<hbm>>
      %dma_start3A_99 = tpu.memref_slice %arg3[%mul3A_28] : memref<320000xi32, #tpu.memory_space<hbm>> -> memref<128xi32, #tpu.memory_space<hbm>>
      tpu.enqueue_dma source(%dma_start3A_99 : memref<128xi32, #tpu.memory_space<hbm>>) target(%arg8 : memref<128xi32, #tpu.memory_space<vmem>>) target_semaphore(%run_scoped3A : memref<!tpu.dma_semaphore, #tpu.memory_space<semaphore_mem>>)
      %dma_wait3A = tpu.memref_slice %arg3[%mul3A_28] : memref<320000xi32, #tpu.memory_space<hbm>> -> memref<128xi32, #tpu.memory_space<hbm>>
      %dma_wait3A_100 = tpu.memref_slice %arg3[%mul3A_28] : memref<320000xi32, #tpu.memory_space<hbm>> -> memref<128xi32, #tpu.memory_space<hbm>>
      tpu.wait_dma2 semaphore(%run_scoped3A : memref<!tpu.dma_semaphore, #tpu.memory_space<semaphore_mem>>) src(%dma_wait3A_100 : memref<128xi32, #tpu.memory_space<hbm>>) dst(%arg8 : memref<128xi32, #tpu.memory_space<vmem>>)
      tpu.yield
    }) : () -> ()
    %add3A_29 = arith.constant 1 : i32
    %add3A_30 = arith.addi %mul3A_2, %add3A_29 : i32
    %mul3A_31 = arith.constant 128 : i32
    %mul3A_32 = arith.muli %add3A_30, %mul3A_31 : i32
    "tpu.region"() ({
      %run_scoped3A = tpu.sem_alloc : memref<!tpu.dma_semaphore, #tpu.memory_space<semaphore_mem>>
      %dma_start3A_98 = tpu.memref_slice %arg4[%mul3A_32] : memref<320000xi32, #tpu.memory_space<hbm>> -> memref<128xi32, #tpu.memory_space<hbm>>
      %dma_start3A_99 = tpu.memref_slice %arg4[%mul3A_32] : memref<320000xi32, #tpu.memory_space<hbm>> -> memref<128xi32, #tpu.memory_space<hbm>>
      tpu.enqueue_dma source(%dma_start3A_99 : memref<128xi32, #tpu.memory_space<hbm>>) target(%arg14 : memref<128xi32, #tpu.memory_space<vmem>>) target_semaphore(%run_scoped3A : memref<!tpu.dma_semaphore, #tpu.memory_space<semaphore_mem>>)
      %dma_wait3A = tpu.memref_slice %arg4[%mul3A_32] : memref<320000xi32, #tpu.memory_space<hbm>> -> memref<128xi32, #tpu.memory_space<hbm>>
      %dma_wait3A_100 = tpu.memref_slice %arg4[%mul3A_32] : memref<320000xi32, #tpu.memory_space<hbm>> -> memref<128xi32, #tpu.memory_space<hbm>>
      tpu.wait_dma2 semaphore(%run_scoped3A : memref<!tpu.dma_semaphore, #tpu.memory_space<semaphore_mem>>) src(%dma_wait3A_100 : memref<128xi32, #tpu.memory_space<hbm>>) dst(%arg14 : memref<128xi32, #tpu.memory_space<vmem>>)
      tpu.yield
    }) : () -> ()
    %dma_start3A_33 = arith.constant 0 : i32
    %dma_start3A_34 = arith.constant 0 : i32
    %dma_start3A_35 = tpu.memref_slice %arg2[%dma_start3A_33, %dma_start3A_34] : memref<10000x128xf32, #tpu.memory_space<hbm>> -> memref<10000x128xf32, #tpu.memory_space<hbm>>
    tpu.enqueue_indirect_dma source(%dma_start3A_35 : memref<10000x128xf32, #tpu.memory_space<hbm>>) target(%arg20 : memref<128x128xf32, #tpu.memory_space<vmem>>) offsets(%arg8 : memref<128xi32, #tpu.memory_space<vmem>>) semaphore(%arg23 : memref<!tpu.dma_semaphore, #tpu.memory_space<semaphore_mem>>)
    %add3A_36 = arith.constant 2 : i32
    %add3A_37 = arith.addi %mul3A_2, %add3A_36 : i32
    %mul3A_38 = arith.constant 128 : i32
    %mul3A_39 = arith.muli %add3A_37, %mul3A_38 : i32
    "tpu.region"() ({
      %run_scoped3A = tpu.sem_alloc : memref<!tpu.dma_semaphore, #tpu.memory_space<semaphore_mem>>
      %dma_start3A_98 = tpu.memref_slice %arg3[%mul3A_39] : memref<320000xi32, #tpu.memory_space<hbm>> -> memref<128xi32, #tpu.memory_space<hbm>>
      %dma_start3A_99 = tpu.memref_slice %arg3[%mul3A_39] : memref<320000xi32, #tpu.memory_space<hbm>> -> memref<128xi32, #tpu.memory_space<hbm>>
      tpu.enqueue_dma source(%dma_start3A_99 : memref<128xi32, #tpu.memory_space<hbm>>) target(%arg9 : memref<128xi32, #tpu.memory_space<vmem>>) target_semaphore(%run_scoped3A : memref<!tpu.dma_semaphore, #tpu.memory_space<semaphore_mem>>)
      %dma_wait3A = tpu.memref_slice %arg3[%mul3A_39] : memref<320000xi32, #tpu.memory_space<hbm>> -> memref<128xi32, #tpu.memory_space<hbm>>
      %dma_wait3A_100 = tpu.memref_slice %arg3[%mul3A_39] : memref<320000xi32, #tpu.memory_space<hbm>> -> memref<128xi32, #tpu.memory_space<hbm>>
      tpu.wait_dma2 semaphore(%run_scoped3A : memref<!tpu.dma_semaphore, #tpu.memory_space<semaphore_mem>>) src(%dma_wait3A_100 : memref<128xi32, #tpu.memory_space<hbm>>) dst(%arg9 : memref<128xi32, #tpu.memory_space<vmem>>)
      tpu.yield
    }) : () -> ()
    %add3A_40 = arith.constant 2 : i32
    %add3A_41 = arith.addi %mul3A_2, %add3A_40 : i32
    %mul3A_42 = arith.constant 128 : i32
    %mul3A_43 = arith.muli %add3A_41, %mul3A_42 : i32
    "tpu.region"() ({
      %run_scoped3A = tpu.sem_alloc : memref<!tpu.dma_semaphore, #tpu.memory_space<semaphore_mem>>
      %dma_start3A_98 = tpu.memref_slice %arg4[%mul3A_43] : memref<320000xi32, #tpu.memory_space<hbm>> -> memref<128xi32, #tpu.memory_space<hbm>>
      %dma_start3A_99 = tpu.memref_slice %arg4[%mul3A_43] : memref<320000xi32, #tpu.memory_space<hbm>> -> memref<128xi32, #tpu.memory_space<hbm>>
      tpu.enqueue_dma source(%dma_start3A_99 : memref<128xi32, #tpu.memory_space<hbm>>) target(%arg15 : memref<128xi32, #tpu.memory_space<vmem>>) target_semaphore(%run_scoped3A : memref<!tpu.dma_semaphore, #tpu.memory_space<semaphore_mem>>)
      %dma_wait3A = tpu.memref_slice %arg4[%mul3A_43] : memref<320000xi32, #tpu.memory_space<hbm>> -> memref<128xi32, #tpu.memory_space<hbm>>
      %dma_wait3A_100 = tpu.memref_slice %arg4[%mul3A_43] : memref<320000xi32, #tpu.memory_space<hbm>> -> memref<128xi32, #tpu.memory_space<hbm>>
      tpu.wait_dma2 semaphore(%run_scoped3A : memref<!tpu.dma_semaphore, #tpu.memory_space<semaphore_mem>>) src(%dma_wait3A_100 : memref<128xi32, #tpu.memory_space<hbm>>) dst(%arg15 : memref<128xi32, #tpu.memory_space<vmem>>)
      tpu.yield
    }) : () -> ()
    %dma_start3A_44 = arith.constant 0 : i32
    %dma_start3A_45 = arith.constant 0 : i32
    %dma_start3A_46 = tpu.memref_slice %arg2[%dma_start3A_44, %dma_start3A_45] : memref<10000x128xf32, #tpu.memory_space<hbm>> -> memref<10000x128xf32, #tpu.memory_space<hbm>>
    tpu.enqueue_indirect_dma source(%dma_start3A_46 : memref<10000x128xf32, #tpu.memory_space<hbm>>) target(%arg21 : memref<128x128xf32, #tpu.memory_space<vmem>>) offsets(%arg9 : memref<128xi32, #tpu.memory_space<vmem>>) semaphore(%arg24 : memref<!tpu.dma_semaphore, #tpu.memory_space<semaphore_mem>>)
    %add3A_47 = arith.constant 3 : i32
    %add3A_48 = arith.addi %mul3A_2, %add3A_47 : i32
    %mul3A_49 = arith.constant 128 : i32
    %mul3A_50 = arith.muli %add3A_48, %mul3A_49 : i32
    %dma_start3A_51 = tpu.memref_slice %arg3[%mul3A_50] : memref<320000xi32, #tpu.memory_space<hbm>> -> memref<128xi32, #tpu.memory_space<hbm>>
    %dma_start3A_52 = tpu.memref_slice %arg3[%mul3A_50] : memref<320000xi32, #tpu.memory_space<hbm>> -> memref<128xi32, #tpu.memory_space<hbm>>
    tpu.enqueue_dma source(%dma_start3A_52 : memref<128xi32, #tpu.memory_space<hbm>>) target(%arg10 : memref<128xi32, #tpu.memory_space<vmem>>) target_semaphore(%arg28 : memref<!tpu.dma_semaphore, #tpu.memory_space<semaphore_mem>>)
    %add3A_53 = arith.constant 3 : i32
    %add3A_54 = arith.addi %mul3A_2, %add3A_53 : i32
    %mul3A_55 = arith.constant 128 : i32
    %mul3A_56 = arith.muli %add3A_54, %mul3A_55 : i32
    %dma_start3A_57 = tpu.memref_slice %arg4[%mul3A_56] : memref<320000xi32, #tpu.memory_space<hbm>> -> memref<128xi32, #tpu.memory_space<hbm>>
    %dma_start3A_58 = tpu.memref_slice %arg4[%mul3A_56] : memref<320000xi32, #tpu.memory_space<hbm>> -> memref<128xi32, #tpu.memory_space<hbm>>
    tpu.enqueue_dma source(%dma_start3A_58 : memref<128xi32, #tpu.memory_space<hbm>>) target(%arg16 : memref<128xi32, #tpu.memory_space<vmem>>) target_semaphore(%arg34 : memref<!tpu.dma_semaphore, #tpu.memory_space<semaphore_mem>>)
    %add3A_59 = arith.constant 4 : i32
    %add3A_60 = arith.addi %mul3A_2, %add3A_59 : i32
    %mul3A_61 = arith.constant 128 : i32
    %mul3A_62 = arith.muli %add3A_60, %mul3A_61 : i32
    %dma_start3A_63 = tpu.memref_slice %arg3[%mul3A_62] : memref<320000xi32, #tpu.memory_space<hbm>> -> memref<128xi32, #tpu.memory_space<hbm>>
    %dma_start3A_64 = tpu.memref_slice %arg3[%mul3A_62] : memref<320000xi32, #tpu.memory_space<hbm>> -> memref<128xi32, #tpu.memory_space<hbm>>
    tpu.enqueue_dma source(%dma_start3A_64 : memref<128xi32, #tpu.memory_space<hbm>>) target(%arg11 : memref<128xi32, #tpu.memory_space<vmem>>) target_semaphore(%arg29 : memref<!tpu.dma_semaphore, #tpu.memory_space<semaphore_mem>>)
    %add3A_65 = arith.constant 4 : i32
    %add3A_66 = arith.addi %mul3A_2, %add3A_65 : i32
    %mul3A_67 = arith.constant 128 : i32
    %mul3A_68 = arith.muli %add3A_66, %mul3A_67 : i32
    %dma_start3A_69 = tpu.memref_slice %arg4[%mul3A_68] : memref<320000xi32, #tpu.memory_space<hbm>> -> memref<128xi32, #tpu.memory_space<hbm>>
    %dma_start3A_70 = tpu.memref_slice %arg4[%mul3A_68] : memref<320000xi32, #tpu.memory_space<hbm>> -> memref<128xi32, #tpu.memory_space<hbm>>
    tpu.enqueue_dma source(%dma_start3A_70 : memref<128xi32, #tpu.memory_space<hbm>>) target(%arg17 : memref<128xi32, #tpu.memory_space<vmem>>) target_semaphore(%arg35 : memref<!tpu.dma_semaphore, #tpu.memory_space<semaphore_mem>>)
    %add3A_71 = arith.constant 5 : i32
    %add3A_72 = arith.addi %mul3A_2, %add3A_71 : i32
    %mul3A_73 = arith.constant 128 : i32
    %mul3A_74 = arith.muli %add3A_72, %mul3A_73 : i32
    %dma_start3A_75 = tpu.memref_slice %arg3[%mul3A_74] : memref<320000xi32, #tpu.memory_space<hbm>> -> memref<128xi32, #tpu.memory_space<hbm>>
    %dma_start3A_76 = tpu.memref_slice %arg3[%mul3A_74] : memref<320000xi32, #tpu.memory_space<hbm>> -> memref<128xi32, #tpu.memory_space<hbm>>
    tpu.enqueue_dma source(%dma_start3A_76 : memref<128xi32, #tpu.memory_space<hbm>>) target(%arg12 : memref<128xi32, #tpu.memory_space<vmem>>) target_semaphore(%arg30 : memref<!tpu.dma_semaphore, #tpu.memory_space<semaphore_mem>>)
    %add3A_77 = arith.constant 5 : i32
    %add3A_78 = arith.addi %mul3A_2, %add3A_77 : i32
    %mul3A_79 = arith.constant 128 : i32
    %mul3A_80 = arith.muli %add3A_78, %mul3A_79 : i32
    %dma_start3A_81 = tpu.memref_slice %arg4[%mul3A_80] : memref<320000xi32, #tpu.memory_space<hbm>> -> memref<128xi32, #tpu.memory_space<hbm>>
    %dma_start3A_82 = tpu.memref_slice %arg4[%mul3A_80] : memref<320000xi32, #tpu.memory_space<hbm>> -> memref<128xi32, #tpu.memory_space<hbm>>
    tpu.enqueue_dma source(%dma_start3A_82 : memref<128xi32, #tpu.memory_space<hbm>>) target(%arg18 : memref<128xi32, #tpu.memory_space<vmem>>) target_semaphore(%arg36 : memref<!tpu.dma_semaphore, #tpu.memory_space<semaphore_mem>>)
    %scan3A = arith.constant 0 : i32
    %scan3A_83 = arith.constant 0 : i32
    %scan3A_84 = arith.constant 14 : i32
    %scan3A_85 = arith.addi %scan3A_83, %scan3A_84 : i32
    %scan3A_86 = arith.constant 1 : i32
    scf.for %scan3A_98 = %scan3A_83 to %scan3A_85 step %scan3A_86  : i32 {
      %mul3A_99 = arith.constant 6 : i32
      %mul3A_100 = arith.muli %mul3A_99, %scan3A_98 : i32
      %add3A_101 = arith.constant 0 : i32
      %add3A_102 = arith.addi %mul3A_100, %add3A_101 : i32
      %lt3A_103 = arith.constant 79 : i32
      %lt3A_104 = arith.cmpi slt, %add3A_102, %lt3A_103 : i32
      %add3A_105 = arith.addi %mul3A_2, %add3A_102 : i32
      %lt3A_106 = arith.constant 2500 : i32
      %lt3A_107 = arith.cmpi slt, %add3A_105, %lt3A_106 : i32
      %and3A_108 = arith.andi %lt3A_104, %lt3A_107 : i1
      %convert_element_type3A_109 = arith.extui %and3A_108 : i1 to i32
      %cond3A_110 = arith.constant 0 : i32
      %cond3A_111 = arith.cmpi ne, %convert_element_type3A_109, %cond3A_110 : i32
      scf.if %cond3A_111 {
        %dma_wait3A = arith.constant 0 : i32
        %dma_wait3A_177 = arith.constant 0 : i32
        %dma_wait3A_178 = tpu.memref_slice %arg2[%dma_wait3A, %dma_wait3A_177] : memref<10000x128xf32, #tpu.memory_space<hbm>> -> memref<10000x128xf32, #tpu.memory_space<hbm>>
        tpu.wait_indirect_dma semaphore(%arg22 : memref<!tpu.dma_semaphore, #tpu.memory_space<semaphore_mem>>) src(%dma_wait3A_178 : memref<10000x128xf32, #tpu.memory_space<hbm>>) dst(%arg19 : memref<128x128xf32, #tpu.memory_space<vmem>>)
        "tpu.region"() ({
          %run_scoped3A = tpu.sem_alloc : memref<!tpu.dma_semaphore, #tpu.memory_space<semaphore_mem>>
          %dma_start3A_201 = arith.constant 0 : i32
          %dma_start3A_202 = arith.constant 0 : i32
          %dma_start3A_203 = tpu.memref_slice %arg37[%dma_start3A_201, %dma_start3A_202] : memref<10000x128xf32, #tpu.memory_space<vmem_shared>> -> memref<10000x128xf32, #tpu.memory_space<vmem_shared>>
          tpu.enqueue_indirect_dma source(%arg19 : memref<128x128xf32, #tpu.memory_space<vmem>>) target(%dma_start3A_203 : memref<10000x128xf32, #tpu.memory_space<vmem_shared>>) offsets(%arg13 : memref<128xi32, #tpu.memory_space<vmem>>) semaphore(%run_scoped3A : memref<!tpu.dma_semaphore, #tpu.memory_space<semaphore_mem>>) {add = true}
          %dma_wait3A_204 = arith.constant 0 : i32
          %dma_wait3A_205 = arith.constant 0 : i32
          %dma_wait3A_206 = tpu.memref_slice %arg37[%dma_wait3A_204, %dma_wait3A_205] : memref<10000x128xf32, #tpu.memory_space<vmem_shared>> -> memref<10000x128xf32, #tpu.memory_space<vmem_shared>>
          tpu.wait_indirect_dma semaphore(%run_scoped3A : memref<!tpu.dma_semaphore, #tpu.memory_space<semaphore_mem>>) src(%arg19 : memref<128x128xf32, #tpu.memory_space<vmem>>) dst(%dma_wait3A_206 : memref<10000x128xf32, #tpu.memory_space<vmem_shared>>)
          tpu.yield
        }) : () -> ()
        %add3A_179 = arith.constant 3 : i32
        %add3A_180 = arith.addi %add3A_102, %add3A_179 : i32
        %lt3A_181 = arith.constant 79 : i32
        %lt3A_182 = arith.cmpi slt, %add3A_180, %lt3A_181 : i32
        %add3A_183 = arith.addi %mul3A_2, %add3A_180 : i32
        %lt3A_184 = arith.constant 2500 : i32
        %lt3A_185 = arith.cmpi slt, %add3A_183, %lt3A_184 : i32
        %and3A_186 = arith.andi %lt3A_182, %lt3A_185 : i1
        %convert_element_type3A_187 = arith.extui %and3A_186 : i1 to i32
        %cond3A_188 = arith.constant 0 : i32
        %cond3A_189 = arith.cmpi ne, %convert_element_type3A_187, %cond3A_188 : i32
        scf.if %cond3A_189 {
          %add3A_201 = arith.constant 3 : i32
          %add3A_202 = arith.addi %add3A_102, %add3A_201 : i32
          %add3A_203 = arith.addi %mul3A_2, %add3A_202 : i32
          %mul3A_204 = arith.constant 128 : i32
          %mul3A_205 = arith.muli %add3A_203, %mul3A_204 : i32
          %dma_wait3A_206 = tpu.memref_slice %arg3[%mul3A_205] : memref<320000xi32, #tpu.memory_space<hbm>> -> memref<128xi32, #tpu.memory_space<hbm>>
          %dma_wait3A_207 = tpu.memref_slice %arg3[%mul3A_205] : memref<320000xi32, #tpu.memory_space<hbm>> -> memref<128xi32, #tpu.memory_space<hbm>>
          tpu.wait_dma2 semaphore(%arg28 : memref<!tpu.dma_semaphore, #tpu.memory_space<semaphore_mem>>) src(%dma_wait3A_207 : memref<128xi32, #tpu.memory_space<hbm>>) dst(%arg10 : memref<128xi32, #tpu.memory_space<vmem>>)
          %add3A_208 = arith.constant 3 : i32
          %add3A_209 = arith.addi %add3A_102, %add3A_208 : i32
          %add3A_210 = arith.addi %mul3A_2, %add3A_209 : i32
          %mul3A_211 = arith.constant 128 : i32
          %mul3A_212 = arith.muli %add3A_210, %mul3A_211 : i32
          %dma_wait3A_213 = tpu.memref_slice %arg4[%mul3A_212] : memref<320000xi32, #tpu.memory_space<hbm>> -> memref<128xi32, #tpu.memory_space<hbm>>
          %dma_wait3A_214 = tpu.memref_slice %arg4[%mul3A_212] : memref<320000xi32, #tpu.memory_space<hbm>> -> memref<128xi32, #tpu.memory_space<hbm>>
          tpu.wait_dma2 semaphore(%arg34 : memref<!tpu.dma_semaphore, #tpu.memory_space<semaphore_mem>>) src(%dma_wait3A_214 : memref<128xi32, #tpu.memory_space<hbm>>) dst(%arg16 : memref<128xi32, #tpu.memory_space<vmem>>)
          %dma_start3A_215 = arith.constant 0 : i32
          %dma_start3A_216 = arith.constant 0 : i32
          %dma_start3A_217 = tpu.memref_slice %arg2[%dma_start3A_215, %dma_start3A_216] : memref<10000x128xf32, #tpu.memory_space<hbm>> -> memref<10000x128xf32, #tpu.memory_space<hbm>>
          tpu.enqueue_indirect_dma source(%dma_start3A_217 : memref<10000x128xf32, #tpu.memory_space<hbm>>) target(%arg19 : memref<128x128xf32, #tpu.memory_space<vmem>>) offsets(%arg10 : memref<128xi32, #tpu.memory_space<vmem>>) semaphore(%arg22 : memref<!tpu.dma_semaphore, #tpu.memory_space<semaphore_mem>>)
        } else {
        }
        %add3A_190 = arith.constant 6 : i32
        %add3A_191 = arith.addi %add3A_102, %add3A_190 : i32
        %lt3A_192 = arith.constant 79 : i32
        %lt3A_193 = arith.cmpi slt, %add3A_191, %lt3A_192 : i32
        %add3A_194 = arith.addi %mul3A_2, %add3A_191 : i32
        %lt3A_195 = arith.constant 2500 : i32
        %lt3A_196 = arith.cmpi slt, %add3A_194, %lt3A_195 : i32
        %and3A_197 = arith.andi %lt3A_193, %lt3A_196 : i1
        %convert_element_type3A_198 = arith.extui %and3A_197 : i1 to i32
        %cond3A_199 = arith.constant 0 : i32
        %cond3A_200 = arith.cmpi ne, %convert_element_type3A_198, %cond3A_199 : i32
        scf.if %cond3A_200 {
          %add3A_201 = arith.constant 6 : i32
          %add3A_202 = arith.addi %add3A_102, %add3A_201 : i32
          %add3A_203 = arith.addi %mul3A_2, %add3A_202 : i32
          %mul3A_204 = arith.constant 128 : i32
          %mul3A_205 = arith.muli %add3A_203, %mul3A_204 : i32
          %dma_start3A_206 = tpu.memref_slice %arg3[%mul3A_205] : memref<320000xi32, #tpu.memory_space<hbm>> -> memref<128xi32, #tpu.memory_space<hbm>>
          %dma_start3A_207 = tpu.memref_slice %arg3[%mul3A_205] : memref<320000xi32, #tpu.memory_space<hbm>> -> memref<128xi32, #tpu.memory_space<hbm>>
          tpu.enqueue_dma source(%dma_start3A_207 : memref<128xi32, #tpu.memory_space<hbm>>) target(%arg7 : memref<128xi32, #tpu.memory_space<vmem>>) target_semaphore(%arg25 : memref<!tpu.dma_semaphore, #tpu.memory_space<semaphore_mem>>)
          %add3A_208 = arith.constant 6 : i32
          %add3A_209 = arith.addi %add3A_102, %add3A_208 : i32
          %add3A_210 = arith.addi %mul3A_2, %add3A_209 : i32
          %mul3A_211 = arith.constant 128 : i32
          %mul3A_212 = arith.muli %add3A_210, %mul3A_211 : i32
          %dma_start3A_213 = tpu.memref_slice %arg4[%mul3A_212] : memref<320000xi32, #tpu.memory_space<hbm>> -> memref<128xi32, #tpu.memory_space<hbm>>
          %dma_start3A_214 = tpu.memref_slice %arg4[%mul3A_212] : memref<320000xi32, #tpu.memory_space<hbm>> -> memref<128xi32, #tpu.memory_space<hbm>>
          tpu.enqueue_dma source(%dma_start3A_214 : memref<128xi32, #tpu.memory_space<hbm>>) target(%arg13 : memref<128xi32, #tpu.memory_space<vmem>>) target_semaphore(%arg31 : memref<!tpu.dma_semaphore, #tpu.memory_space<semaphore_mem>>)
        } else {
        }
      } else {
      }
      %mul3A_112 = arith.constant 6 : i32
      %mul3A_113 = arith.muli %mul3A_112, %scan3A_98 : i32
      %add3A_114 = arith.constant 1 : i32
      %add3A_115 = arith.addi %mul3A_113, %add3A_114 : i32
      %lt3A_116 = arith.constant 79 : i32
      %lt3A_117 = arith.cmpi slt, %add3A_115, %lt3A_116 : i32
      %add3A_118 = arith.addi %mul3A_2, %add3A_115 : i32
      %lt3A_119 = arith.constant 2500 : i32
      %lt3A_120 = arith.cmpi slt, %add3A_118, %lt3A_119 : i32
      %and3A_121 = arith.andi %lt3A_117, %lt3A_120 : i1
      %convert_element_type3A_122 = arith.extui %and3A_121 : i1 to i32
      %cond3A_123 = arith.constant 0 : i32
      %cond3A_124 = arith.cmpi ne, %convert_element_type3A_122, %cond3A_123 : i32
      scf.if %cond3A_124 {
        %dma_wait3A = arith.constant 0 : i32
        %dma_wait3A_177 = arith.constant 0 : i32
        %dma_wait3A_178 = tpu.memref_slice %arg2[%dma_wait3A, %dma_wait3A_177] : memref<10000x128xf32, #tpu.memory_space<hbm>> -> memref<10000x128xf32, #tpu.memory_space<hbm>>
        tpu.wait_indirect_dma semaphore(%arg23 : memref<!tpu.dma_semaphore, #tpu.memory_space<semaphore_mem>>) src(%dma_wait3A_178 : memref<10000x128xf32, #tpu.memory_space<hbm>>) dst(%arg20 : memref<128x128xf32, #tpu.memory_space<vmem>>)
        "tpu.region"() ({
          %run_scoped3A = tpu.sem_alloc : memref<!tpu.dma_semaphore, #tpu.memory_space<semaphore_mem>>
          %dma_start3A_201 = arith.constant 0 : i32
          %dma_start3A_202 = arith.constant 0 : i32
          %dma_start3A_203 = tpu.memref_slice %arg37[%dma_start3A_201, %dma_start3A_202] : memref<10000x128xf32, #tpu.memory_space<vmem_shared>> -> memref<10000x128xf32, #tpu.memory_space<vmem_shared>>
          tpu.enqueue_indirect_dma source(%arg20 : memref<128x128xf32, #tpu.memory_space<vmem>>) target(%dma_start3A_203 : memref<10000x128xf32, #tpu.memory_space<vmem_shared>>) offsets(%arg14 : memref<128xi32, #tpu.memory_space<vmem>>) semaphore(%run_scoped3A : memref<!tpu.dma_semaphore, #tpu.memory_space<semaphore_mem>>) {add = true}
          %dma_wait3A_204 = arith.constant 0 : i32
          %dma_wait3A_205 = arith.constant 0 : i32
          %dma_wait3A_206 = tpu.memref_slice %arg37[%dma_wait3A_204, %dma_wait3A_205] : memref<10000x128xf32, #tpu.memory_space<vmem_shared>> -> memref<10000x128xf32, #tpu.memory_space<vmem_shared>>
          tpu.wait_indirect_dma semaphore(%run_scoped3A : memref<!tpu.dma_semaphore, #tpu.memory_space<semaphore_mem>>) src(%arg20 : memref<128x128xf32, #tpu.memory_space<vmem>>) dst(%dma_wait3A_206 : memref<10000x128xf32, #tpu.memory_space<vmem_shared>>)
          tpu.yield
        }) : () -> ()
        %add3A_179 = arith.constant 3 : i32
        %add3A_180 = arith.addi %add3A_115, %add3A_179 : i32
        %lt3A_181 = arith.constant 79 : i32
        %lt3A_182 = arith.cmpi slt, %add3A_180, %lt3A_181 : i32
        %add3A_183 = arith.addi %mul3A_2, %add3A_180 : i32
        %lt3A_184 = arith.constant 2500 : i32
        %lt3A_185 = arith.cmpi slt, %add3A_183, %lt3A_184 : i32
        %and3A_186 = arith.andi %lt3A_182, %lt3A_185 : i1
        %convert_element_type3A_187 = arith.extui %and3A_186 : i1 to i32
        %cond3A_188 = arith.constant 0 : i32
        %cond3A_189 = arith.cmpi ne, %convert_element_type3A_187, %cond3A_188 : i32
        scf.if %cond3A_189 {
          %add3A_201 = arith.constant 3 : i32
          %add3A_202 = arith.addi %add3A_115, %add3A_201 : i32
          %add3A_203 = arith.addi %mul3A_2, %add3A_202 : i32
          %mul3A_204 = arith.constant 128 : i32
          %mul3A_205 = arith.muli %add3A_203, %mul3A_204 : i32
          %dma_wait3A_206 = tpu.memref_slice %arg3[%mul3A_205] : memref<320000xi32, #tpu.memory_space<hbm>> -> memref<128xi32, #tpu.memory_space<hbm>>
          %dma_wait3A_207 = tpu.memref_slice %arg3[%mul3A_205] : memref<320000xi32, #tpu.memory_space<hbm>> -> memref<128xi32, #tpu.memory_space<hbm>>
          tpu.wait_dma2 semaphore(%arg29 : memref<!tpu.dma_semaphore, #tpu.memory_space<semaphore_mem>>) src(%dma_wait3A_207 : memref<128xi32, #tpu.memory_space<hbm>>) dst(%arg11 : memref<128xi32, #tpu.memory_space<vmem>>)
          %add3A_208 = arith.constant 3 : i32
          %add3A_209 = arith.addi %add3A_115, %add3A_208 : i32
          %add3A_210 = arith.addi %mul3A_2, %add3A_209 : i32
          %mul3A_211 = arith.constant 128 : i32
          %mul3A_212 = arith.muli %add3A_210, %mul3A_211 : i32
          %dma_wait3A_213 = tpu.memref_slice %arg4[%mul3A_212] : memref<320000xi32, #tpu.memory_space<hbm>> -> memref<128xi32, #tpu.memory_space<hbm>>
          %dma_wait3A_214 = tpu.memref_slice %arg4[%mul3A_212] : memref<320000xi32, #tpu.memory_space<hbm>> -> memref<128xi32, #tpu.memory_space<hbm>>
          tpu.wait_dma2 semaphore(%arg35 : memref<!tpu.dma_semaphore, #tpu.memory_space<semaphore_mem>>) src(%dma_wait3A_214 : memref<128xi32, #tpu.memory_space<hbm>>) dst(%arg17 : memref<128xi32, #tpu.memory_space<vmem>>)
          %dma_start3A_215 = arith.constant 0 : i32
          %dma_start3A_216 = arith.constant 0 : i32
          %dma_start3A_217 = tpu.memref_slice %arg2[%dma_start3A_215, %dma_start3A_216] : memref<10000x128xf32, #tpu.memory_space<hbm>> -> memref<10000x128xf32, #tpu.memory_space<hbm>>
          tpu.enqueue_indirect_dma source(%dma_start3A_217 : memref<10000x128xf32, #tpu.memory_space<hbm>>) target(%arg20 : memref<128x128xf32, #tpu.memory_space<vmem>>) offsets(%arg11 : memref<128xi32, #tpu.memory_space<vmem>>) semaphore(%arg23 : memref<!tpu.dma_semaphore, #tpu.memory_space<semaphore_mem>>)
        } else {
        }
        %add3A_190 = arith.constant 6 : i32
        %add3A_191 = arith.addi %add3A_115, %add3A_190 : i32
        %lt3A_192 = arith.constant 79 : i32
        %lt3A_193 = arith.cmpi slt, %add3A_191, %lt3A_192 : i32
        %add3A_194 = arith.addi %mul3A_2, %add3A_191 : i32
        %lt3A_195 = arith.constant 2500 : i32
        %lt3A_196 = arith.cmpi slt, %add3A_194, %lt3A_195 : i32
        %and3A_197 = arith.andi %lt3A_193, %lt3A_196 : i1
        %convert_element_type3A_198 = arith.extui %and3A_197 : i1 to i32
        %cond3A_199 = arith.constant 0 : i32
        %cond3A_200 = arith.cmpi ne, %convert_element_type3A_198, %cond3A_199 : i32
        scf.if %cond3A_200 {
          %add3A_201 = arith.constant 6 : i32
          %add3A_202 = arith.addi %add3A_115, %add3A_201 : i32
          %add3A_203 = arith.addi %mul3A_2, %add3A_202 : i32
          %mul3A_204 = arith.constant 128 : i32
          %mul3A_205 = arith.muli %add3A_203, %mul3A_204 : i32
          %dma_start3A_206 = tpu.memref_slice %arg3[%mul3A_205] : memref<320000xi32, #tpu.memory_space<hbm>> -> memref<128xi32, #tpu.memory_space<hbm>>
          %dma_start3A_207 = tpu.memref_slice %arg3[%mul3A_205] : memref<320000xi32, #tpu.memory_space<hbm>> -> memref<128xi32, #tpu.memory_space<hbm>>
          tpu.enqueue_dma source(%dma_start3A_207 : memref<128xi32, #tpu.memory_space<hbm>>) target(%arg8 : memref<128xi32, #tpu.memory_space<vmem>>) target_semaphore(%arg26 : memref<!tpu.dma_semaphore, #tpu.memory_space<semaphore_mem>>)
          %add3A_208 = arith.constant 6 : i32
          %add3A_209 = arith.addi %add3A_115, %add3A_208 : i32
          %add3A_210 = arith.addi %mul3A_2, %add3A_209 : i32
          %mul3A_211 = arith.constant 128 : i32
          %mul3A_212 = arith.muli %add3A_210, %mul3A_211 : i32
          %dma_start3A_213 = tpu.memref_slice %arg4[%mul3A_212] : memref<320000xi32, #tpu.memory_space<hbm>> -> memref<128xi32, #tpu.memory_space<hbm>>
          %dma_start3A_214 = tpu.memref_slice %arg4[%mul3A_212] : memref<320000xi32, #tpu.memory_space<hbm>> -> memref<128xi32, #tpu.memory_space<hbm>>
          tpu.enqueue_dma source(%dma_start3A_214 : memref<128xi32, #tpu.memory_space<hbm>>) target(%arg14 : memref<128xi32, #tpu.memory_space<vmem>>) target_semaphore(%arg32 : memref<!tpu.dma_semaphore, #tpu.memory_space<semaphore_mem>>)
        } else {
        }
      } else {
      }
      %mul3A_125 = arith.constant 6 : i32
      %mul3A_126 = arith.muli %mul3A_125, %scan3A_98 : i32
      %add3A_127 = arith.constant 2 : i32
      %add3A_128 = arith.addi %mul3A_126, %add3A_127 : i32
      %lt3A_129 = arith.constant 79 : i32
      %lt3A_130 = arith.cmpi slt, %add3A_128, %lt3A_129 : i32
      %add3A_131 = arith.addi %mul3A_2, %add3A_128 : i32
      %lt3A_132 = arith.constant 2500 : i32
      %lt3A_133 = arith.cmpi slt, %add3A_131, %lt3A_132 : i32
      %and3A_134 = arith.andi %lt3A_130, %lt3A_133 : i1
      %convert_element_type3A_135 = arith.extui %and3A_134 : i1 to i32
      %cond3A_136 = arith.constant 0 : i32
      %cond3A_137 = arith.cmpi ne, %convert_element_type3A_135, %cond3A_136 : i32
      scf.if %cond3A_137 {
        %dma_wait3A = arith.constant 0 : i32
        %dma_wait3A_177 = arith.constant 0 : i32
        %dma_wait3A_178 = tpu.memref_slice %arg2[%dma_wait3A, %dma_wait3A_177] : memref<10000x128xf32, #tpu.memory_space<hbm>> -> memref<10000x128xf32, #tpu.memory_space<hbm>>
        tpu.wait_indirect_dma semaphore(%arg24 : memref<!tpu.dma_semaphore, #tpu.memory_space<semaphore_mem>>) src(%dma_wait3A_178 : memref<10000x128xf32, #tpu.memory_space<hbm>>) dst(%arg21 : memref<128x128xf32, #tpu.memory_space<vmem>>)
        "tpu.region"() ({
          %run_scoped3A = tpu.sem_alloc : memref<!tpu.dma_semaphore, #tpu.memory_space<semaphore_mem>>
          %dma_start3A_201 = arith.constant 0 : i32
          %dma_start3A_202 = arith.constant 0 : i32
          %dma_start3A_203 = tpu.memref_slice %arg37[%dma_start3A_201, %dma_start3A_202] : memref<10000x128xf32, #tpu.memory_space<vmem_shared>> -> memref<10000x128xf32, #tpu.memory_space<vmem_shared>>
          tpu.enqueue_indirect_dma source(%arg21 : memref<128x128xf32, #tpu.memory_space<vmem>>) target(%dma_start3A_203 : memref<10000x128xf32, #tpu.memory_space<vmem_shared>>) offsets(%arg15 : memref<128xi32, #tpu.memory_space<vmem>>) semaphore(%run_scoped3A : memref<!tpu.dma_semaphore, #tpu.memory_space<semaphore_mem>>) {add = true}
          %dma_wait3A_204 = arith.constant 0 : i32
          %dma_wait3A_205 = arith.constant 0 : i32
          %dma_wait3A_206 = tpu.memref_slice %arg37[%dma_wait3A_204, %dma_wait3A_205] : memref<10000x128xf32, #tpu.memory_space<vmem_shared>> -> memref<10000x128xf32, #tpu.memory_space<vmem_shared>>
          tpu.wait_indirect_dma semaphore(%run_scoped3A : memref<!tpu.dma_semaphore, #tpu.memory_space<semaphore_mem>>) src(%arg21 : memref<128x128xf32, #tpu.memory_space<vmem>>) dst(%dma_wait3A_206 : memref<10000x128xf32, #tpu.memory_space<vmem_shared>>)
          tpu.yield
        }) : () -> ()
        %add3A_179 = arith.constant 3 : i32
        %add3A_180 = arith.addi %add3A_128, %add3A_179 : i32
        %lt3A_181 = arith.constant 79 : i32
        %lt3A_182 = arith.cmpi slt, %add3A_180, %lt3A_181 : i32
        %add3A_183 = arith.addi %mul3A_2, %add3A_180 : i32
        %lt3A_184 = arith.constant 2500 : i32
        %lt3A_185 = arith.cmpi slt, %add3A_183, %lt3A_184 : i32
        %and3A_186 = arith.andi %lt3A_182, %lt3A_185 : i1
        %convert_element_type3A_187 = arith.extui %and3A_186 : i1 to i32
        %cond3A_188 = arith.constant 0 : i32
        %cond3A_189 = arith.cmpi ne, %convert_element_type3A_187, %cond3A_188 : i32
        scf.if %cond3A_189 {
          %add3A_201 = arith.constant 3 : i32
          %add3A_202 = arith.addi %add3A_128, %add3A_201 : i32
          %add3A_203 = arith.addi %mul3A_2, %add3A_202 : i32
          %mul3A_204 = arith.constant 128 : i32
          %mul3A_205 = arith.muli %add3A_203, %mul3A_204 : i32
          %dma_wait3A_206 = tpu.memref_slice %arg3[%mul3A_205] : memref<320000xi32, #tpu.memory_space<hbm>> -> memref<128xi32, #tpu.memory_space<hbm>>
          %dma_wait3A_207 = tpu.memref_slice %arg3[%mul3A_205] : memref<320000xi32, #tpu.memory_space<hbm>> -> memref<128xi32, #tpu.memory_space<hbm>>
          tpu.wait_dma2 semaphore(%arg30 : memref<!tpu.dma_semaphore, #tpu.memory_space<semaphore_mem>>) src(%dma_wait3A_207 : memref<128xi32, #tpu.memory_space<hbm>>) dst(%arg12 : memref<128xi32, #tpu.memory_space<vmem>>)
          %add3A_208 = arith.constant 3 : i32
          %add3A_209 = arith.addi %add3A_128, %add3A_208 : i32
          %add3A_210 = arith.addi %mul3A_2, %add3A_209 : i32
          %mul3A_211 = arith.constant 128 : i32
          %mul3A_212 = arith.muli %add3A_210, %mul3A_211 : i32
          %dma_wait3A_213 = tpu.memref_slice %arg4[%mul3A_212] : memref<320000xi32, #tpu.memory_space<hbm>> -> memref<128xi32, #tpu.memory_space<hbm>>
          %dma_wait3A_214 = tpu.memref_slice %arg4[%mul3A_212] : memref<320000xi32, #tpu.memory_space<hbm>> -> memref<128xi32, #tpu.memory_space<hbm>>
          tpu.wait_dma2 semaphore(%arg36 : memref<!tpu.dma_semaphore, #tpu.memory_space<semaphore_mem>>) src(%dma_wait3A_214 : memref<128xi32, #tpu.memory_space<hbm>>) dst(%arg18 : memref<128xi32, #tpu.memory_space<vmem>>)
          %dma_start3A_215 = arith.constant 0 : i32
          %dma_start3A_216 = arith.constant 0 : i32
          %dma_start3A_217 = tpu.memref_slice %arg2[%dma_start3A_215, %dma_start3A_216] : memref<10000x128xf32, #tpu.memory_space<hbm>> -> memref<10000x128xf32, #tpu.memory_space<hbm>>
          tpu.enqueue_indirect_dma source(%dma_start3A_217 : memref<10000x128xf32, #tpu.memory_space<hbm>>) target(%arg21 : memref<128x128xf32, #tpu.memory_space<vmem>>) offsets(%arg12 : memref<128xi32, #tpu.memory_space<vmem>>) semaphore(%arg24 : memref<!tpu.dma_semaphore, #tpu.memory_space<semaphore_mem>>)
        } else {
        }
        %add3A_190 = arith.constant 6 : i32
        %add3A_191 = arith.addi %add3A_128, %add3A_190 : i32
        %lt3A_192 = arith.constant 79 : i32
        %lt3A_193 = arith.cmpi slt, %add3A_191, %lt3A_192 : i32
        %add3A_194 = arith.addi %mul3A_2, %add3A_191 : i32
        %lt3A_195 = arith.constant 2500 : i32
        %lt3A_196 = arith.cmpi slt, %add3A_194, %lt3A_195 : i32
        %and3A_197 = arith.andi %lt3A_193, %lt3A_196 : i1
        %convert_element_type3A_198 = arith.extui %and3A_197 : i1 to i32
        %cond3A_199 = arith.constant 0 : i32
        %cond3A_200 = arith.cmpi ne, %convert_element_type3A_198, %cond3A_199 : i32
        scf.if %cond3A_200 {
          %add3A_201 = arith.constant 6 : i32
          %add3A_202 = arith.addi %add3A_128, %add3A_201 : i32
          %add3A_203 = arith.addi %mul3A_2, %add3A_202 : i32
          %mul3A_204 = arith.constant 128 : i32
          %mul3A_205 = arith.muli %add3A_203, %mul3A_204 : i32
          %dma_start3A_206 = tpu.memref_slice %arg3[%mul3A_205] : memref<320000xi32, #tpu.memory_space<hbm>> -> memref<128xi32, #tpu.memory_space<hbm>>
          %dma_start3A_207 = tpu.memref_slice %arg3[%mul3A_205] : memref<320000xi32, #tpu.memory_space<hbm>> -> memref<128xi32, #tpu.memory_space<hbm>>
          tpu.enqueue_dma source(%dma_start3A_207 : memref<128xi32, #tpu.memory_space<hbm>>) target(%arg9 : memref<128xi32, #tpu.memory_space<vmem>>) target_semaphore(%arg27 : memref<!tpu.dma_semaphore, #tpu.memory_space<semaphore_mem>>)
          %add3A_208 = arith.constant 6 : i32
          %add3A_209 = arith.addi %add3A_128, %add3A_208 : i32
          %add3A_210 = arith.addi %mul3A_2, %add3A_209 : i32
          %mul3A_211 = arith.constant 128 : i32
          %mul3A_212 = arith.muli %add3A_210, %mul3A_211 : i32
          %dma_start3A_213 = tpu.memref_slice %arg4[%mul3A_212] : memref<320000xi32, #tpu.memory_space<hbm>> -> memref<128xi32, #tpu.memory_space<hbm>>
          %dma_start3A_214 = tpu.memref_slice %arg4[%mul3A_212] : memref<320000xi32, #tpu.memory_space<hbm>> -> memref<128xi32, #tpu.memory_space<hbm>>
          tpu.enqueue_dma source(%dma_start3A_214 : memref<128xi32, #tpu.memory_space<hbm>>) target(%arg15 : memref<128xi32, #tpu.memory_space<vmem>>) target_semaphore(%arg33 : memref<!tpu.dma_semaphore, #tpu.memory_space<semaphore_mem>>)
        } else {
        }
      } else {
      }
      %mul3A_138 = arith.constant 6 : i32
      %mul3A_139 = arith.muli %mul3A_138, %scan3A_98 : i32
      %add3A_140 = arith.constant 3 : i32
      %add3A_141 = arith.addi %mul3A_139, %add3A_140 : i32
      %lt3A_142 = arith.constant 79 : i32
      %lt3A_143 = arith.cmpi slt, %add3A_141, %lt3A_142 : i32
      %add3A_144 = arith.addi %mul3A_2, %add3A_141 : i32
      %lt3A_145 = arith.constant 2500 : i32
      %lt3A_146 = arith.cmpi slt, %add3A_144, %lt3A_145 : i32
      %and3A_147 = arith.andi %lt3A_143, %lt3A_146 : i1
      %convert_element_type3A_148 = arith.extui %and3A_147 : i1 to i32
      %cond3A_149 = arith.constant 0 : i32
      %cond3A_150 = arith.cmpi ne, %convert_element_type3A_148, %cond3A_149 : i32
      scf.if %cond3A_150 {
        %dma_wait3A = arith.constant 0 : i32
        %dma_wait3A_177 = arith.constant 0 : i32
        %dma_wait3A_178 = tpu.memref_slice %arg2[%dma_wait3A, %dma_wait3A_177] : memref<10000x128xf32, #tpu.memory_space<hbm>> -> memref<10000x128xf32, #tpu.memory_space<hbm>>
        tpu.wait_indirect_dma semaphore(%arg22 : memref<!tpu.dma_semaphore, #tpu.memory_space<semaphore_mem>>) src(%dma_wait3A_178 : memref<10000x128xf32, #tpu.memory_space<hbm>>) dst(%arg19 : memref<128x128xf32, #tpu.memory_space<vmem>>)
        "tpu.region"() ({
          %run_scoped3A = tpu.sem_alloc : memref<!tpu.dma_semaphore, #tpu.memory_space<semaphore_mem>>
          %dma_start3A_201 = arith.constant 0 : i32
          %dma_start3A_202 = arith.constant 0 : i32
          %dma_start3A_203 = tpu.memref_slice %arg37[%dma_start3A_201, %dma_start3A_202] : memref<10000x128xf32, #tpu.memory_space<vmem_shared>> -> memref<10000x128xf32, #tpu.memory_space<vmem_shared>>
          tpu.enqueue_indirect_dma source(%arg19 : memref<128x128xf32, #tpu.memory_space<vmem>>) target(%dma_start3A_203 : memref<10000x128xf32, #tpu.memory_space<vmem_shared>>) offsets(%arg16 : memref<128xi32, #tpu.memory_space<vmem>>) semaphore(%run_scoped3A : memref<!tpu.dma_semaphore, #tpu.memory_space<semaphore_mem>>) {add = true}
          %dma_wait3A_204 = arith.constant 0 : i32
          %dma_wait3A_205 = arith.constant 0 : i32
          %dma_wait3A_206 = tpu.memref_slice %arg37[%dma_wait3A_204, %dma_wait3A_205] : memref<10000x128xf32, #tpu.memory_space<vmem_shared>> -> memref<10000x128xf32, #tpu.memory_space<vmem_shared>>
          tpu.wait_indirect_dma semaphore(%run_scoped3A : memref<!tpu.dma_semaphore, #tpu.memory_space<semaphore_mem>>) src(%arg19 : memref<128x128xf32, #tpu.memory_space<vmem>>) dst(%dma_wait3A_206 : memref<10000x128xf32, #tpu.memory_space<vmem_shared>>)
          tpu.yield
        }) : () -> ()
        %add3A_179 = arith.constant 3 : i32
        %add3A_180 = arith.addi %add3A_141, %add3A_179 : i32
        %lt3A_181 = arith.constant 79 : i32
        %lt3A_182 = arith.cmpi slt, %add3A_180, %lt3A_181 : i32
        %add3A_183 = arith.addi %mul3A_2, %add3A_180 : i32
        %lt3A_184 = arith.constant 2500 : i32
        %lt3A_185 = arith.cmpi slt, %add3A_183, %lt3A_184 : i32
        %and3A_186 = arith.andi %lt3A_182, %lt3A_185 : i1
        %convert_element_type3A_187 = arith.extui %and3A_186 : i1 to i32
        %cond3A_188 = arith.constant 0 : i32
        %cond3A_189 = arith.cmpi ne, %convert_element_type3A_187, %cond3A_188 : i32
        scf.if %cond3A_189 {
          %add3A_201 = arith.constant 3 : i32
          %add3A_202 = arith.addi %add3A_141, %add3A_201 : i32
          %add3A_203 = arith.addi %mul3A_2, %add3A_202 : i32
          %mul3A_204 = arith.constant 128 : i32
          %mul3A_205 = arith.muli %add3A_203, %mul3A_204 : i32
          %dma_wait3A_206 = tpu.memref_slice %arg3[%mul3A_205] : memref<320000xi32, #tpu.memory_space<hbm>> -> memref<128xi32, #tpu.memory_space<hbm>>
          %dma_wait3A_207 = tpu.memref_slice %arg3[%mul3A_205] : memref<320000xi32, #tpu.memory_space<hbm>> -> memref<128xi32, #tpu.memory_space<hbm>>
          tpu.wait_dma2 semaphore(%arg25 : memref<!tpu.dma_semaphore, #tpu.memory_space<semaphore_mem>>) src(%dma_wait3A_207 : memref<128xi32, #tpu.memory_space<hbm>>) dst(%arg7 : memref<128xi32, #tpu.memory_space<vmem>>)
          %add3A_208 = arith.constant 3 : i32
          %add3A_209 = arith.addi %add3A_141, %add3A_208 : i32
          %add3A_210 = arith.addi %mul3A_2, %add3A_209 : i32
          %mul3A_211 = arith.constant 128 : i32
          %mul3A_212 = arith.muli %add3A_210, %mul3A_211 : i32
          %dma_wait3A_213 = tpu.memref_slice %arg4[%mul3A_212] : memref<320000xi32, #tpu.memory_space<hbm>> -> memref<128xi32, #tpu.memory_space<hbm>>
          %dma_wait3A_214 = tpu.memref_slice %arg4[%mul3A_212] : memref<320000xi32, #tpu.memory_space<hbm>> -> memref<128xi32, #tpu.memory_space<hbm>>
          tpu.wait_dma2 semaphore(%arg31 : memref<!tpu.dma_semaphore, #tpu.memory_space<semaphore_mem>>) src(%dma_wait3A_214 : memref<128xi32, #tpu.memory_space<hbm>>) dst(%arg13 : memref<128xi32, #tpu.memory_space<vmem>>)
          %dma_start3A_215 = arith.constant 0 : i32
          %dma_start3A_216 = arith.constant 0 : i32
          %dma_start3A_217 = tpu.memref_slice %arg2[%dma_start3A_215, %dma_start3A_216] : memref<10000x128xf32, #tpu.memory_space<hbm>> -> memref<10000x128xf32, #tpu.memory_space<hbm>>
          tpu.enqueue_indirect_dma source(%dma_start3A_217 : memref<10000x128xf32, #tpu.memory_space<hbm>>) target(%arg19 : memref<128x128xf32, #tpu.memory_space<vmem>>) offsets(%arg7 : memref<128xi32, #tpu.memory_space<vmem>>) semaphore(%arg22 : memref<!tpu.dma_semaphore, #tpu.memory_space<semaphore_mem>>)
        } else {
        }
        %add3A_190 = arith.constant 6 : i32
        %add3A_191 = arith.addi %add3A_141, %add3A_190 : i32
        %lt3A_192 = arith.constant 79 : i32
        %lt3A_193 = arith.cmpi slt, %add3A_191, %lt3A_192 : i32
        %add3A_194 = arith.addi %mul3A_2, %add3A_191 : i32
        %lt3A_195 = arith.constant 2500 : i32
        %lt3A_196 = arith.cmpi slt, %add3A_194, %lt3A_195 : i32
        %and3A_197 = arith.andi %lt3A_193, %lt3A_196 : i1
        %convert_element_type3A_198 = arith.extui %and3A_197 : i1 to i32
        %cond3A_199 = arith.constant 0 : i32
        %cond3A_200 = arith.cmpi ne, %convert_element_type3A_198, %cond3A_199 : i32
        scf.if %cond3A_200 {
          %add3A_201 = arith.constant 6 : i32
          %add3A_202 = arith.addi %add3A_141, %add3A_201 : i32
          %add3A_203 = arith.addi %mul3A_2, %add3A_202 : i32
          %mul3A_204 = arith.constant 128 : i32
          %mul3A_205 = arith.muli %add3A_203, %mul3A_204 : i32
          %dma_start3A_206 = tpu.memref_slice %arg3[%mul3A_205] : memref<320000xi32, #tpu.memory_space<hbm>> -> memref<128xi32, #tpu.memory_space<hbm>>
          %dma_start3A_207 = tpu.memref_slice %arg3[%mul3A_205] : memref<320000xi32, #tpu.memory_space<hbm>> -> memref<128xi32, #tpu.memory_space<hbm>>
          tpu.enqueue_dma source(%dma_start3A_207 : memref<128xi32, #tpu.memory_space<hbm>>) target(%arg10 : memref<128xi32, #tpu.memory_space<vmem>>) target_semaphore(%arg28 : memref<!tpu.dma_semaphore, #tpu.memory_space<semaphore_mem>>)
          %add3A_208 = arith.constant 6 : i32
          %add3A_209 = arith.addi %add3A_141, %add3A_208 : i32
          %add3A_210 = arith.addi %mul3A_2, %add3A_209 : i32
          %mul3A_211 = arith.constant 128 : i32
          %mul3A_212 = arith.muli %add3A_210, %mul3A_211 : i32
          %dma_start3A_213 = tpu.memref_slice %arg4[%mul3A_212] : memref<320000xi32, #tpu.memory_space<hbm>> -> memref<128xi32, #tpu.memory_space<hbm>>
          %dma_start3A_214 = tpu.memref_slice %arg4[%mul3A_212] : memref<320000xi32, #tpu.memory_space<hbm>> -> memref<128xi32, #tpu.memory_space<hbm>>
          tpu.enqueue_dma source(%dma_start3A_214 : memref<128xi32, #tpu.memory_space<hbm>>) target(%arg16 : memref<128xi32, #tpu.memory_space<vmem>>) target_semaphore(%arg34 : memref<!tpu.dma_semaphore, #tpu.memory_space<semaphore_mem>>)
        } else {
        }
      } else {
      }
      %mul3A_151 = arith.constant 6 : i32
      %mul3A_152 = arith.muli %mul3A_151, %scan3A_98 : i32
      %add3A_153 = arith.constant 4 : i32
      %add3A_154 = arith.addi %mul3A_152, %add3A_153 : i32
      %lt3A_155 = arith.constant 79 : i32
      %lt3A_156 = arith.cmpi slt, %add3A_154, %lt3A_155 : i32
      %add3A_157 = arith.addi %mul3A_2, %add3A_154 : i32
      %lt3A_158 = arith.constant 2500 : i32
      %lt3A_159 = arith.cmpi slt, %add3A_157, %lt3A_158 : i32
      %and3A_160 = arith.andi %lt3A_156, %lt3A_159 : i1
      %convert_element_type3A_161 = arith.extui %and3A_160 : i1 to i32
      %cond3A_162 = arith.constant 0 : i32
      %cond3A_163 = arith.cmpi ne, %convert_element_type3A_161, %cond3A_162 : i32
      scf.if %cond3A_163 {
        %dma_wait3A = arith.constant 0 : i32
        %dma_wait3A_177 = arith.constant 0 : i32
        %dma_wait3A_178 = tpu.memref_slice %arg2[%dma_wait3A, %dma_wait3A_177] : memref<10000x128xf32, #tpu.memory_space<hbm>> -> memref<10000x128xf32, #tpu.memory_space<hbm>>
        tpu.wait_indirect_dma semaphore(%arg23 : memref<!tpu.dma_semaphore, #tpu.memory_space<semaphore_mem>>) src(%dma_wait3A_178 : memref<10000x128xf32, #tpu.memory_space<hbm>>) dst(%arg20 : memref<128x128xf32, #tpu.memory_space<vmem>>)
        "tpu.region"() ({
          %run_scoped3A = tpu.sem_alloc : memref<!tpu.dma_semaphore, #tpu.memory_space<semaphore_mem>>
          %dma_start3A_201 = arith.constant 0 : i32
          %dma_start3A_202 = arith.constant 0 : i32
          %dma_start3A_203 = tpu.memref_slice %arg37[%dma_start3A_201, %dma_start3A_202] : memref<10000x128xf32, #tpu.memory_space<vmem_shared>> -> memref<10000x128xf32, #tpu.memory_space<vmem_shared>>
          tpu.enqueue_indirect_dma source(%arg20 : memref<128x128xf32, #tpu.memory_space<vmem>>) target(%dma_start3A_203 : memref<10000x128xf32, #tpu.memory_space<vmem_shared>>) offsets(%arg17 : memref<128xi32, #tpu.memory_space<vmem>>) semaphore(%run_scoped3A : memref<!tpu.dma_semaphore, #tpu.memory_space<semaphore_mem>>) {add = true}
          %dma_wait3A_204 = arith.constant 0 : i32
          %dma_wait3A_205 = arith.constant 0 : i32
          %dma_wait3A_206 = tpu.memref_slice %arg37[%dma_wait3A_204, %dma_wait3A_205] : memref<10000x128xf32, #tpu.memory_space<vmem_shared>> -> memref<10000x128xf32, #tpu.memory_space<vmem_shared>>
          tpu.wait_indirect_dma semaphore(%run_scoped3A : memref<!tpu.dma_semaphore, #tpu.memory_space<semaphore_mem>>) src(%arg20 : memref<128x128xf32, #tpu.memory_space<vmem>>) dst(%dma_wait3A_206 : memref<10000x128xf32, #tpu.memory_space<vmem_shared>>)
          tpu.yield
        }) : () -> ()
        %add3A_179 = arith.constant 3 : i32
        %add3A_180 = arith.addi %add3A_154, %add3A_179 : i32
        %lt3A_181 = arith.constant 79 : i32
        %lt3A_182 = arith.cmpi slt, %add3A_180, %lt3A_181 : i32
        %add3A_183 = arith.addi %mul3A_2, %add3A_180 : i32
        %lt3A_184 = arith.constant 2500 : i32
        %lt3A_185 = arith.cmpi slt, %add3A_183, %lt3A_184 : i32
        %and3A_186 = arith.andi %lt3A_182, %lt3A_185 : i1
        %convert_element_type3A_187 = arith.extui %and3A_186 : i1 to i32
        %cond3A_188 = arith.constant 0 : i32
        %cond3A_189 = arith.cmpi ne, %convert_element_type3A_187, %cond3A_188 : i32
        scf.if %cond3A_189 {
          %add3A_201 = arith.constant 3 : i32
          %add3A_202 = arith.addi %add3A_154, %add3A_201 : i32
          %add3A_203 = arith.addi %mul3A_2, %add3A_202 : i32
          %mul3A_204 = arith.constant 128 : i32
          %mul3A_205 = arith.muli %add3A_203, %mul3A_204 : i32
          %dma_wait3A_206 = tpu.memref_slice %arg3[%mul3A_205] : memref<320000xi32, #tpu.memory_space<hbm>> -> memref<128xi32, #tpu.memory_space<hbm>>
          %dma_wait3A_207 = tpu.memref_slice %arg3[%mul3A_205] : memref<320000xi32, #tpu.memory_space<hbm>> -> memref<128xi32, #tpu.memory_space<hbm>>
          tpu.wait_dma2 semaphore(%arg26 : memref<!tpu.dma_semaphore, #tpu.memory_space<semaphore_mem>>) src(%dma_wait3A_207 : memref<128xi32, #tpu.memory_space<hbm>>) dst(%arg8 : memref<128xi32, #tpu.memory_space<vmem>>)
          %add3A_208 = arith.constant 3 : i32
          %add3A_209 = arith.addi %add3A_154, %add3A_208 : i32
          %add3A_210 = arith.addi %mul3A_2, %add3A_209 : i32
          %mul3A_211 = arith.constant 128 : i32
          %mul3A_212 = arith.muli %add3A_210, %mul3A_211 : i32
          %dma_wait3A_213 = tpu.memref_slice %arg4[%mul3A_212] : memref<320000xi32, #tpu.memory_space<hbm>> -> memref<128xi32, #tpu.memory_space<hbm>>
          %dma_wait3A_214 = tpu.memref_slice %arg4[%mul3A_212] : memref<320000xi32, #tpu.memory_space<hbm>> -> memref<128xi32, #tpu.memory_space<hbm>>
          tpu.wait_dma2 semaphore(%arg32 : memref<!tpu.dma_semaphore, #tpu.memory_space<semaphore_mem>>) src(%dma_wait3A_214 : memref<128xi32, #tpu.memory_space<hbm>>) dst(%arg14 : memref<128xi32, #tpu.memory_space<vmem>>)
          %dma_start3A_215 = arith.constant 0 : i32
          %dma_start3A_216 = arith.constant 0 : i32
          %dma_start3A_217 = tpu.memref_slice %arg2[%dma_start3A_215, %dma_start3A_216] : memref<10000x128xf32, #tpu.memory_space<hbm>> -> memref<10000x128xf32, #tpu.memory_space<hbm>>
          tpu.enqueue_indirect_dma source(%dma_start3A_217 : memref<10000x128xf32, #tpu.memory_space<hbm>>) target(%arg20 : memref<128x128xf32, #tpu.memory_space<vmem>>) offsets(%arg8 : memref<128xi32, #tpu.memory_space<vmem>>) semaphore(%arg23 : memref<!tpu.dma_semaphore, #tpu.memory_space<semaphore_mem>>)
        } else {
        }
        %add3A_190 = arith.constant 6 : i32
        %add3A_191 = arith.addi %add3A_154, %add3A_190 : i32
        %lt3A_192 = arith.constant 79 : i32
        %lt3A_193 = arith.cmpi slt, %add3A_191, %lt3A_192 : i32
        %add3A_194 = arith.addi %mul3A_2, %add3A_191 : i32
        %lt3A_195 = arith.constant 2500 : i32
        %lt3A_196 = arith.cmpi slt, %add3A_194, %lt3A_195 : i32
        %and3A_197 = arith.andi %lt3A_193, %lt3A_196 : i1
        %convert_element_type3A_198 = arith.extui %and3A_197 : i1 to i32
        %cond3A_199 = arith.constant 0 : i32
        %cond3A_200 = arith.cmpi ne, %convert_element_type3A_198, %cond3A_199 : i32
        scf.if %cond3A_200 {
          %add3A_201 = arith.constant 6 : i32
          %add3A_202 = arith.addi %add3A_154, %add3A_201 : i32
          %add3A_203 = arith.addi %mul3A_2, %add3A_202 : i32
          %mul3A_204 = arith.constant 128 : i32
          %mul3A_205 = arith.muli %add3A_203, %mul3A_204 : i32
          %dma_start3A_206 = tpu.memref_slice %arg3[%mul3A_205] : memref<320000xi32, #tpu.memory_space<hbm>> -> memref<128xi32, #tpu.memory_space<hbm>>
          %dma_start3A_207 = tpu.memref_slice %arg3[%mul3A_205] : memref<320000xi32, #tpu.memory_space<hbm>> -> memref<128xi32, #tpu.memory_space<hbm>>
          tpu.enqueue_dma source(%dma_start3A_207 : memref<128xi32, #tpu.memory_space<hbm>>) target(%arg11 : memref<128xi32, #tpu.memory_space<vmem>>) target_semaphore(%arg29 : memref<!tpu.dma_semaphore, #tpu.memory_space<semaphore_mem>>)
          %add3A_208 = arith.constant 6 : i32
          %add3A_209 = arith.addi %add3A_154, %add3A_208 : i32
          %add3A_210 = arith.addi %mul3A_2, %add3A_209 : i32
          %mul3A_211 = arith.constant 128 : i32
          %mul3A_212 = arith.muli %add3A_210, %mul3A_211 : i32
          %dma_start3A_213 = tpu.memref_slice %arg4[%mul3A_212] : memref<320000xi32, #tpu.memory_space<hbm>> -> memref<128xi32, #tpu.memory_space<hbm>>
          %dma_start3A_214 = tpu.memref_slice %arg4[%mul3A_212] : memref<320000xi32, #tpu.memory_space<hbm>> -> memref<128xi32, #tpu.memory_space<hbm>>
          tpu.enqueue_dma source(%dma_start3A_214 : memref<128xi32, #tpu.memory_space<hbm>>) target(%arg17 : memref<128xi32, #tpu.memory_space<vmem>>) target_semaphore(%arg35 : memref<!tpu.dma_semaphore, #tpu.memory_space<semaphore_mem>>)
        } else {
        }
      } else {
      }
      %mul3A_164 = arith.constant 6 : i32
      %mul3A_165 = arith.muli %mul3A_164, %scan3A_98 : i32
      %add3A_166 = arith.constant 5 : i32
      %add3A_167 = arith.addi %mul3A_165, %add3A_166 : i32
      %lt3A_168 = arith.constant 79 : i32
      %lt3A_169 = arith.cmpi slt, %add3A_167, %lt3A_168 : i32
      %add3A_170 = arith.addi %mul3A_2, %add3A_167 : i32
      %lt3A_171 = arith.constant 2500 : i32
      %lt3A_172 = arith.cmpi slt, %add3A_170, %lt3A_171 : i32
      %and3A_173 = arith.andi %lt3A_169, %lt3A_172 : i1
      %convert_element_type3A_174 = arith.extui %and3A_173 : i1 to i32
      %cond3A_175 = arith.constant 0 : i32
      %cond3A_176 = arith.cmpi ne, %convert_element_type3A_174, %cond3A_175 : i32
      scf.if %cond3A_176 {
        %dma_wait3A = arith.constant 0 : i32
        %dma_wait3A_177 = arith.constant 0 : i32
        %dma_wait3A_178 = tpu.memref_slice %arg2[%dma_wait3A, %dma_wait3A_177] : memref<10000x128xf32, #tpu.memory_space<hbm>> -> memref<10000x128xf32, #tpu.memory_space<hbm>>
        tpu.wait_indirect_dma semaphore(%arg24 : memref<!tpu.dma_semaphore, #tpu.memory_space<semaphore_mem>>) src(%dma_wait3A_178 : memref<10000x128xf32, #tpu.memory_space<hbm>>) dst(%arg21 : memref<128x128xf32, #tpu.memory_space<vmem>>)
        "tpu.region"() ({
          %run_scoped3A = tpu.sem_alloc : memref<!tpu.dma_semaphore, #tpu.memory_space<semaphore_mem>>
          %dma_start3A_201 = arith.constant 0 : i32
          %dma_start3A_202 = arith.constant 0 : i32
          %dma_start3A_203 = tpu.memref_slice %arg37[%dma_start3A_201, %dma_start3A_202] : memref<10000x128xf32, #tpu.memory_space<vmem_shared>> -> memref<10000x128xf32, #tpu.memory_space<vmem_shared>>
          tpu.enqueue_indirect_dma source(%arg21 : memref<128x128xf32, #tpu.memory_space<vmem>>) target(%dma_start3A_203 : memref<10000x128xf32, #tpu.memory_space<vmem_shared>>) offsets(%arg18 : memref<128xi32, #tpu.memory_space<vmem>>) semaphore(%run_scoped3A : memref<!tpu.dma_semaphore, #tpu.memory_space<semaphore_mem>>) {add = true}
          %dma_wait3A_204 = arith.constant 0 : i32
          %dma_wait3A_205 = arith.constant 0 : i32
          %dma_wait3A_206 = tpu.memref_slice %arg37[%dma_wait3A_204, %dma_wait3A_205] : memref<10000x128xf32, #tpu.memory_space<vmem_shared>> -> memref<10000x128xf32, #tpu.memory_space<vmem_shared>>
          tpu.wait_indirect_dma semaphore(%run_scoped3A : memref<!tpu.dma_semaphore, #tpu.memory_space<semaphore_mem>>) src(%arg21 : memref<128x128xf32, #tpu.memory_space<vmem>>) dst(%dma_wait3A_206 : memref<10000x128xf32, #tpu.memory_space<vmem_shared>>)
          tpu.yield
        }) : () -> ()
        %add3A_179 = arith.constant 3 : i32
        %add3A_180 = arith.addi %add3A_167, %add3A_179 : i32
        %lt3A_181 = arith.constant 79 : i32
        %lt3A_182 = arith.cmpi slt, %add3A_180, %lt3A_181 : i32
        %add3A_183 = arith.addi %mul3A_2, %add3A_180 : i32
        %lt3A_184 = arith.constant 2500 : i32
        %lt3A_185 = arith.cmpi slt, %add3A_183, %lt3A_184 : i32
        %and3A_186 = arith.andi %lt3A_182, %lt3A_185 : i1
        %convert_element_type3A_187 = arith.extui %and3A_186 : i1 to i32
        %cond3A_188 = arith.constant 0 : i32
        %cond3A_189 = arith.cmpi ne, %convert_element_type3A_187, %cond3A_188 : i32
        scf.if %cond3A_189 {
          %add3A_201 = arith.constant 3 : i32
          %add3A_202 = arith.addi %add3A_167, %add3A_201 : i32
          %add3A_203 = arith.addi %mul3A_2, %add3A_202 : i32
          %mul3A_204 = arith.constant 128 : i32
          %mul3A_205 = arith.muli %add3A_203, %mul3A_204 : i32
          %dma_wait3A_206 = tpu.memref_slice %arg3[%mul3A_205] : memref<320000xi32, #tpu.memory_space<hbm>> -> memref<128xi32, #tpu.memory_space<hbm>>
          %dma_wait3A_207 = tpu.memref_slice %arg3[%mul3A_205] : memref<320000xi32, #tpu.memory_space<hbm>> -> memref<128xi32, #tpu.memory_space<hbm>>
          tpu.wait_dma2 semaphore(%arg27 : memref<!tpu.dma_semaphore, #tpu.memory_space<semaphore_mem>>) src(%dma_wait3A_207 : memref<128xi32, #tpu.memory_space<hbm>>) dst(%arg9 : memref<128xi32, #tpu.memory_space<vmem>>)
          %add3A_208 = arith.constant 3 : i32
          %add3A_209 = arith.addi %add3A_167, %add3A_208 : i32
          %add3A_210 = arith.addi %mul3A_2, %add3A_209 : i32
          %mul3A_211 = arith.constant 128 : i32
          %mul3A_212 = arith.muli %add3A_210, %mul3A_211 : i32
          %dma_wait3A_213 = tpu.memref_slice %arg4[%mul3A_212] : memref<320000xi32, #tpu.memory_space<hbm>> -> memref<128xi32, #tpu.memory_space<hbm>>
          %dma_wait3A_214 = tpu.memref_slice %arg4[%mul3A_212] : memref<320000xi32, #tpu.memory_space<hbm>> -> memref<128xi32, #tpu.memory_space<hbm>>
          tpu.wait_dma2 semaphore(%arg33 : memref<!tpu.dma_semaphore, #tpu.memory_space<semaphore_mem>>) src(%dma_wait3A_214 : memref<128xi32, #tpu.memory_space<hbm>>) dst(%arg15 : memref<128xi32, #tpu.memory_space<vmem>>)
          %dma_start3A_215 = arith.constant 0 : i32
          %dma_start3A_216 = arith.constant 0 : i32
          %dma_start3A_217 = tpu.memref_slice %arg2[%dma_start3A_215, %dma_start3A_216] : memref<10000x128xf32, #tpu.memory_space<hbm>> -> memref<10000x128xf32, #tpu.memory_space<hbm>>
          tpu.enqueue_indirect_dma source(%dma_start3A_217 : memref<10000x128xf32, #tpu.memory_space<hbm>>) target(%arg21 : memref<128x128xf32, #tpu.memory_space<vmem>>) offsets(%arg9 : memref<128xi32, #tpu.memory_space<vmem>>) semaphore(%arg24 : memref<!tpu.dma_semaphore, #tpu.memory_space<semaphore_mem>>)
        } else {
        }
        %add3A_190 = arith.constant 6 : i32
        %add3A_191 = arith.addi %add3A_167, %add3A_190 : i32
        %lt3A_192 = arith.constant 79 : i32
        %lt3A_193 = arith.cmpi slt, %add3A_191, %lt3A_192 : i32
        %add3A_194 = arith.addi %mul3A_2, %add3A_191 : i32
        %lt3A_195 = arith.constant 2500 : i32
        %lt3A_196 = arith.cmpi slt, %add3A_194, %lt3A_195 : i32
        %and3A_197 = arith.andi %lt3A_193, %lt3A_196 : i1
        %convert_element_type3A_198 = arith.extui %and3A_197 : i1 to i32
        %cond3A_199 = arith.constant 0 : i32
        %cond3A_200 = arith.cmpi ne, %convert_element_type3A_198, %cond3A_199 : i32
        scf.if %cond3A_200 {
          %add3A_201 = arith.constant 6 : i32
          %add3A_202 = arith.addi %add3A_167, %add3A_201 : i32
          %add3A_203 = arith.addi %mul3A_2, %add3A_202 : i32
          %mul3A_204 = arith.constant 128 : i32
          %mul3A_205 = arith.muli %add3A_203, %mul3A_204 : i32
          %dma_start3A_206 = tpu.memref_slice %arg3[%mul3A_205] : memref<320000xi32, #tpu.memory_space<hbm>> -> memref<128xi32, #tpu.memory_space<hbm>>
          %dma_start3A_207 = tpu.memref_slice %arg3[%mul3A_205] : memref<320000xi32, #tpu.memory_space<hbm>> -> memref<128xi32, #tpu.memory_space<hbm>>
          tpu.enqueue_dma source(%dma_start3A_207 : memref<128xi32, #tpu.memory_space<hbm>>) target(%arg12 : memref<128xi32, #tpu.memory_space<vmem>>) target_semaphore(%arg30 : memref<!tpu.dma_semaphore, #tpu.memory_space<semaphore_mem>>)
          %add3A_208 = arith.constant 6 : i32
          %add3A_209 = arith.addi %add3A_167, %add3A_208 : i32
          %add3A_210 = arith.addi %mul3A_2, %add3A_209 : i32
          %mul3A_211 = arith.constant 128 : i32
          %mul3A_212 = arith.muli %add3A_210, %mul3A_211 : i32
          %dma_start3A_213 = tpu.memref_slice %arg4[%mul3A_212] : memref<320000xi32, #tpu.memory_space<hbm>> -> memref<128xi32, #tpu.memory_space<hbm>>
          %dma_start3A_214 = tpu.memref_slice %arg4[%mul3A_212] : memref<320000xi32, #tpu.memory_space<hbm>> -> memref<128xi32, #tpu.memory_space<hbm>>
          tpu.enqueue_dma source(%dma_start3A_214 : memref<128xi32, #tpu.memory_space<hbm>>) target(%arg18 : memref<128xi32, #tpu.memory_space<vmem>>) target_semaphore(%arg36 : memref<!tpu.dma_semaphore, #tpu.memory_space<semaphore_mem>>)
        } else {
        }
      } else {
      }
    }
    %scan3A_87 = arith.constant 14 : i32
    %barrier3A_88 = arith.constant 0 : index
    tpu.barrier barrier_id(%barrier3A_88)
    %lt3A = arith.constant 15 : i32
    %lt3A_89 = arith.cmpi slt, %arg1, %lt3A : i32
    %convert_element_type3A_90 = arith.extui %lt3A_89 : i1 to i32
    %cond3A_91 = arith.constant 0 : i32
    %cond3A_92 = arith.cmpi ne, %convert_element_type3A_90, %cond3A_91 : i32
    scf.if %cond3A_92 {
      %mul3A_98 = arith.constant 632 : i32
      %mul3A_99 = arith.muli %arg1, %mul3A_98 : i32
      %mul3A_100 = arith.constant 632 : i32
      %mul3A_101 = arith.muli %arg1, %mul3A_100 : i32
      "tpu.region"() ({
        %run_scoped3A = tpu.sem_alloc : memref<!tpu.dma_semaphore, #tpu.memory_space<semaphore_mem>>
        %dma_start3A_102 = arith.constant 0 : i32
        %dma_start3A_103 = tpu.memref_slice %arg6[%arg0, %mul3A_101, %dma_start3A_102] : memref<2x10000x128xf32, #tpu.memory_space<hbm>> -> memref<1x632x128xf32, #tpu.memory_space<hbm>>
        %dma_start3A_104 = tpu.memref_squeeze %dma_start3A_103 : memref<1x632x128xf32, #tpu.memory_space<hbm>> -> memref<632x128xf32, #tpu.memory_space<hbm>>
        %dma_start3A_105 = arith.constant 0 : i32
        %dma_start3A_106 = tpu.memref_slice %arg37[%mul3A_99, %dma_start3A_105] : memref<10000x128xf32, #tpu.memory_space<vmem_shared>> -> memref<632x128xf32, #tpu.memory_space<vmem_shared>>
        tpu.enqueue_dma source(%dma_start3A_106 : memref<632x128xf32, #tpu.memory_space<vmem_shared>>) target(%dma_start3A_104 : memref<632x128xf32, #tpu.memory_space<hbm>>) target_semaphore(%run_scoped3A : memref<!tpu.dma_semaphore, #tpu.memory_space<semaphore_mem>>)
        %dma_wait3A = arith.constant 0 : i32
        %dma_wait3A_107 = tpu.memref_slice %arg6[%arg0, %mul3A_101, %dma_wait3A] : memref<2x10000x128xf32, #tpu.memory_space<hbm>> -> memref<1x632x128xf32, #tpu.memory_space<hbm>>
        %dma_wait3A_108 = tpu.memref_squeeze %dma_wait3A_107 : memref<1x632x128xf32, #tpu.memory_space<hbm>> -> memref<632x128xf32, #tpu.memory_space<hbm>>
        %dma_wait3A_109 = arith.constant 0 : i32
        %dma_wait3A_110 = tpu.memref_slice %arg37[%mul3A_99, %dma_wait3A_109] : memref<10000x128xf32, #tpu.memory_space<vmem_shared>> -> memref<632x128xf32, #tpu.memory_space<vmem_shared>>
        tpu.wait_dma2 semaphore(%run_scoped3A : memref<!tpu.dma_semaphore, #tpu.memory_space<semaphore_mem>>) src(%dma_wait3A_110 : memref<632x128xf32, #tpu.memory_space<vmem_shared>>) dst(%dma_wait3A_108 : memref<632x128xf32, #tpu.memory_space<hbm>>)
        tpu.yield
      }) : () -> ()
    } else {
    }
    %eq3A_93 = arith.constant 15 : i32
    %eq3A_94 = arith.cmpi eq, %arg1, %eq3A_93 : i32
    %convert_element_type3A_95 = arith.extui %eq3A_94 : i1 to i32
    %cond3A_96 = arith.constant 0 : i32
    %cond3A_97 = arith.cmpi ne, %convert_element_type3A_95, %cond3A_96 : i32
    scf.if %cond3A_97 {
      "tpu.region"() ({
        %run_scoped3A = tpu.sem_alloc : memref<!tpu.dma_semaphore, #tpu.memory_space<semaphore_mem>>
        %dma_start3A_98 = arith.constant 9480 : i32
        %dma_start3A_99 = arith.constant 0 : i32
        %dma_start3A_100 = tpu.memref_slice %arg6[%arg0, %dma_start3A_98, %dma_start3A_99] : memref<2x10000x128xf32, #tpu.memory_space<hbm>> -> memref<1x520x128xf32, #tpu.memory_space<hbm>>
        %dma_start3A_101 = tpu.memref_squeeze %dma_start3A_100 : memref<1x520x128xf32, #tpu.memory_space<hbm>> -> memref<520x128xf32, #tpu.memory_space<hbm>>
        %dma_start3A_102 = arith.constant 9480 : i32
        %dma_start3A_103 = arith.constant 0 : i32
        %dma_start3A_104 = tpu.memref_slice %arg37[%dma_start3A_102, %dma_start3A_103] : memref<10000x128xf32, #tpu.memory_space<vmem_shared>> -> memref<520x128xf32, #tpu.memory_space<vmem_shared>>
        tpu.enqueue_dma source(%dma_start3A_104 : memref<520x128xf32, #tpu.memory_space<vmem_shared>>) target(%dma_start3A_101 : memref<520x128xf32, #tpu.memory_space<hbm>>) target_semaphore(%run_scoped3A : memref<!tpu.dma_semaphore, #tpu.memory_space<semaphore_mem>>)
        %dma_wait3A = arith.constant 9480 : i32
        %dma_wait3A_105 = arith.constant 0 : i32
        %dma_wait3A_106 = tpu.memref_slice %arg6[%arg0, %dma_wait3A, %dma_wait3A_105] : memref<2x10000x128xf32, #tpu.memory_space<hbm>> -> memref<1x520x128xf32, #tpu.memory_space<hbm>>
        %dma_wait3A_107 = tpu.memref_squeeze %dma_wait3A_106 : memref<1x520x128xf32, #tpu.memory_space<hbm>> -> memref<520x128xf32, #tpu.memory_space<hbm>>
        %dma_wait3A_108 = arith.constant 9480 : i32
        %dma_wait3A_109 = arith.constant 0 : i32
        %dma_wait3A_110 = tpu.memref_slice %arg37[%dma_wait3A_108, %dma_wait3A_109] : memref<10000x128xf32, #tpu.memory_space<vmem_shared>> -> memref<520x128xf32, #tpu.memory_space<vmem_shared>>
        tpu.wait_dma2 semaphore(%run_scoped3A : memref<!tpu.dma_semaphore, #tpu.memory_space<semaphore_mem>>) src(%dma_wait3A_110 : memref<520x128xf32, #tpu.memory_space<vmem_shared>>) dst(%dma_wait3A_107 : memref<520x128xf32, #tpu.memory_space<hbm>>)
        tpu.yield
      }) : () -> ()
    } else {
    }
    return
  }
}

#map = affine_map<(d0, d1) -> (0)>
#map1 = affine_map<(d0, d1) -> (0, 0, 0)>
module attributes {stable_mosaic.version = 14 : i64} {
  func.func @_deg_body(%arg0: i32, %arg1: i32, %arg2: memref<320000xi32, #tpu.memory_space<hbm>>, %arg3: memref<128xf32, #tpu.memory_space<hbm>>, %arg4: memref<20224xf32, #tpu.memory_space<hbm>>, %arg5: memref<2x1x10112xf32, #tpu.memory_space<hbm>>, %arg6: memref<128xi32, #tpu.memory_space<vmem>>, %arg7: memref<128xi32, #tpu.memory_space<vmem>>, %arg8: memref<128xf32, #tpu.memory_space<vmem>>, %arg9: memref<!tpu.dma_semaphore, #tpu.memory_space<semaphore_mem>>, %arg10: memref<!tpu.dma_semaphore, #tpu.memory_space<semaphore_mem>>, %arg11: memref<10112xf32, #tpu.memory_space<vmem_shared>>) attributes {dimension_semantics = [#tpu.dimension_semantics<core_parallel>, #tpu.dimension_semantics<subcore_parallel>], iteration_bounds = array<i64: 2, 16>, scalar_prefetch = 0 : i64, scratch_operands = 6 : i64, tpu.core_type = #tpu.core_type<sc_vector_subcore>, window_params = [{transform_indices = #map}, {transform_indices = #map}, {transform_indices = #map}, {transform_indices = #map1}]} {
    %mul3A = arith.constant 16 : i32
    %mul3A_0 = arith.muli %arg0, %mul3A : i32
    %add3A = arith.addi %mul3A_0, %arg1 : i32
    %mul3A_1 = arith.constant 79 : i32
    %mul3A_2 = arith.muli %add3A, %mul3A_1 : i32
    %eq3A = arith.constant 0 : i32
    %eq3A_3 = arith.cmpi eq, %arg1, %eq3A : i32
    %convert_element_type3A = arith.extui %eq3A_3 : i1 to i32
    %cond3A = arith.constant 0 : i32
    %cond3A_4 = arith.cmpi ne, %convert_element_type3A, %cond3A : i32
    scf.if %cond3A_4 {
      %mul3A_27 = arith.constant 10112 : i32
      %mul3A_28 = arith.muli %arg0, %mul3A_27 : i32
      "tpu.region"() ({
        %run_scoped3A = tpu.sem_alloc : memref<!tpu.dma_semaphore, #tpu.memory_space<semaphore_mem>>
        %dma_start3A_29 = tpu.memref_slice %arg4[%mul3A_28] : memref<20224xf32, #tpu.memory_space<hbm>> -> memref<10112xf32, #tpu.memory_space<hbm>>
        tpu.enqueue_dma source(%dma_start3A_29 : memref<10112xf32, #tpu.memory_space<hbm>>) target(%arg11 : memref<10112xf32, #tpu.memory_space<vmem_shared>>) target_semaphore(%run_scoped3A : memref<!tpu.dma_semaphore, #tpu.memory_space<semaphore_mem>>)
        %dma_wait3A = tpu.memref_slice %arg4[%mul3A_28] : memref<20224xf32, #tpu.memory_space<hbm>> -> memref<10112xf32, #tpu.memory_space<hbm>>
        tpu.wait_dma2 semaphore(%run_scoped3A : memref<!tpu.dma_semaphore, #tpu.memory_space<semaphore_mem>>) src(%dma_wait3A : memref<10112xf32, #tpu.memory_space<hbm>>) dst(%arg11 : memref<10112xf32, #tpu.memory_space<vmem_shared>>)
        tpu.yield
      }) : () -> ()
    } else {
    }
    "tpu.region"() ({
      %run_scoped3A = tpu.sem_alloc : memref<!tpu.dma_semaphore, #tpu.memory_space<semaphore_mem>>
      tpu.enqueue_dma source(%arg3 : memref<128xf32, #tpu.memory_space<hbm>>) target(%arg8 : memref<128xf32, #tpu.memory_space<vmem>>) target_semaphore(%run_scoped3A : memref<!tpu.dma_semaphore, #tpu.memory_space<semaphore_mem>>)
      tpu.wait_dma2 semaphore(%run_scoped3A : memref<!tpu.dma_semaphore, #tpu.memory_space<semaphore_mem>>) src(%arg3 : memref<128xf32, #tpu.memory_space<hbm>>) dst(%arg8 : memref<128xf32, #tpu.memory_space<vmem>>)
      tpu.yield
    }) : () -> ()
    %barrier3A = arith.constant 0 : index
    tpu.barrier barrier_id(%barrier3A)
    %add3A_5 = arith.constant 0 : i32
    %add3A_6 = arith.addi %mul3A_2, %add3A_5 : i32
    %mul3A_7 = arith.constant 128 : i32
    %mul3A_8 = arith.muli %add3A_6, %mul3A_7 : i32
    %dma_start3A = tpu.memref_slice %arg2[%mul3A_8] : memref<320000xi32, #tpu.memory_space<hbm>> -> memref<128xi32, #tpu.memory_space<hbm>>
    %dma_start3A_9 = tpu.memref_slice %arg2[%mul3A_8] : memref<320000xi32, #tpu.memory_space<hbm>> -> memref<128xi32, #tpu.memory_space<hbm>>
    tpu.enqueue_dma source(%dma_start3A_9 : memref<128xi32, #tpu.memory_space<hbm>>) target(%arg6 : memref<128xi32, #tpu.memory_space<vmem>>) target_semaphore(%arg9 : memref<!tpu.dma_semaphore, #tpu.memory_space<semaphore_mem>>)
    %add3A_10 = arith.constant 1 : i32
    %add3A_11 = arith.addi %mul3A_2, %add3A_10 : i32
    %mul3A_12 = arith.constant 128 : i32
    %mul3A_13 = arith.muli %add3A_11, %mul3A_12 : i32
    %dma_start3A_14 = tpu.memref_slice %arg2[%mul3A_13] : memref<320000xi32, #tpu.memory_space<hbm>> -> memref<128xi32, #tpu.memory_space<hbm>>
    %dma_start3A_15 = tpu.memref_slice %arg2[%mul3A_13] : memref<320000xi32, #tpu.memory_space<hbm>> -> memref<128xi32, #tpu.memory_space<hbm>>
    tpu.enqueue_dma source(%dma_start3A_15 : memref<128xi32, #tpu.memory_space<hbm>>) target(%arg7 : memref<128xi32, #tpu.memory_space<vmem>>) target_semaphore(%arg10 : memref<!tpu.dma_semaphore, #tpu.memory_space<semaphore_mem>>)
    %scan3A = arith.constant 0 : i32
    %scan3A_16 = arith.constant 0 : i32
    %scan3A_17 = arith.constant 40 : i32
    %scan3A_18 = arith.addi %scan3A_16, %scan3A_17 : i32
    %scan3A_19 = arith.constant 1 : i32
    scf.for %scan3A_27 = %scan3A_16 to %scan3A_18 step %scan3A_19  : i32 {
      %mul3A_28 = arith.constant 2 : i32
      %mul3A_29 = arith.muli %mul3A_28, %scan3A_27 : i32
      %add3A_30 = arith.constant 0 : i32
      %add3A_31 = arith.addi %mul3A_29, %add3A_30 : i32
      %lt3A = arith.constant 79 : i32
      %lt3A_32 = arith.cmpi slt, %add3A_31, %lt3A : i32
      %add3A_33 = arith.addi %mul3A_2, %add3A_31 : i32
      %lt3A_34 = arith.constant 2500 : i32
      %lt3A_35 = arith.cmpi slt, %add3A_33, %lt3A_34 : i32
      %and3A = arith.andi %lt3A_32, %lt3A_35 : i1
      %convert_element_type3A_36 = arith.extui %and3A : i1 to i32
      %cond3A_37 = arith.constant 0 : i32
      %cond3A_38 = arith.cmpi ne, %convert_element_type3A_36, %cond3A_37 : i32
      scf.if %cond3A_38 {
        %add3A_52 = arith.addi %mul3A_2, %add3A_31 : i32
        %mul3A_53 = arith.constant 128 : i32
        %mul3A_54 = arith.muli %add3A_52, %mul3A_53 : i32
        %dma_wait3A = tpu.memref_slice %arg2[%mul3A_54] : memref<320000xi32, #tpu.memory_space<hbm>> -> memref<128xi32, #tpu.memory_space<hbm>>
        %dma_wait3A_55 = tpu.memref_slice %arg2[%mul3A_54] : memref<320000xi32, #tpu.memory_space<hbm>> -> memref<128xi32, #tpu.memory_space<hbm>>
        tpu.wait_dma2 semaphore(%arg9 : memref<!tpu.dma_semaphore, #tpu.memory_space<semaphore_mem>>) src(%dma_wait3A_55 : memref<128xi32, #tpu.memory_space<hbm>>) dst(%arg6 : memref<128xi32, #tpu.memory_space<vmem>>)
        "tpu.region"() ({
          %run_scoped3A = tpu.sem_alloc : memref<!tpu.dma_semaphore, #tpu.memory_space<semaphore_mem>>
          %dma_start3A_69 = arith.constant 0 : i32
          %dma_start3A_70 = tpu.memref_slice %arg11[%dma_start3A_69] : memref<10112xf32, #tpu.memory_space<vmem_shared>> -> memref<10112xf32, #tpu.memory_space<vmem_shared>>
          tpu.enqueue_indirect_dma source(%arg8 : memref<128xf32, #tpu.memory_space<vmem>>) target(%dma_start3A_70 : memref<10112xf32, #tpu.memory_space<vmem_shared>>) offsets(%arg6 : memref<128xi32, #tpu.memory_space<vmem>>) semaphore(%run_scoped3A : memref<!tpu.dma_semaphore, #tpu.memory_space<semaphore_mem>>) {add = true}
          %dma_wait3A_71 = arith.constant 0 : i32
          %dma_wait3A_72 = tpu.memref_slice %arg11[%dma_wait3A_71] : memref<10112xf32, #tpu.memory_space<vmem_shared>> -> memref<10112xf32, #tpu.memory_space<vmem_shared>>
          tpu.wait_indirect_dma semaphore(%run_scoped3A : memref<!tpu.dma_semaphore, #tpu.memory_space<semaphore_mem>>) src(%arg8 : memref<128xf32, #tpu.memory_space<vmem>>) dst(%dma_wait3A_72 : memref<10112xf32, #tpu.memory_space<vmem_shared>>)
          tpu.yield
        }) : () -> ()
        %add3A_56 = arith.constant 2 : i32
        %add3A_57 = arith.addi %add3A_31, %add3A_56 : i32
        %lt3A_58 = arith.constant 79 : i32
        %lt3A_59 = arith.cmpi slt, %add3A_57, %lt3A_58 : i32
        %add3A_60 = arith.addi %mul3A_2, %add3A_31 : i32
        %add3A_61 = arith.constant 2 : i32
        %add3A_62 = arith.addi %add3A_60, %add3A_61 : i32
        %lt3A_63 = arith.constant 2500 : i32
        %lt3A_64 = arith.cmpi slt, %add3A_62, %lt3A_63 : i32
        %and3A_65 = arith.andi %lt3A_59, %lt3A_64 : i1
        %convert_element_type3A_66 = arith.extui %and3A_65 : i1 to i32
        %cond3A_67 = arith.constant 0 : i32
        %cond3A_68 = arith.cmpi ne, %convert_element_type3A_66, %cond3A_67 : i32
        scf.if %cond3A_68 {
          %add3A_69 = arith.constant 2 : i32
          %add3A_70 = arith.addi %add3A_31, %add3A_69 : i32
          %add3A_71 = arith.addi %mul3A_2, %add3A_70 : i32
          %mul3A_72 = arith.constant 128 : i32
          %mul3A_73 = arith.muli %add3A_71, %mul3A_72 : i32
          %dma_start3A_74 = tpu.memref_slice %arg2[%mul3A_73] : memref<320000xi32, #tpu.memory_space<hbm>> -> memref<128xi32, #tpu.memory_space<hbm>>
          %dma_start3A_75 = tpu.memref_slice %arg2[%mul3A_73] : memref<320000xi32, #tpu.memory_space<hbm>> -> memref<128xi32, #tpu.memory_space<hbm>>
          tpu.enqueue_dma source(%dma_start3A_75 : memref<128xi32, #tpu.memory_space<hbm>>) target(%arg6 : memref<128xi32, #tpu.memory_space<vmem>>) target_semaphore(%arg9 : memref<!tpu.dma_semaphore, #tpu.memory_space<semaphore_mem>>)
        } else {
        }
      } else {
      }
      %mul3A_39 = arith.constant 2 : i32
      %mul3A_40 = arith.muli %mul3A_39, %scan3A_27 : i32
      %add3A_41 = arith.constant 1 : i32
      %add3A_42 = arith.addi %mul3A_40, %add3A_41 : i32
      %lt3A_43 = arith.constant 79 : i32
      %lt3A_44 = arith.cmpi slt, %add3A_42, %lt3A_43 : i32
      %add3A_45 = arith.addi %mul3A_2, %add3A_42 : i32
      %lt3A_46 = arith.constant 2500 : i32
      %lt3A_47 = arith.cmpi slt, %add3A_45, %lt3A_46 : i32
      %and3A_48 = arith.andi %lt3A_44, %lt3A_47 : i1
      %convert_element_type3A_49 = arith.extui %and3A_48 : i1 to i32
      %cond3A_50 = arith.constant 0 : i32
      %cond3A_51 = arith.cmpi ne, %convert_element_type3A_49, %cond3A_50 : i32
      scf.if %cond3A_51 {
        %add3A_52 = arith.addi %mul3A_2, %add3A_42 : i32
        %mul3A_53 = arith.constant 128 : i32
        %mul3A_54 = arith.muli %add3A_52, %mul3A_53 : i32
        %dma_wait3A = tpu.memref_slice %arg2[%mul3A_54] : memref<320000xi32, #tpu.memory_space<hbm>> -> memref<128xi32, #tpu.memory_space<hbm>>
        %dma_wait3A_55 = tpu.memref_slice %arg2[%mul3A_54] : memref<320000xi32, #tpu.memory_space<hbm>> -> memref<128xi32, #tpu.memory_space<hbm>>
        tpu.wait_dma2 semaphore(%arg10 : memref<!tpu.dma_semaphore, #tpu.memory_space<semaphore_mem>>) src(%dma_wait3A_55 : memref<128xi32, #tpu.memory_space<hbm>>) dst(%arg7 : memref<128xi32, #tpu.memory_space<vmem>>)
        "tpu.region"() ({
          %run_scoped3A = tpu.sem_alloc : memref<!tpu.dma_semaphore, #tpu.memory_space<semaphore_mem>>
          %dma_start3A_69 = arith.constant 0 : i32
          %dma_start3A_70 = tpu.memref_slice %arg11[%dma_start3A_69] : memref<10112xf32, #tpu.memory_space<vmem_shared>> -> memref<10112xf32, #tpu.memory_space<vmem_shared>>
          tpu.enqueue_indirect_dma source(%arg8 : memref<128xf32, #tpu.memory_space<vmem>>) target(%dma_start3A_70 : memref<10112xf32, #tpu.memory_space<vmem_shared>>) offsets(%arg7 : memref<128xi32, #tpu.memory_space<vmem>>) semaphore(%run_scoped3A : memref<!tpu.dma_semaphore, #tpu.memory_space<semaphore_mem>>) {add = true}
          %dma_wait3A_71 = arith.constant 0 : i32
          %dma_wait3A_72 = tpu.memref_slice %arg11[%dma_wait3A_71] : memref<10112xf32, #tpu.memory_space<vmem_shared>> -> memref<10112xf32, #tpu.memory_space<vmem_shared>>
          tpu.wait_indirect_dma semaphore(%run_scoped3A : memref<!tpu.dma_semaphore, #tpu.memory_space<semaphore_mem>>) src(%arg8 : memref<128xf32, #tpu.memory_space<vmem>>) dst(%dma_wait3A_72 : memref<10112xf32, #tpu.memory_space<vmem_shared>>)
          tpu.yield
        }) : () -> ()
        %add3A_56 = arith.constant 2 : i32
        %add3A_57 = arith.addi %add3A_42, %add3A_56 : i32
        %lt3A_58 = arith.constant 79 : i32
        %lt3A_59 = arith.cmpi slt, %add3A_57, %lt3A_58 : i32
        %add3A_60 = arith.addi %mul3A_2, %add3A_42 : i32
        %add3A_61 = arith.constant 2 : i32
        %add3A_62 = arith.addi %add3A_60, %add3A_61 : i32
        %lt3A_63 = arith.constant 2500 : i32
        %lt3A_64 = arith.cmpi slt, %add3A_62, %lt3A_63 : i32
        %and3A_65 = arith.andi %lt3A_59, %lt3A_64 : i1
        %convert_element_type3A_66 = arith.extui %and3A_65 : i1 to i32
        %cond3A_67 = arith.constant 0 : i32
        %cond3A_68 = arith.cmpi ne, %convert_element_type3A_66, %cond3A_67 : i32
        scf.if %cond3A_68 {
          %add3A_69 = arith.constant 2 : i32
          %add3A_70 = arith.addi %add3A_42, %add3A_69 : i32
          %add3A_71 = arith.addi %mul3A_2, %add3A_70 : i32
          %mul3A_72 = arith.constant 128 : i32
          %mul3A_73 = arith.muli %add3A_71, %mul3A_72 : i32
          %dma_start3A_74 = tpu.memref_slice %arg2[%mul3A_73] : memref<320000xi32, #tpu.memory_space<hbm>> -> memref<128xi32, #tpu.memory_space<hbm>>
          %dma_start3A_75 = tpu.memref_slice %arg2[%mul3A_73] : memref<320000xi32, #tpu.memory_space<hbm>> -> memref<128xi32, #tpu.memory_space<hbm>>
          tpu.enqueue_dma source(%dma_start3A_75 : memref<128xi32, #tpu.memory_space<hbm>>) target(%arg7 : memref<128xi32, #tpu.memory_space<vmem>>) target_semaphore(%arg10 : memref<!tpu.dma_semaphore, #tpu.memory_space<semaphore_mem>>)
        } else {
        }
      } else {
      }
    }
    %scan3A_20 = arith.constant 40 : i32
    %barrier3A_21 = arith.constant 0 : index
    tpu.barrier barrier_id(%barrier3A_21)
    %eq3A_22 = arith.constant 0 : i32
    %eq3A_23 = arith.cmpi eq, %arg1, %eq3A_22 : i32
    %convert_element_type3A_24 = arith.extui %eq3A_23 : i1 to i32
    %cond3A_25 = arith.constant 0 : i32
    %cond3A_26 = arith.cmpi ne, %convert_element_type3A_24, %cond3A_25 : i32
    scf.if %cond3A_26 {
      %run_scoped3A = arith.constant 0 : i32
      "tpu.region"() ({
        %run_scoped3A_27 = tpu.sem_alloc : memref<!tpu.dma_semaphore, #tpu.memory_space<semaphore_mem>>
        %dma_start3A_28 = arith.constant 0 : i32
        %dma_start3A_29 = tpu.memref_slice %arg5[%arg0, %run_scoped3A, %dma_start3A_28] : memref<2x1x10112xf32, #tpu.memory_space<hbm>> -> memref<1x1x10112xf32, #tpu.memory_space<hbm>>
        %dma_start3A_30 = tpu.memref_squeeze %dma_start3A_29 : memref<1x1x10112xf32, #tpu.memory_space<hbm>> -> memref<10112xf32, #tpu.memory_space<hbm>>
        tpu.enqueue_dma source(%arg11 : memref<10112xf32, #tpu.memory_space<vmem_shared>>) target(%dma_start3A_30 : memref<10112xf32, #tpu.memory_space<hbm>>) target_semaphore(%run_scoped3A_27 : memref<!tpu.dma_semaphore, #tpu.memory_space<semaphore_mem>>)
        %dma_wait3A = arith.constant 0 : i32
        %dma_wait3A_31 = tpu.memref_slice %arg5[%arg0, %run_scoped3A, %dma_wait3A] : memref<2x1x10112xf32, #tpu.memory_space<hbm>> -> memref<1x1x10112xf32, #tpu.memory_space<hbm>>
        %dma_wait3A_32 = tpu.memref_squeeze %dma_wait3A_31 : memref<1x1x10112xf32, #tpu.memory_space<hbm>> -> memref<10112xf32, #tpu.memory_space<hbm>>
        tpu.wait_dma2 semaphore(%run_scoped3A_27 : memref<!tpu.dma_semaphore, #tpu.memory_space<semaphore_mem>>) src(%arg11 : memref<10112xf32, #tpu.memory_space<vmem_shared>>) dst(%dma_wait3A_32 : memref<10112xf32, #tpu.memory_space<hbm>>)
        tpu.yield
      }) : () -> ()
    } else {
    }
    return
  }
}

#map = affine_map<(d0, d1) -> (0, 0)>
#map1 = affine_map<(d0, d1) -> (0)>
#map2 = affine_map<(d0, d1) -> (0, 0, 0)>
module attributes {stable_mosaic.version = 14 : i64} {
  func.func @_agg_body(%arg0: i32, %arg1: i32, %arg2: memref<10000x128xf32, #tpu.memory_space<hbm>>, %arg3: memref<320000xi32, #tpu.memory_space<hbm>>, %arg4: memref<320000xi32, #tpu.memory_space<hbm>>, %arg5: memref<10000x128xf32, #tpu.memory_space<hbm>>, %arg6: memref<2x10000x128xf32, #tpu.memory_space<hbm>>, %arg7: memref<128xi32, #tpu.memory_space<vmem>>, %arg8: memref<128xi32, #tpu.memory_space<vmem>>, %arg9: memref<128xi32, #tpu.memory_space<vmem>>, %arg10: memref<128xi32, #tpu.memory_space<vmem>>, %arg11: memref<128xi32, #tpu.memory_space<vmem>>, %arg12: memref<128xi32, #tpu.memory_space<vmem>>, %arg13: memref<128xi32, #tpu.memory_space<vmem>>, %arg14: memref<128xi32, #tpu.memory_space<vmem>>, %arg15: memref<128xi32, #tpu.memory_space<vmem>>, %arg16: memref<128xi32, #tpu.memory_space<vmem>>, %arg17: memref<128xi32, #tpu.memory_space<vmem>>, %arg18: memref<128xi32, #tpu.memory_space<vmem>>, %arg19: memref<128x128xf32, #tpu.memory_space<vmem>>, %arg20: memref<128x128xf32, #tpu.memory_space<vmem>>, %arg21: memref<128x128xf32, #tpu.memory_space<vmem>>, %arg22: memref<!tpu.dma_semaphore, #tpu.memory_space<semaphore_mem>>, %arg23: memref<!tpu.dma_semaphore, #tpu.memory_space<semaphore_mem>>, %arg24: memref<!tpu.dma_semaphore, #tpu.memory_space<semaphore_mem>>, %arg25: memref<!tpu.dma_semaphore, #tpu.memory_space<semaphore_mem>>, %arg26: memref<!tpu.dma_semaphore, #tpu.memory_space<semaphore_mem>>, %arg27: memref<!tpu.dma_semaphore, #tpu.memory_space<semaphore_mem>>, %arg28: memref<!tpu.dma_semaphore, #tpu.memory_space<semaphore_mem>>, %arg29: memref<!tpu.dma_semaphore, #tpu.memory_space<semaphore_mem>>, %arg30: memref<!tpu.dma_semaphore, #tpu.memory_space<semaphore_mem>>, %arg31: memref<!tpu.dma_semaphore, #tpu.memory_space<semaphore_mem>>, %arg32: memref<!tpu.dma_semaphore, #tpu.memory_space<semaphore_mem>>, %arg33: memref<!tpu.dma_semaphore, #tpu.memory_space<semaphore_mem>>, %arg34: memref<!tpu.dma_semaphore, #tpu.memory_space<semaphore_mem>>, %arg35: memref<!tpu.dma_semaphore, #tpu.memory_space<semaphore_mem>>, %arg36: memref<!tpu.dma_semaphore, #tpu.memory_space<semaphore_mem>>, %arg37: memref<10000x128xf32, #tpu.memory_space<vmem_shared>>) attributes {dimension_semantics = [#tpu.dimension_semantics<core_parallel>, #tpu.dimension_semantics<subcore_parallel>], iteration_bounds = array<i64: 2, 16>, scalar_prefetch = 0 : i64, scratch_operands = 31 : i64, tpu.core_type = #tpu.core_type<sc_vector_subcore>, window_params = [{transform_indices = #map}, {transform_indices = #map1}, {transform_indices = #map1}, {transform_indices = #map}, {transform_indices = #map2}]} {
    %mul3A = arith.constant 16 : i32
    %mul3A_0 = arith.muli %arg0, %mul3A : i32
    %add3A = arith.addi %mul3A_0, %arg1 : i32
    %mul3A_1 = arith.constant 79 : i32
    %mul3A_2 = arith.muli %add3A, %mul3A_1 : i32
    %eq3A = arith.constant 0 : i32
    %eq3A_3 = arith.cmpi eq, %arg1, %eq3A : i32
    %eq3A_4 = arith.constant 0 : i32
    %eq3A_5 = arith.cmpi eq, %arg0, %eq3A_4 : i32
    %and3A = arith.andi %eq3A_3, %eq3A_5 : i1
    %convert_element_type3A = arith.extui %and3A : i1 to i32
    %cond3A = arith.constant 0 : i32
    %cond3A_6 = arith.cmpi ne, %convert_element_type3A, %cond3A : i32
    scf.if %cond3A_6 {
      "tpu.region"() ({
        %run_scoped3A = tpu.sem_alloc : memref<!tpu.dma_semaphore, #tpu.memory_space<semaphore_mem>>
        tpu.enqueue_dma source(%arg2 : memref<10000x128xf32, #tpu.memory_space<hbm>>) target(%arg37 : memref<10000x128xf32, #tpu.memory_space<vmem_shared>>) target_semaphore(%run_scoped3A : memref<!tpu.dma_semaphore, #tpu.memory_space<semaphore_mem>>)
        tpu.wait_dma2 semaphore(%run_scoped3A : memref<!tpu.dma_semaphore, #tpu.memory_space<semaphore_mem>>) src(%arg2 : memref<10000x128xf32, #tpu.memory_space<hbm>>) dst(%arg37 : memref<10000x128xf32, #tpu.memory_space<vmem_shared>>)
        tpu.yield
      }) : () -> ()
    } else {
    }
    %eq3A_7 = arith.constant 0 : i32
    %eq3A_8 = arith.cmpi eq, %arg1, %eq3A_7 : i32
    %eq3A_9 = arith.constant 1 : i32
    %eq3A_10 = arith.cmpi eq, %arg0, %eq3A_9 : i32
    %and3A_11 = arith.andi %eq3A_8, %eq3A_10 : i1
    %convert_element_type3A_12 = arith.extui %and3A_11 : i1 to i32
    %cond3A_13 = arith.constant 0 : i32
    %cond3A_14 = arith.cmpi ne, %convert_element_type3A_12, %cond3A_13 : i32
    scf.if %cond3A_14 {
      "tpu.region"() ({
        %run_scoped3A = tpu.sem_alloc : memref<!tpu.dma_semaphore, #tpu.memory_space<semaphore_mem>>
        tpu.enqueue_dma source(%arg5 : memref<10000x128xf32, #tpu.memory_space<hbm>>) target(%arg37 : memref<10000x128xf32, #tpu.memory_space<vmem_shared>>) target_semaphore(%run_scoped3A : memref<!tpu.dma_semaphore, #tpu.memory_space<semaphore_mem>>)
        tpu.wait_dma2 semaphore(%run_scoped3A : memref<!tpu.dma_semaphore, #tpu.memory_space<semaphore_mem>>) src(%arg5 : memref<10000x128xf32, #tpu.memory_space<hbm>>) dst(%arg37 : memref<10000x128xf32, #tpu.memory_space<vmem_shared>>)
        tpu.yield
      }) : () -> ()
    } else {
    }
    %barrier3A = arith.constant 0 : index
    tpu.barrier barrier_id(%barrier3A)
    %add3A_15 = arith.constant 0 : i32
    %add3A_16 = arith.addi %mul3A_2, %add3A_15 : i32
    %mul3A_17 = arith.constant 128 : i32
    %mul3A_18 = arith.muli %add3A_16, %mul3A_17 : i32
    "tpu.region"() ({
      %run_scoped3A = tpu.sem_alloc : memref<!tpu.dma_semaphore, #tpu.memory_space<semaphore_mem>>
      %dma_start3A_98 = tpu.memref_slice %arg3[%mul3A_18] : memref<320000xi32, #tpu.memory_space<hbm>> -> memref<128xi32, #tpu.memory_space<hbm>>
      %dma_start3A_99 = tpu.memref_slice %arg3[%mul3A_18] : memref<320000xi32, #tpu.memory_space<hbm>> -> memref<128xi32, #tpu.memory_space<hbm>>
      tpu.enqueue_dma source(%dma_start3A_99 : memref<128xi32, #tpu.memory_space<hbm>>) target(%arg7 : memref<128xi32, #tpu.memory_space<vmem>>) target_semaphore(%run_scoped3A : memref<!tpu.dma_semaphore, #tpu.memory_space<semaphore_mem>>)
      %dma_wait3A = tpu.memref_slice %arg3[%mul3A_18] : memref<320000xi32, #tpu.memory_space<hbm>> -> memref<128xi32, #tpu.memory_space<hbm>>
      %dma_wait3A_100 = tpu.memref_slice %arg3[%mul3A_18] : memref<320000xi32, #tpu.memory_space<hbm>> -> memref<128xi32, #tpu.memory_space<hbm>>
      tpu.wait_dma2 semaphore(%run_scoped3A : memref<!tpu.dma_semaphore, #tpu.memory_space<semaphore_mem>>) src(%dma_wait3A_100 : memref<128xi32, #tpu.memory_space<hbm>>) dst(%arg7 : memref<128xi32, #tpu.memory_space<vmem>>)
      tpu.yield
    }) : () -> ()
    %add3A_19 = arith.constant 0 : i32
    %add3A_20 = arith.addi %mul3A_2, %add3A_19 : i32
    %mul3A_21 = arith.constant 128 : i32
    %mul3A_22 = arith.muli %add3A_20, %mul3A_21 : i32
    "tpu.region"() ({
      %run_scoped3A = tpu.sem_alloc : memref<!tpu.dma_semaphore, #tpu.memory_space<semaphore_mem>>
      %dma_start3A_98 = tpu.memref_slice %arg4[%mul3A_22] : memref<320000xi32, #tpu.memory_space<hbm>> -> memref<128xi32, #tpu.memory_space<hbm>>
      %dma_start3A_99 = tpu.memref_slice %arg4[%mul3A_22] : memref<320000xi32, #tpu.memory_space<hbm>> -> memref<128xi32, #tpu.memory_space<hbm>>
      tpu.enqueue_dma source(%dma_start3A_99 : memref<128xi32, #tpu.memory_space<hbm>>) target(%arg13 : memref<128xi32, #tpu.memory_space<vmem>>) target_semaphore(%run_scoped3A : memref<!tpu.dma_semaphore, #tpu.memory_space<semaphore_mem>>)
      %dma_wait3A = tpu.memref_slice %arg4[%mul3A_22] : memref<320000xi32, #tpu.memory_space<hbm>> -> memref<128xi32, #tpu.memory_space<hbm>>
      %dma_wait3A_100 = tpu.memref_slice %arg4[%mul3A_22] : memref<320000xi32, #tpu.memory_space<hbm>> -> memref<128xi32, #tpu.memory_space<hbm>>
      tpu.wait_dma2 semaphore(%run_scoped3A : memref<!tpu.dma_semaphore, #tpu.memory_space<semaphore_mem>>) src(%dma_wait3A_100 : memref<128xi32, #tpu.memory_space<hbm>>) dst(%arg13 : memref<128xi32, #tpu.memory_space<vmem>>)
      tpu.yield
    }) : () -> ()
    %dma_start3A = arith.constant 0 : i32
    %dma_start3A_23 = arith.constant 0 : i32
    %dma_start3A_24 = tpu.memref_slice %arg2[%dma_start3A, %dma_start3A_23] : memref<10000x128xf32, #tpu.memory_space<hbm>> -> memref<10000x128xf32, #tpu.memory_space<hbm>>
    tpu.enqueue_indirect_dma source(%dma_start3A_24 : memref<10000x128xf32, #tpu.memory_space<hbm>>) target(%arg19 : memref<128x128xf32, #tpu.memory_space<vmem>>) offsets(%arg7 : memref<128xi32, #tpu.memory_space<vmem>>) semaphore(%arg22 : memref<!tpu.dma_semaphore, #tpu.memory_space<semaphore_mem>>)
    %add3A_25 = arith.constant 1 : i32
    %add3A_26 = arith.addi %mul3A_2, %add3A_25 : i32
    %mul3A_27 = arith.constant 128 : i32
    %mul3A_28 = arith.muli %add3A_26, %mul3A_27 : i32
    "tpu.region"() ({
      %run_scoped3A = tpu.sem_alloc : memref<!tpu.dma_semaphore, #tpu.memory_space<semaphore_mem>>
      %dma_start3A_98 = tpu.memref_slice %arg3[%mul3A_28] : memref<320000xi32, #tpu.memory_space<hbm>> -> memref<128xi32, #tpu.memory_space<hbm>>
      %dma_start3A_99 = tpu.memref_slice %arg3[%mul3A_28] : memref<320000xi32, #tpu.memory_space<hbm>> -> memref<128xi32, #tpu.memory_space<hbm>>
      tpu.enqueue_dma source(%dma_start3A_99 : memref<128xi32, #tpu.memory_space<hbm>>) target(%arg8 : memref<128xi32, #tpu.memory_space<vmem>>) target_semaphore(%run_scoped3A : memref<!tpu.dma_semaphore, #tpu.memory_space<semaphore_mem>>)
      %dma_wait3A = tpu.memref_slice %arg3[%mul3A_28] : memref<320000xi32, #tpu.memory_space<hbm>> -> memref<128xi32, #tpu.memory_space<hbm>>
      %dma_wait3A_100 = tpu.memref_slice %arg3[%mul3A_28] : memref<320000xi32, #tpu.memory_space<hbm>> -> memref<128xi32, #tpu.memory_space<hbm>>
      tpu.wait_dma2 semaphore(%run_scoped3A : memref<!tpu.dma_semaphore, #tpu.memory_space<semaphore_mem>>) src(%dma_wait3A_100 : memref<128xi32, #tpu.memory_space<hbm>>) dst(%arg8 : memref<128xi32, #tpu.memory_space<vmem>>)
      tpu.yield
    }) : () -> ()
    %add3A_29 = arith.constant 1 : i32
    %add3A_30 = arith.addi %mul3A_2, %add3A_29 : i32
    %mul3A_31 = arith.constant 128 : i32
    %mul3A_32 = arith.muli %add3A_30, %mul3A_31 : i32
    "tpu.region"() ({
      %run_scoped3A = tpu.sem_alloc : memref<!tpu.dma_semaphore, #tpu.memory_space<semaphore_mem>>
      %dma_start3A_98 = tpu.memref_slice %arg4[%mul3A_32] : memref<320000xi32, #tpu.memory_space<hbm>> -> memref<128xi32, #tpu.memory_space<hbm>>
      %dma_start3A_99 = tpu.memref_slice %arg4[%mul3A_32] : memref<320000xi32, #tpu.memory_space<hbm>> -> memref<128xi32, #tpu.memory_space<hbm>>
      tpu.enqueue_dma source(%dma_start3A_99 : memref<128xi32, #tpu.memory_space<hbm>>) target(%arg14 : memref<128xi32, #tpu.memory_space<vmem>>) target_semaphore(%run_scoped3A : memref<!tpu.dma_semaphore, #tpu.memory_space<semaphore_mem>>)
      %dma_wait3A = tpu.memref_slice %arg4[%mul3A_32] : memref<320000xi32, #tpu.memory_space<hbm>> -> memref<128xi32, #tpu.memory_space<hbm>>
      %dma_wait3A_100 = tpu.memref_slice %arg4[%mul3A_32] : memref<320000xi32, #tpu.memory_space<hbm>> -> memref<128xi32, #tpu.memory_space<hbm>>
      tpu.wait_dma2 semaphore(%run_scoped3A : memref<!tpu.dma_semaphore, #tpu.memory_space<semaphore_mem>>) src(%dma_wait3A_100 : memref<128xi32, #tpu.memory_space<hbm>>) dst(%arg14 : memref<128xi32, #tpu.memory_space<vmem>>)
      tpu.yield
    }) : () -> ()
    %dma_start3A_33 = arith.constant 0 : i32
    %dma_start3A_34 = arith.constant 0 : i32
    %dma_start3A_35 = tpu.memref_slice %arg2[%dma_start3A_33, %dma_start3A_34] : memref<10000x128xf32, #tpu.memory_space<hbm>> -> memref<10000x128xf32, #tpu.memory_space<hbm>>
    tpu.enqueue_indirect_dma source(%dma_start3A_35 : memref<10000x128xf32, #tpu.memory_space<hbm>>) target(%arg20 : memref<128x128xf32, #tpu.memory_space<vmem>>) offsets(%arg8 : memref<128xi32, #tpu.memory_space<vmem>>) semaphore(%arg23 : memref<!tpu.dma_semaphore, #tpu.memory_space<semaphore_mem>>)
    %add3A_36 = arith.constant 2 : i32
    %add3A_37 = arith.addi %mul3A_2, %add3A_36 : i32
    %mul3A_38 = arith.constant 128 : i32
    %mul3A_39 = arith.muli %add3A_37, %mul3A_38 : i32
    "tpu.region"() ({
      %run_scoped3A = tpu.sem_alloc : memref<!tpu.dma_semaphore, #tpu.memory_space<semaphore_mem>>
      %dma_start3A_98 = tpu.memref_slice %arg3[%mul3A_39] : memref<320000xi32, #tpu.memory_space<hbm>> -> memref<128xi32, #tpu.memory_space<hbm>>
      %dma_start3A_99 = tpu.memref_slice %arg3[%mul3A_39] : memref<320000xi32, #tpu.memory_space<hbm>> -> memref<128xi32, #tpu.memory_space<hbm>>
      tpu.enqueue_dma source(%dma_start3A_99 : memref<128xi32, #tpu.memory_space<hbm>>) target(%arg9 : memref<128xi32, #tpu.memory_space<vmem>>) target_semaphore(%run_scoped3A : memref<!tpu.dma_semaphore, #tpu.memory_space<semaphore_mem>>)
      %dma_wait3A = tpu.memref_slice %arg3[%mul3A_39] : memref<320000xi32, #tpu.memory_space<hbm>> -> memref<128xi32, #tpu.memory_space<hbm>>
      %dma_wait3A_100 = tpu.memref_slice %arg3[%mul3A_39] : memref<320000xi32, #tpu.memory_space<hbm>> -> memref<128xi32, #tpu.memory_space<hbm>>
      tpu.wait_dma2 semaphore(%run_scoped3A : memref<!tpu.dma_semaphore, #tpu.memory_space<semaphore_mem>>) src(%dma_wait3A_100 : memref<128xi32, #tpu.memory_space<hbm>>) dst(%arg9 : memref<128xi32, #tpu.memory_space<vmem>>)
      tpu.yield
    }) : () -> ()
    %add3A_40 = arith.constant 2 : i32
    %add3A_41 = arith.addi %mul3A_2, %add3A_40 : i32
    %mul3A_42 = arith.constant 128 : i32
    %mul3A_43 = arith.muli %add3A_41, %mul3A_42 : i32
    "tpu.region"() ({
      %run_scoped3A = tpu.sem_alloc : memref<!tpu.dma_semaphore, #tpu.memory_space<semaphore_mem>>
      %dma_start3A_98 = tpu.memref_slice %arg4[%mul3A_43] : memref<320000xi32, #tpu.memory_space<hbm>> -> memref<128xi32, #tpu.memory_space<hbm>>
      %dma_start3A_99 = tpu.memref_slice %arg4[%mul3A_43] : memref<320000xi32, #tpu.memory_space<hbm>> -> memref<128xi32, #tpu.memory_space<hbm>>
      tpu.enqueue_dma source(%dma_start3A_99 : memref<128xi32, #tpu.memory_space<hbm>>) target(%arg15 : memref<128xi32, #tpu.memory_space<vmem>>) target_semaphore(%run_scoped3A : memref<!tpu.dma_semaphore, #tpu.memory_space<semaphore_mem>>)
      %dma_wait3A = tpu.memref_slice %arg4[%mul3A_43] : memref<320000xi32, #tpu.memory_space<hbm>> -> memref<128xi32, #tpu.memory_space<hbm>>
      %dma_wait3A_100 = tpu.memref_slice %arg4[%mul3A_43] : memref<320000xi32, #tpu.memory_space<hbm>> -> memref<128xi32, #tpu.memory_space<hbm>>
      tpu.wait_dma2 semaphore(%run_scoped3A : memref<!tpu.dma_semaphore, #tpu.memory_space<semaphore_mem>>) src(%dma_wait3A_100 : memref<128xi32, #tpu.memory_space<hbm>>) dst(%arg15 : memref<128xi32, #tpu.memory_space<vmem>>)
      tpu.yield
    }) : () -> ()
    %dma_start3A_44 = arith.constant 0 : i32
    %dma_start3A_45 = arith.constant 0 : i32
    %dma_start3A_46 = tpu.memref_slice %arg2[%dma_start3A_44, %dma_start3A_45] : memref<10000x128xf32, #tpu.memory_space<hbm>> -> memref<10000x128xf32, #tpu.memory_space<hbm>>
    tpu.enqueue_indirect_dma source(%dma_start3A_46 : memref<10000x128xf32, #tpu.memory_space<hbm>>) target(%arg21 : memref<128x128xf32, #tpu.memory_space<vmem>>) offsets(%arg9 : memref<128xi32, #tpu.memory_space<vmem>>) semaphore(%arg24 : memref<!tpu.dma_semaphore, #tpu.memory_space<semaphore_mem>>)
    %add3A_47 = arith.constant 3 : i32
    %add3A_48 = arith.addi %mul3A_2, %add3A_47 : i32
    %mul3A_49 = arith.constant 128 : i32
    %mul3A_50 = arith.muli %add3A_48, %mul3A_49 : i32
    %dma_start3A_51 = tpu.memref_slice %arg3[%mul3A_50] : memref<320000xi32, #tpu.memory_space<hbm>> -> memref<128xi32, #tpu.memory_space<hbm>>
    %dma_start3A_52 = tpu.memref_slice %arg3[%mul3A_50] : memref<320000xi32, #tpu.memory_space<hbm>> -> memref<128xi32, #tpu.memory_space<hbm>>
    tpu.enqueue_dma source(%dma_start3A_52 : memref<128xi32, #tpu.memory_space<hbm>>) target(%arg10 : memref<128xi32, #tpu.memory_space<vmem>>) target_semaphore(%arg28 : memref<!tpu.dma_semaphore, #tpu.memory_space<semaphore_mem>>)
    %add3A_53 = arith.constant 3 : i32
    %add3A_54 = arith.addi %mul3A_2, %add3A_53 : i32
    %mul3A_55 = arith.constant 128 : i32
    %mul3A_56 = arith.muli %add3A_54, %mul3A_55 : i32
    %dma_start3A_57 = tpu.memref_slice %arg4[%mul3A_56] : memref<320000xi32, #tpu.memory_space<hbm>> -> memref<128xi32, #tpu.memory_space<hbm>>
    %dma_start3A_58 = tpu.memref_slice %arg4[%mul3A_56] : memref<320000xi32, #tpu.memory_space<hbm>> -> memref<128xi32, #tpu.memory_space<hbm>>
    tpu.enqueue_dma source(%dma_start3A_58 : memref<128xi32, #tpu.memory_space<hbm>>) target(%arg16 : memref<128xi32, #tpu.memory_space<vmem>>) target_semaphore(%arg34 : memref<!tpu.dma_semaphore, #tpu.memory_space<semaphore_mem>>)
    %add3A_59 = arith.constant 4 : i32
    %add3A_60 = arith.addi %mul3A_2, %add3A_59 : i32
    %mul3A_61 = arith.constant 128 : i32
    %mul3A_62 = arith.muli %add3A_60, %mul3A_61 : i32
    %dma_start3A_63 = tpu.memref_slice %arg3[%mul3A_62] : memref<320000xi32, #tpu.memory_space<hbm>> -> memref<128xi32, #tpu.memory_space<hbm>>
    %dma_start3A_64 = tpu.memref_slice %arg3[%mul3A_62] : memref<320000xi32, #tpu.memory_space<hbm>> -> memref<128xi32, #tpu.memory_space<hbm>>
    tpu.enqueue_dma source(%dma_start3A_64 : memref<128xi32, #tpu.memory_space<hbm>>) target(%arg11 : memref<128xi32, #tpu.memory_space<vmem>>) target_semaphore(%arg29 : memref<!tpu.dma_semaphore, #tpu.memory_space<semaphore_mem>>)
    %add3A_65 = arith.constant 4 : i32
    %add3A_66 = arith.addi %mul3A_2, %add3A_65 : i32
    %mul3A_67 = arith.constant 128 : i32
    %mul3A_68 = arith.muli %add3A_66, %mul3A_67 : i32
    %dma_start3A_69 = tpu.memref_slice %arg4[%mul3A_68] : memref<320000xi32, #tpu.memory_space<hbm>> -> memref<128xi32, #tpu.memory_space<hbm>>
    %dma_start3A_70 = tpu.memref_slice %arg4[%mul3A_68] : memref<320000xi32, #tpu.memory_space<hbm>> -> memref<128xi32, #tpu.memory_space<hbm>>
    tpu.enqueue_dma source(%dma_start3A_70 : memref<128xi32, #tpu.memory_space<hbm>>) target(%arg17 : memref<128xi32, #tpu.memory_space<vmem>>) target_semaphore(%arg35 : memref<!tpu.dma_semaphore, #tpu.memory_space<semaphore_mem>>)
    %add3A_71 = arith.constant 5 : i32
    %add3A_72 = arith.addi %mul3A_2, %add3A_71 : i32
    %mul3A_73 = arith.constant 128 : i32
    %mul3A_74 = arith.muli %add3A_72, %mul3A_73 : i32
    %dma_start3A_75 = tpu.memref_slice %arg3[%mul3A_74] : memref<320000xi32, #tpu.memory_space<hbm>> -> memref<128xi32, #tpu.memory_space<hbm>>
    %dma_start3A_76 = tpu.memref_slice %arg3[%mul3A_74] : memref<320000xi32, #tpu.memory_space<hbm>> -> memref<128xi32, #tpu.memory_space<hbm>>
    tpu.enqueue_dma source(%dma_start3A_76 : memref<128xi32, #tpu.memory_space<hbm>>) target(%arg12 : memref<128xi32, #tpu.memory_space<vmem>>) target_semaphore(%arg30 : memref<!tpu.dma_semaphore, #tpu.memory_space<semaphore_mem>>)
    %add3A_77 = arith.constant 5 : i32
    %add3A_78 = arith.addi %mul3A_2, %add3A_77 : i32
    %mul3A_79 = arith.constant 128 : i32
    %mul3A_80 = arith.muli %add3A_78, %mul3A_79 : i32
    %dma_start3A_81 = tpu.memref_slice %arg4[%mul3A_80] : memref<320000xi32, #tpu.memory_space<hbm>> -> memref<128xi32, #tpu.memory_space<hbm>>
    %dma_start3A_82 = tpu.memref_slice %arg4[%mul3A_80] : memref<320000xi32, #tpu.memory_space<hbm>> -> memref<128xi32, #tpu.memory_space<hbm>>
    tpu.enqueue_dma source(%dma_start3A_82 : memref<128xi32, #tpu.memory_space<hbm>>) target(%arg18 : memref<128xi32, #tpu.memory_space<vmem>>) target_semaphore(%arg36 : memref<!tpu.dma_semaphore, #tpu.memory_space<semaphore_mem>>)
    %scan3A = arith.constant 0 : i32
    %scan3A_83 = arith.constant 0 : i32
    %scan3A_84 = arith.constant 14 : i32
    %scan3A_85 = arith.addi %scan3A_83, %scan3A_84 : i32
    %scan3A_86 = arith.constant 1 : i32
    scf.for %scan3A_98 = %scan3A_83 to %scan3A_85 step %scan3A_86  : i32 {
      %mul3A_99 = arith.constant 6 : i32
      %mul3A_100 = arith.muli %mul3A_99, %scan3A_98 : i32
      %add3A_101 = arith.constant 0 : i32
      %add3A_102 = arith.addi %mul3A_100, %add3A_101 : i32
      %lt3A_103 = arith.constant 79 : i32
      %lt3A_104 = arith.cmpi slt, %add3A_102, %lt3A_103 : i32
      %add3A_105 = arith.addi %mul3A_2, %add3A_102 : i32
      %lt3A_106 = arith.constant 2500 : i32
      %lt3A_107 = arith.cmpi slt, %add3A_105, %lt3A_106 : i32
      %and3A_108 = arith.andi %lt3A_104, %lt3A_107 : i1
      %convert_element_type3A_109 = arith.extui %and3A_108 : i1 to i32
      %cond3A_110 = arith.constant 0 : i32
      %cond3A_111 = arith.cmpi ne, %convert_element_type3A_109, %cond3A_110 : i32
      scf.if %cond3A_111 {
        %dma_wait3A = arith.constant 0 : i32
        %dma_wait3A_177 = arith.constant 0 : i32
        %dma_wait3A_178 = tpu.memref_slice %arg2[%dma_wait3A, %dma_wait3A_177] : memref<10000x128xf32, #tpu.memory_space<hbm>> -> memref<10000x128xf32, #tpu.memory_space<hbm>>
        tpu.wait_indirect_dma semaphore(%arg22 : memref<!tpu.dma_semaphore, #tpu.memory_space<semaphore_mem>>) src(%dma_wait3A_178 : memref<10000x128xf32, #tpu.memory_space<hbm>>) dst(%arg19 : memref<128x128xf32, #tpu.memory_space<vmem>>)
        "tpu.region"() ({
          %run_scoped3A = tpu.sem_alloc : memref<!tpu.dma_semaphore, #tpu.memory_space<semaphore_mem>>
          %dma_start3A_201 = arith.constant 0 : i32
          %dma_start3A_202 = arith.constant 0 : i32
          %dma_start3A_203 = tpu.memref_slice %arg37[%dma_start3A_201, %dma_start3A_202] : memref<10000x128xf32, #tpu.memory_space<vmem_shared>> -> memref<10000x128xf32, #tpu.memory_space<vmem_shared>>
          tpu.enqueue_indirect_dma source(%arg19 : memref<128x128xf32, #tpu.memory_space<vmem>>) target(%dma_start3A_203 : memref<10000x128xf32, #tpu.memory_space<vmem_shared>>) offsets(%arg13 : memref<128xi32, #tpu.memory_space<vmem>>) semaphore(%run_scoped3A : memref<!tpu.dma_semaphore, #tpu.memory_space<semaphore_mem>>) {add = true}
          %dma_wait3A_204 = arith.constant 0 : i32
          %dma_wait3A_205 = arith.constant 0 : i32
          %dma_wait3A_206 = tpu.memref_slice %arg37[%dma_wait3A_204, %dma_wait3A_205] : memref<10000x128xf32, #tpu.memory_space<vmem_shared>> -> memref<10000x128xf32, #tpu.memory_space<vmem_shared>>
          tpu.wait_indirect_dma semaphore(%run_scoped3A : memref<!tpu.dma_semaphore, #tpu.memory_space<semaphore_mem>>) src(%arg19 : memref<128x128xf32, #tpu.memory_space<vmem>>) dst(%dma_wait3A_206 : memref<10000x128xf32, #tpu.memory_space<vmem_shared>>)
          tpu.yield
        }) : () -> ()
        %add3A_179 = arith.constant 3 : i32
        %add3A_180 = arith.addi %add3A_102, %add3A_179 : i32
        %lt3A_181 = arith.constant 79 : i32
        %lt3A_182 = arith.cmpi slt, %add3A_180, %lt3A_181 : i32
        %add3A_183 = arith.addi %mul3A_2, %add3A_180 : i32
        %lt3A_184 = arith.constant 2500 : i32
        %lt3A_185 = arith.cmpi slt, %add3A_183, %lt3A_184 : i32
        %and3A_186 = arith.andi %lt3A_182, %lt3A_185 : i1
        %convert_element_type3A_187 = arith.extui %and3A_186 : i1 to i32
        %cond3A_188 = arith.constant 0 : i32
        %cond3A_189 = arith.cmpi ne, %convert_element_type3A_187, %cond3A_188 : i32
        scf.if %cond3A_189 {
          %add3A_201 = arith.constant 3 : i32
          %add3A_202 = arith.addi %add3A_102, %add3A_201 : i32
          %add3A_203 = arith.addi %mul3A_2, %add3A_202 : i32
          %mul3A_204 = arith.constant 128 : i32
          %mul3A_205 = arith.muli %add3A_203, %mul3A_204 : i32
          %dma_wait3A_206 = tpu.memref_slice %arg3[%mul3A_205] : memref<320000xi32, #tpu.memory_space<hbm>> -> memref<128xi32, #tpu.memory_space<hbm>>
          %dma_wait3A_207 = tpu.memref_slice %arg3[%mul3A_205] : memref<320000xi32, #tpu.memory_space<hbm>> -> memref<128xi32, #tpu.memory_space<hbm>>
          tpu.wait_dma2 semaphore(%arg28 : memref<!tpu.dma_semaphore, #tpu.memory_space<semaphore_mem>>) src(%dma_wait3A_207 : memref<128xi32, #tpu.memory_space<hbm>>) dst(%arg10 : memref<128xi32, #tpu.memory_space<vmem>>)
          %add3A_208 = arith.constant 3 : i32
          %add3A_209 = arith.addi %add3A_102, %add3A_208 : i32
          %add3A_210 = arith.addi %mul3A_2, %add3A_209 : i32
          %mul3A_211 = arith.constant 128 : i32
          %mul3A_212 = arith.muli %add3A_210, %mul3A_211 : i32
          %dma_wait3A_213 = tpu.memref_slice %arg4[%mul3A_212] : memref<320000xi32, #tpu.memory_space<hbm>> -> memref<128xi32, #tpu.memory_space<hbm>>
          %dma_wait3A_214 = tpu.memref_slice %arg4[%mul3A_212] : memref<320000xi32, #tpu.memory_space<hbm>> -> memref<128xi32, #tpu.memory_space<hbm>>
          tpu.wait_dma2 semaphore(%arg34 : memref<!tpu.dma_semaphore, #tpu.memory_space<semaphore_mem>>) src(%dma_wait3A_214 : memref<128xi32, #tpu.memory_space<hbm>>) dst(%arg16 : memref<128xi32, #tpu.memory_space<vmem>>)
          %dma_start3A_215 = arith.constant 0 : i32
          %dma_start3A_216 = arith.constant 0 : i32
          %dma_start3A_217 = tpu.memref_slice %arg2[%dma_start3A_215, %dma_start3A_216] : memref<10000x128xf32, #tpu.memory_space<hbm>> -> memref<10000x128xf32, #tpu.memory_space<hbm>>
          tpu.enqueue_indirect_dma source(%dma_start3A_217 : memref<10000x128xf32, #tpu.memory_space<hbm>>) target(%arg19 : memref<128x128xf32, #tpu.memory_space<vmem>>) offsets(%arg10 : memref<128xi32, #tpu.memory_space<vmem>>) semaphore(%arg22 : memref<!tpu.dma_semaphore, #tpu.memory_space<semaphore_mem>>)
        } else {
        }
        %add3A_190 = arith.constant 6 : i32
        %add3A_191 = arith.addi %add3A_102, %add3A_190 : i32
        %lt3A_192 = arith.constant 79 : i32
        %lt3A_193 = arith.cmpi slt, %add3A_191, %lt3A_192 : i32
        %add3A_194 = arith.addi %mul3A_2, %add3A_191 : i32
        %lt3A_195 = arith.constant 2500 : i32
        %lt3A_196 = arith.cmpi slt, %add3A_194, %lt3A_195 : i32
        %and3A_197 = arith.andi %lt3A_193, %lt3A_196 : i1
        %convert_element_type3A_198 = arith.extui %and3A_197 : i1 to i32
        %cond3A_199 = arith.constant 0 : i32
        %cond3A_200 = arith.cmpi ne, %convert_element_type3A_198, %cond3A_199 : i32
        scf.if %cond3A_200 {
          %add3A_201 = arith.constant 6 : i32
          %add3A_202 = arith.addi %add3A_102, %add3A_201 : i32
          %add3A_203 = arith.addi %mul3A_2, %add3A_202 : i32
          %mul3A_204 = arith.constant 128 : i32
          %mul3A_205 = arith.muli %add3A_203, %mul3A_204 : i32
          %dma_start3A_206 = tpu.memref_slice %arg3[%mul3A_205] : memref<320000xi32, #tpu.memory_space<hbm>> -> memref<128xi32, #tpu.memory_space<hbm>>
          %dma_start3A_207 = tpu.memref_slice %arg3[%mul3A_205] : memref<320000xi32, #tpu.memory_space<hbm>> -> memref<128xi32, #tpu.memory_space<hbm>>
          tpu.enqueue_dma source(%dma_start3A_207 : memref<128xi32, #tpu.memory_space<hbm>>) target(%arg7 : memref<128xi32, #tpu.memory_space<vmem>>) target_semaphore(%arg25 : memref<!tpu.dma_semaphore, #tpu.memory_space<semaphore_mem>>)
          %add3A_208 = arith.constant 6 : i32
          %add3A_209 = arith.addi %add3A_102, %add3A_208 : i32
          %add3A_210 = arith.addi %mul3A_2, %add3A_209 : i32
          %mul3A_211 = arith.constant 128 : i32
          %mul3A_212 = arith.muli %add3A_210, %mul3A_211 : i32
          %dma_start3A_213 = tpu.memref_slice %arg4[%mul3A_212] : memref<320000xi32, #tpu.memory_space<hbm>> -> memref<128xi32, #tpu.memory_space<hbm>>
          %dma_start3A_214 = tpu.memref_slice %arg4[%mul3A_212] : memref<320000xi32, #tpu.memory_space<hbm>> -> memref<128xi32, #tpu.memory_space<hbm>>
          tpu.enqueue_dma source(%dma_start3A_214 : memref<128xi32, #tpu.memory_space<hbm>>) target(%arg13 : memref<128xi32, #tpu.memory_space<vmem>>) target_semaphore(%arg31 : memref<!tpu.dma_semaphore, #tpu.memory_space<semaphore_mem>>)
        } else {
        }
      } else {
      }
      %mul3A_112 = arith.constant 6 : i32
      %mul3A_113 = arith.muli %mul3A_112, %scan3A_98 : i32
      %add3A_114 = arith.constant 1 : i32
      %add3A_115 = arith.addi %mul3A_113, %add3A_114 : i32
      %lt3A_116 = arith.constant 79 : i32
      %lt3A_117 = arith.cmpi slt, %add3A_115, %lt3A_116 : i32
      %add3A_118 = arith.addi %mul3A_2, %add3A_115 : i32
      %lt3A_119 = arith.constant 2500 : i32
      %lt3A_120 = arith.cmpi slt, %add3A_118, %lt3A_119 : i32
      %and3A_121 = arith.andi %lt3A_117, %lt3A_120 : i1
      %convert_element_type3A_122 = arith.extui %and3A_121 : i1 to i32
      %cond3A_123 = arith.constant 0 : i32
      %cond3A_124 = arith.cmpi ne, %convert_element_type3A_122, %cond3A_123 : i32
      scf.if %cond3A_124 {
        %dma_wait3A = arith.constant 0 : i32
        %dma_wait3A_177 = arith.constant 0 : i32
        %dma_wait3A_178 = tpu.memref_slice %arg2[%dma_wait3A, %dma_wait3A_177] : memref<10000x128xf32, #tpu.memory_space<hbm>> -> memref<10000x128xf32, #tpu.memory_space<hbm>>
        tpu.wait_indirect_dma semaphore(%arg23 : memref<!tpu.dma_semaphore, #tpu.memory_space<semaphore_mem>>) src(%dma_wait3A_178 : memref<10000x128xf32, #tpu.memory_space<hbm>>) dst(%arg20 : memref<128x128xf32, #tpu.memory_space<vmem>>)
        "tpu.region"() ({
          %run_scoped3A = tpu.sem_alloc : memref<!tpu.dma_semaphore, #tpu.memory_space<semaphore_mem>>
          %dma_start3A_201 = arith.constant 0 : i32
          %dma_start3A_202 = arith.constant 0 : i32
          %dma_start3A_203 = tpu.memref_slice %arg37[%dma_start3A_201, %dma_start3A_202] : memref<10000x128xf32, #tpu.memory_space<vmem_shared>> -> memref<10000x128xf32, #tpu.memory_space<vmem_shared>>
          tpu.enqueue_indirect_dma source(%arg20 : memref<128x128xf32, #tpu.memory_space<vmem>>) target(%dma_start3A_203 : memref<10000x128xf32, #tpu.memory_space<vmem_shared>>) offsets(%arg14 : memref<128xi32, #tpu.memory_space<vmem>>) semaphore(%run_scoped3A : memref<!tpu.dma_semaphore, #tpu.memory_space<semaphore_mem>>) {add = true}
          %dma_wait3A_204 = arith.constant 0 : i32
          %dma_wait3A_205 = arith.constant 0 : i32
          %dma_wait3A_206 = tpu.memref_slice %arg37[%dma_wait3A_204, %dma_wait3A_205] : memref<10000x128xf32, #tpu.memory_space<vmem_shared>> -> memref<10000x128xf32, #tpu.memory_space<vmem_shared>>
          tpu.wait_indirect_dma semaphore(%run_scoped3A : memref<!tpu.dma_semaphore, #tpu.memory_space<semaphore_mem>>) src(%arg20 : memref<128x128xf32, #tpu.memory_space<vmem>>) dst(%dma_wait3A_206 : memref<10000x128xf32, #tpu.memory_space<vmem_shared>>)
          tpu.yield
        }) : () -> ()
        %add3A_179 = arith.constant 3 : i32
        %add3A_180 = arith.addi %add3A_115, %add3A_179 : i32
        %lt3A_181 = arith.constant 79 : i32
        %lt3A_182 = arith.cmpi slt, %add3A_180, %lt3A_181 : i32
        %add3A_183 = arith.addi %mul3A_2, %add3A_180 : i32
        %lt3A_184 = arith.constant 2500 : i32
        %lt3A_185 = arith.cmpi slt, %add3A_183, %lt3A_184 : i32
        %and3A_186 = arith.andi %lt3A_182, %lt3A_185 : i1
        %convert_element_type3A_187 = arith.extui %and3A_186 : i1 to i32
        %cond3A_188 = arith.constant 0 : i32
        %cond3A_189 = arith.cmpi ne, %convert_element_type3A_187, %cond3A_188 : i32
        scf.if %cond3A_189 {
          %add3A_201 = arith.constant 3 : i32
          %add3A_202 = arith.addi %add3A_115, %add3A_201 : i32
          %add3A_203 = arith.addi %mul3A_2, %add3A_202 : i32
          %mul3A_204 = arith.constant 128 : i32
          %mul3A_205 = arith.muli %add3A_203, %mul3A_204 : i32
          %dma_wait3A_206 = tpu.memref_slice %arg3[%mul3A_205] : memref<320000xi32, #tpu.memory_space<hbm>> -> memref<128xi32, #tpu.memory_space<hbm>>
          %dma_wait3A_207 = tpu.memref_slice %arg3[%mul3A_205] : memref<320000xi32, #tpu.memory_space<hbm>> -> memref<128xi32, #tpu.memory_space<hbm>>
          tpu.wait_dma2 semaphore(%arg29 : memref<!tpu.dma_semaphore, #tpu.memory_space<semaphore_mem>>) src(%dma_wait3A_207 : memref<128xi32, #tpu.memory_space<hbm>>) dst(%arg11 : memref<128xi32, #tpu.memory_space<vmem>>)
          %add3A_208 = arith.constant 3 : i32
          %add3A_209 = arith.addi %add3A_115, %add3A_208 : i32
          %add3A_210 = arith.addi %mul3A_2, %add3A_209 : i32
          %mul3A_211 = arith.constant 128 : i32
          %mul3A_212 = arith.muli %add3A_210, %mul3A_211 : i32
          %dma_wait3A_213 = tpu.memref_slice %arg4[%mul3A_212] : memref<320000xi32, #tpu.memory_space<hbm>> -> memref<128xi32, #tpu.memory_space<hbm>>
          %dma_wait3A_214 = tpu.memref_slice %arg4[%mul3A_212] : memref<320000xi32, #tpu.memory_space<hbm>> -> memref<128xi32, #tpu.memory_space<hbm>>
          tpu.wait_dma2 semaphore(%arg35 : memref<!tpu.dma_semaphore, #tpu.memory_space<semaphore_mem>>) src(%dma_wait3A_214 : memref<128xi32, #tpu.memory_space<hbm>>) dst(%arg17 : memref<128xi32, #tpu.memory_space<vmem>>)
          %dma_start3A_215 = arith.constant 0 : i32
          %dma_start3A_216 = arith.constant 0 : i32
          %dma_start3A_217 = tpu.memref_slice %arg2[%dma_start3A_215, %dma_start3A_216] : memref<10000x128xf32, #tpu.memory_space<hbm>> -> memref<10000x128xf32, #tpu.memory_space<hbm>>
          tpu.enqueue_indirect_dma source(%dma_start3A_217 : memref<10000x128xf32, #tpu.memory_space<hbm>>) target(%arg20 : memref<128x128xf32, #tpu.memory_space<vmem>>) offsets(%arg11 : memref<128xi32, #tpu.memory_space<vmem>>) semaphore(%arg23 : memref<!tpu.dma_semaphore, #tpu.memory_space<semaphore_mem>>)
        } else {
        }
        %add3A_190 = arith.constant 6 : i32
        %add3A_191 = arith.addi %add3A_115, %add3A_190 : i32
        %lt3A_192 = arith.constant 79 : i32
        %lt3A_193 = arith.cmpi slt, %add3A_191, %lt3A_192 : i32
        %add3A_194 = arith.addi %mul3A_2, %add3A_191 : i32
        %lt3A_195 = arith.constant 2500 : i32
        %lt3A_196 = arith.cmpi slt, %add3A_194, %lt3A_195 : i32
        %and3A_197 = arith.andi %lt3A_193, %lt3A_196 : i1
        %convert_element_type3A_198 = arith.extui %and3A_197 : i1 to i32
        %cond3A_199 = arith.constant 0 : i32
        %cond3A_200 = arith.cmpi ne, %convert_element_type3A_198, %cond3A_199 : i32
        scf.if %cond3A_200 {
          %add3A_201 = arith.constant 6 : i32
          %add3A_202 = arith.addi %add3A_115, %add3A_201 : i32
          %add3A_203 = arith.addi %mul3A_2, %add3A_202 : i32
          %mul3A_204 = arith.constant 128 : i32
          %mul3A_205 = arith.muli %add3A_203, %mul3A_204 : i32
          %dma_start3A_206 = tpu.memref_slice %arg3[%mul3A_205] : memref<320000xi32, #tpu.memory_space<hbm>> -> memref<128xi32, #tpu.memory_space<hbm>>
          %dma_start3A_207 = tpu.memref_slice %arg3[%mul3A_205] : memref<320000xi32, #tpu.memory_space<hbm>> -> memref<128xi32, #tpu.memory_space<hbm>>
          tpu.enqueue_dma source(%dma_start3A_207 : memref<128xi32, #tpu.memory_space<hbm>>) target(%arg8 : memref<128xi32, #tpu.memory_space<vmem>>) target_semaphore(%arg26 : memref<!tpu.dma_semaphore, #tpu.memory_space<semaphore_mem>>)
          %add3A_208 = arith.constant 6 : i32
          %add3A_209 = arith.addi %add3A_115, %add3A_208 : i32
          %add3A_210 = arith.addi %mul3A_2, %add3A_209 : i32
          %mul3A_211 = arith.constant 128 : i32
          %mul3A_212 = arith.muli %add3A_210, %mul3A_211 : i32
          %dma_start3A_213 = tpu.memref_slice %arg4[%mul3A_212] : memref<320000xi32, #tpu.memory_space<hbm>> -> memref<128xi32, #tpu.memory_space<hbm>>
          %dma_start3A_214 = tpu.memref_slice %arg4[%mul3A_212] : memref<320000xi32, #tpu.memory_space<hbm>> -> memref<128xi32, #tpu.memory_space<hbm>>
          tpu.enqueue_dma source(%dma_start3A_214 : memref<128xi32, #tpu.memory_space<hbm>>) target(%arg14 : memref<128xi32, #tpu.memory_space<vmem>>) target_semaphore(%arg32 : memref<!tpu.dma_semaphore, #tpu.memory_space<semaphore_mem>>)
        } else {
        }
      } else {
      }
      %mul3A_125 = arith.constant 6 : i32
      %mul3A_126 = arith.muli %mul3A_125, %scan3A_98 : i32
      %add3A_127 = arith.constant 2 : i32
      %add3A_128 = arith.addi %mul3A_126, %add3A_127 : i32
      %lt3A_129 = arith.constant 79 : i32
      %lt3A_130 = arith.cmpi slt, %add3A_128, %lt3A_129 : i32
      %add3A_131 = arith.addi %mul3A_2, %add3A_128 : i32
      %lt3A_132 = arith.constant 2500 : i32
      %lt3A_133 = arith.cmpi slt, %add3A_131, %lt3A_132 : i32
      %and3A_134 = arith.andi %lt3A_130, %lt3A_133 : i1
      %convert_element_type3A_135 = arith.extui %and3A_134 : i1 to i32
      %cond3A_136 = arith.constant 0 : i32
      %cond3A_137 = arith.cmpi ne, %convert_element_type3A_135, %cond3A_136 : i32
      scf.if %cond3A_137 {
        %dma_wait3A = arith.constant 0 : i32
        %dma_wait3A_177 = arith.constant 0 : i32
        %dma_wait3A_178 = tpu.memref_slice %arg2[%dma_wait3A, %dma_wait3A_177] : memref<10000x128xf32, #tpu.memory_space<hbm>> -> memref<10000x128xf32, #tpu.memory_space<hbm>>
        tpu.wait_indirect_dma semaphore(%arg24 : memref<!tpu.dma_semaphore, #tpu.memory_space<semaphore_mem>>) src(%dma_wait3A_178 : memref<10000x128xf32, #tpu.memory_space<hbm>>) dst(%arg21 : memref<128x128xf32, #tpu.memory_space<vmem>>)
        "tpu.region"() ({
          %run_scoped3A = tpu.sem_alloc : memref<!tpu.dma_semaphore, #tpu.memory_space<semaphore_mem>>
          %dma_start3A_201 = arith.constant 0 : i32
          %dma_start3A_202 = arith.constant 0 : i32
          %dma_start3A_203 = tpu.memref_slice %arg37[%dma_start3A_201, %dma_start3A_202] : memref<10000x128xf32, #tpu.memory_space<vmem_shared>> -> memref<10000x128xf32, #tpu.memory_space<vmem_shared>>
          tpu.enqueue_indirect_dma source(%arg21 : memref<128x128xf32, #tpu.memory_space<vmem>>) target(%dma_start3A_203 : memref<10000x128xf32, #tpu.memory_space<vmem_shared>>) offsets(%arg15 : memref<128xi32, #tpu.memory_space<vmem>>) semaphore(%run_scoped3A : memref<!tpu.dma_semaphore, #tpu.memory_space<semaphore_mem>>) {add = true}
          %dma_wait3A_204 = arith.constant 0 : i32
          %dma_wait3A_205 = arith.constant 0 : i32
          %dma_wait3A_206 = tpu.memref_slice %arg37[%dma_wait3A_204, %dma_wait3A_205] : memref<10000x128xf32, #tpu.memory_space<vmem_shared>> -> memref<10000x128xf32, #tpu.memory_space<vmem_shared>>
          tpu.wait_indirect_dma semaphore(%run_scoped3A : memref<!tpu.dma_semaphore, #tpu.memory_space<semaphore_mem>>) src(%arg21 : memref<128x128xf32, #tpu.memory_space<vmem>>) dst(%dma_wait3A_206 : memref<10000x128xf32, #tpu.memory_space<vmem_shared>>)
          tpu.yield
        }) : () -> ()
        %add3A_179 = arith.constant 3 : i32
        %add3A_180 = arith.addi %add3A_128, %add3A_179 : i32
        %lt3A_181 = arith.constant 79 : i32
        %lt3A_182 = arith.cmpi slt, %add3A_180, %lt3A_181 : i32
        %add3A_183 = arith.addi %mul3A_2, %add3A_180 : i32
        %lt3A_184 = arith.constant 2500 : i32
        %lt3A_185 = arith.cmpi slt, %add3A_183, %lt3A_184 : i32
        %and3A_186 = arith.andi %lt3A_182, %lt3A_185 : i1
        %convert_element_type3A_187 = arith.extui %and3A_186 : i1 to i32
        %cond3A_188 = arith.constant 0 : i32
        %cond3A_189 = arith.cmpi ne, %convert_element_type3A_187, %cond3A_188 : i32
        scf.if %cond3A_189 {
          %add3A_201 = arith.constant 3 : i32
          %add3A_202 = arith.addi %add3A_128, %add3A_201 : i32
          %add3A_203 = arith.addi %mul3A_2, %add3A_202 : i32
          %mul3A_204 = arith.constant 128 : i32
          %mul3A_205 = arith.muli %add3A_203, %mul3A_204 : i32
          %dma_wait3A_206 = tpu.memref_slice %arg3[%mul3A_205] : memref<320000xi32, #tpu.memory_space<hbm>> -> memref<128xi32, #tpu.memory_space<hbm>>
          %dma_wait3A_207 = tpu.memref_slice %arg3[%mul3A_205] : memref<320000xi32, #tpu.memory_space<hbm>> -> memref<128xi32, #tpu.memory_space<hbm>>
          tpu.wait_dma2 semaphore(%arg30 : memref<!tpu.dma_semaphore, #tpu.memory_space<semaphore_mem>>) src(%dma_wait3A_207 : memref<128xi32, #tpu.memory_space<hbm>>) dst(%arg12 : memref<128xi32, #tpu.memory_space<vmem>>)
          %add3A_208 = arith.constant 3 : i32
          %add3A_209 = arith.addi %add3A_128, %add3A_208 : i32
          %add3A_210 = arith.addi %mul3A_2, %add3A_209 : i32
          %mul3A_211 = arith.constant 128 : i32
          %mul3A_212 = arith.muli %add3A_210, %mul3A_211 : i32
          %dma_wait3A_213 = tpu.memref_slice %arg4[%mul3A_212] : memref<320000xi32, #tpu.memory_space<hbm>> -> memref<128xi32, #tpu.memory_space<hbm>>
          %dma_wait3A_214 = tpu.memref_slice %arg4[%mul3A_212] : memref<320000xi32, #tpu.memory_space<hbm>> -> memref<128xi32, #tpu.memory_space<hbm>>
          tpu.wait_dma2 semaphore(%arg36 : memref<!tpu.dma_semaphore, #tpu.memory_space<semaphore_mem>>) src(%dma_wait3A_214 : memref<128xi32, #tpu.memory_space<hbm>>) dst(%arg18 : memref<128xi32, #tpu.memory_space<vmem>>)
          %dma_start3A_215 = arith.constant 0 : i32
          %dma_start3A_216 = arith.constant 0 : i32
          %dma_start3A_217 = tpu.memref_slice %arg2[%dma_start3A_215, %dma_start3A_216] : memref<10000x128xf32, #tpu.memory_space<hbm>> -> memref<10000x128xf32, #tpu.memory_space<hbm>>
          tpu.enqueue_indirect_dma source(%dma_start3A_217 : memref<10000x128xf32, #tpu.memory_space<hbm>>) target(%arg21 : memref<128x128xf32, #tpu.memory_space<vmem>>) offsets(%arg12 : memref<128xi32, #tpu.memory_space<vmem>>) semaphore(%arg24 : memref<!tpu.dma_semaphore, #tpu.memory_space<semaphore_mem>>)
        } else {
        }
        %add3A_190 = arith.constant 6 : i32
        %add3A_191 = arith.addi %add3A_128, %add3A_190 : i32
        %lt3A_192 = arith.constant 79 : i32
        %lt3A_193 = arith.cmpi slt, %add3A_191, %lt3A_192 : i32
        %add3A_194 = arith.addi %mul3A_2, %add3A_191 : i32
        %lt3A_195 = arith.constant 2500 : i32
        %lt3A_196 = arith.cmpi slt, %add3A_194, %lt3A_195 : i32
        %and3A_197 = arith.andi %lt3A_193, %lt3A_196 : i1
        %convert_element_type3A_198 = arith.extui %and3A_197 : i1 to i32
        %cond3A_199 = arith.constant 0 : i32
        %cond3A_200 = arith.cmpi ne, %convert_element_type3A_198, %cond3A_199 : i32
        scf.if %cond3A_200 {
          %add3A_201 = arith.constant 6 : i32
          %add3A_202 = arith.addi %add3A_128, %add3A_201 : i32
          %add3A_203 = arith.addi %mul3A_2, %add3A_202 : i32
          %mul3A_204 = arith.constant 128 : i32
          %mul3A_205 = arith.muli %add3A_203, %mul3A_204 : i32
          %dma_start3A_206 = tpu.memref_slice %arg3[%mul3A_205] : memref<320000xi32, #tpu.memory_space<hbm>> -> memref<128xi32, #tpu.memory_space<hbm>>
          %dma_start3A_207 = tpu.memref_slice %arg3[%mul3A_205] : memref<320000xi32, #tpu.memory_space<hbm>> -> memref<128xi32, #tpu.memory_space<hbm>>
          tpu.enqueue_dma source(%dma_start3A_207 : memref<128xi32, #tpu.memory_space<hbm>>) target(%arg9 : memref<128xi32, #tpu.memory_space<vmem>>) target_semaphore(%arg27 : memref<!tpu.dma_semaphore, #tpu.memory_space<semaphore_mem>>)
          %add3A_208 = arith.constant 6 : i32
          %add3A_209 = arith.addi %add3A_128, %add3A_208 : i32
          %add3A_210 = arith.addi %mul3A_2, %add3A_209 : i32
          %mul3A_211 = arith.constant 128 : i32
          %mul3A_212 = arith.muli %add3A_210, %mul3A_211 : i32
          %dma_start3A_213 = tpu.memref_slice %arg4[%mul3A_212] : memref<320000xi32, #tpu.memory_space<hbm>> -> memref<128xi32, #tpu.memory_space<hbm>>
          %dma_start3A_214 = tpu.memref_slice %arg4[%mul3A_212] : memref<320000xi32, #tpu.memory_space<hbm>> -> memref<128xi32, #tpu.memory_space<hbm>>
          tpu.enqueue_dma source(%dma_start3A_214 : memref<128xi32, #tpu.memory_space<hbm>>) target(%arg15 : memref<128xi32, #tpu.memory_space<vmem>>) target_semaphore(%arg33 : memref<!tpu.dma_semaphore, #tpu.memory_space<semaphore_mem>>)
        } else {
        }
      } else {
      }
      %mul3A_138 = arith.constant 6 : i32
      %mul3A_139 = arith.muli %mul3A_138, %scan3A_98 : i32
      %add3A_140 = arith.constant 3 : i32
      %add3A_141 = arith.addi %mul3A_139, %add3A_140 : i32
      %lt3A_142 = arith.constant 79 : i32
      %lt3A_143 = arith.cmpi slt, %add3A_141, %lt3A_142 : i32
      %add3A_144 = arith.addi %mul3A_2, %add3A_141 : i32
      %lt3A_145 = arith.constant 2500 : i32
      %lt3A_146 = arith.cmpi slt, %add3A_144, %lt3A_145 : i32
      %and3A_147 = arith.andi %lt3A_143, %lt3A_146 : i1
      %convert_element_type3A_148 = arith.extui %and3A_147 : i1 to i32
      %cond3A_149 = arith.constant 0 : i32
      %cond3A_150 = arith.cmpi ne, %convert_element_type3A_148, %cond3A_149 : i32
      scf.if %cond3A_150 {
        %dma_wait3A = arith.constant 0 : i32
        %dma_wait3A_177 = arith.constant 0 : i32
        %dma_wait3A_178 = tpu.memref_slice %arg2[%dma_wait3A, %dma_wait3A_177] : memref<10000x128xf32, #tpu.memory_space<hbm>> -> memref<10000x128xf32, #tpu.memory_space<hbm>>
        tpu.wait_indirect_dma semaphore(%arg22 : memref<!tpu.dma_semaphore, #tpu.memory_space<semaphore_mem>>) src(%dma_wait3A_178 : memref<10000x128xf32, #tpu.memory_space<hbm>>) dst(%arg19 : memref<128x128xf32, #tpu.memory_space<vmem>>)
        "tpu.region"() ({
          %run_scoped3A = tpu.sem_alloc : memref<!tpu.dma_semaphore, #tpu.memory_space<semaphore_mem>>
          %dma_start3A_201 = arith.constant 0 : i32
          %dma_start3A_202 = arith.constant 0 : i32
          %dma_start3A_203 = tpu.memref_slice %arg37[%dma_start3A_201, %dma_start3A_202] : memref<10000x128xf32, #tpu.memory_space<vmem_shared>> -> memref<10000x128xf32, #tpu.memory_space<vmem_shared>>
          tpu.enqueue_indirect_dma source(%arg19 : memref<128x128xf32, #tpu.memory_space<vmem>>) target(%dma_start3A_203 : memref<10000x128xf32, #tpu.memory_space<vmem_shared>>) offsets(%arg16 : memref<128xi32, #tpu.memory_space<vmem>>) semaphore(%run_scoped3A : memref<!tpu.dma_semaphore, #tpu.memory_space<semaphore_mem>>) {add = true}
          %dma_wait3A_204 = arith.constant 0 : i32
          %dma_wait3A_205 = arith.constant 0 : i32
          %dma_wait3A_206 = tpu.memref_slice %arg37[%dma_wait3A_204, %dma_wait3A_205] : memref<10000x128xf32, #tpu.memory_space<vmem_shared>> -> memref<10000x128xf32, #tpu.memory_space<vmem_shared>>
          tpu.wait_indirect_dma semaphore(%run_scoped3A : memref<!tpu.dma_semaphore, #tpu.memory_space<semaphore_mem>>) src(%arg19 : memref<128x128xf32, #tpu.memory_space<vmem>>) dst(%dma_wait3A_206 : memref<10000x128xf32, #tpu.memory_space<vmem_shared>>)
          tpu.yield
        }) : () -> ()
        %add3A_179 = arith.constant 3 : i32
        %add3A_180 = arith.addi %add3A_141, %add3A_179 : i32
        %lt3A_181 = arith.constant 79 : i32
        %lt3A_182 = arith.cmpi slt, %add3A_180, %lt3A_181 : i32
        %add3A_183 = arith.addi %mul3A_2, %add3A_180 : i32
        %lt3A_184 = arith.constant 2500 : i32
        %lt3A_185 = arith.cmpi slt, %add3A_183, %lt3A_184 : i32
        %and3A_186 = arith.andi %lt3A_182, %lt3A_185 : i1
        %convert_element_type3A_187 = arith.extui %and3A_186 : i1 to i32
        %cond3A_188 = arith.constant 0 : i32
        %cond3A_189 = arith.cmpi ne, %convert_element_type3A_187, %cond3A_188 : i32
        scf.if %cond3A_189 {
          %add3A_201 = arith.constant 3 : i32
          %add3A_202 = arith.addi %add3A_141, %add3A_201 : i32
          %add3A_203 = arith.addi %mul3A_2, %add3A_202 : i32
          %mul3A_204 = arith.constant 128 : i32
          %mul3A_205 = arith.muli %add3A_203, %mul3A_204 : i32
          %dma_wait3A_206 = tpu.memref_slice %arg3[%mul3A_205] : memref<320000xi32, #tpu.memory_space<hbm>> -> memref<128xi32, #tpu.memory_space<hbm>>
          %dma_wait3A_207 = tpu.memref_slice %arg3[%mul3A_205] : memref<320000xi32, #tpu.memory_space<hbm>> -> memref<128xi32, #tpu.memory_space<hbm>>
          tpu.wait_dma2 semaphore(%arg25 : memref<!tpu.dma_semaphore, #tpu.memory_space<semaphore_mem>>) src(%dma_wait3A_207 : memref<128xi32, #tpu.memory_space<hbm>>) dst(%arg7 : memref<128xi32, #tpu.memory_space<vmem>>)
          %add3A_208 = arith.constant 3 : i32
          %add3A_209 = arith.addi %add3A_141, %add3A_208 : i32
          %add3A_210 = arith.addi %mul3A_2, %add3A_209 : i32
          %mul3A_211 = arith.constant 128 : i32
          %mul3A_212 = arith.muli %add3A_210, %mul3A_211 : i32
          %dma_wait3A_213 = tpu.memref_slice %arg4[%mul3A_212] : memref<320000xi32, #tpu.memory_space<hbm>> -> memref<128xi32, #tpu.memory_space<hbm>>
          %dma_wait3A_214 = tpu.memref_slice %arg4[%mul3A_212] : memref<320000xi32, #tpu.memory_space<hbm>> -> memref<128xi32, #tpu.memory_space<hbm>>
          tpu.wait_dma2 semaphore(%arg31 : memref<!tpu.dma_semaphore, #tpu.memory_space<semaphore_mem>>) src(%dma_wait3A_214 : memref<128xi32, #tpu.memory_space<hbm>>) dst(%arg13 : memref<128xi32, #tpu.memory_space<vmem>>)
          %dma_start3A_215 = arith.constant 0 : i32
          %dma_start3A_216 = arith.constant 0 : i32
          %dma_start3A_217 = tpu.memref_slice %arg2[%dma_start3A_215, %dma_start3A_216] : memref<10000x128xf32, #tpu.memory_space<hbm>> -> memref<10000x128xf32, #tpu.memory_space<hbm>>
          tpu.enqueue_indirect_dma source(%dma_start3A_217 : memref<10000x128xf32, #tpu.memory_space<hbm>>) target(%arg19 : memref<128x128xf32, #tpu.memory_space<vmem>>) offsets(%arg7 : memref<128xi32, #tpu.memory_space<vmem>>) semaphore(%arg22 : memref<!tpu.dma_semaphore, #tpu.memory_space<semaphore_mem>>)
        } else {
        }
        %add3A_190 = arith.constant 6 : i32
        %add3A_191 = arith.addi %add3A_141, %add3A_190 : i32
        %lt3A_192 = arith.constant 79 : i32
        %lt3A_193 = arith.cmpi slt, %add3A_191, %lt3A_192 : i32
        %add3A_194 = arith.addi %mul3A_2, %add3A_191 : i32
        %lt3A_195 = arith.constant 2500 : i32
        %lt3A_196 = arith.cmpi slt, %add3A_194, %lt3A_195 : i32
        %and3A_197 = arith.andi %lt3A_193, %lt3A_196 : i1
        %convert_element_type3A_198 = arith.extui %and3A_197 : i1 to i32
        %cond3A_199 = arith.constant 0 : i32
        %cond3A_200 = arith.cmpi ne, %convert_element_type3A_198, %cond3A_199 : i32
        scf.if %cond3A_200 {
          %add3A_201 = arith.constant 6 : i32
          %add3A_202 = arith.addi %add3A_141, %add3A_201 : i32
          %add3A_203 = arith.addi %mul3A_2, %add3A_202 : i32
          %mul3A_204 = arith.constant 128 : i32
          %mul3A_205 = arith.muli %add3A_203, %mul3A_204 : i32
          %dma_start3A_206 = tpu.memref_slice %arg3[%mul3A_205] : memref<320000xi32, #tpu.memory_space<hbm>> -> memref<128xi32, #tpu.memory_space<hbm>>
          %dma_start3A_207 = tpu.memref_slice %arg3[%mul3A_205] : memref<320000xi32, #tpu.memory_space<hbm>> -> memref<128xi32, #tpu.memory_space<hbm>>
          tpu.enqueue_dma source(%dma_start3A_207 : memref<128xi32, #tpu.memory_space<hbm>>) target(%arg10 : memref<128xi32, #tpu.memory_space<vmem>>) target_semaphore(%arg28 : memref<!tpu.dma_semaphore, #tpu.memory_space<semaphore_mem>>)
          %add3A_208 = arith.constant 6 : i32
          %add3A_209 = arith.addi %add3A_141, %add3A_208 : i32
          %add3A_210 = arith.addi %mul3A_2, %add3A_209 : i32
          %mul3A_211 = arith.constant 128 : i32
          %mul3A_212 = arith.muli %add3A_210, %mul3A_211 : i32
          %dma_start3A_213 = tpu.memref_slice %arg4[%mul3A_212] : memref<320000xi32, #tpu.memory_space<hbm>> -> memref<128xi32, #tpu.memory_space<hbm>>
          %dma_start3A_214 = tpu.memref_slice %arg4[%mul3A_212] : memref<320000xi32, #tpu.memory_space<hbm>> -> memref<128xi32, #tpu.memory_space<hbm>>
          tpu.enqueue_dma source(%dma_start3A_214 : memref<128xi32, #tpu.memory_space<hbm>>) target(%arg16 : memref<128xi32, #tpu.memory_space<vmem>>) target_semaphore(%arg34 : memref<!tpu.dma_semaphore, #tpu.memory_space<semaphore_mem>>)
        } else {
        }
      } else {
      }
      %mul3A_151 = arith.constant 6 : i32
      %mul3A_152 = arith.muli %mul3A_151, %scan3A_98 : i32
      %add3A_153 = arith.constant 4 : i32
      %add3A_154 = arith.addi %mul3A_152, %add3A_153 : i32
      %lt3A_155 = arith.constant 79 : i32
      %lt3A_156 = arith.cmpi slt, %add3A_154, %lt3A_155 : i32
      %add3A_157 = arith.addi %mul3A_2, %add3A_154 : i32
      %lt3A_158 = arith.constant 2500 : i32
      %lt3A_159 = arith.cmpi slt, %add3A_157, %lt3A_158 : i32
      %and3A_160 = arith.andi %lt3A_156, %lt3A_159 : i1
      %convert_element_type3A_161 = arith.extui %and3A_160 : i1 to i32
      %cond3A_162 = arith.constant 0 : i32
      %cond3A_163 = arith.cmpi ne, %convert_element_type3A_161, %cond3A_162 : i32
      scf.if %cond3A_163 {
        %dma_wait3A = arith.constant 0 : i32
        %dma_wait3A_177 = arith.constant 0 : i32
        %dma_wait3A_178 = tpu.memref_slice %arg2[%dma_wait3A, %dma_wait3A_177] : memref<10000x128xf32, #tpu.memory_space<hbm>> -> memref<10000x128xf32, #tpu.memory_space<hbm>>
        tpu.wait_indirect_dma semaphore(%arg23 : memref<!tpu.dma_semaphore, #tpu.memory_space<semaphore_mem>>) src(%dma_wait3A_178 : memref<10000x128xf32, #tpu.memory_space<hbm>>) dst(%arg20 : memref<128x128xf32, #tpu.memory_space<vmem>>)
        "tpu.region"() ({
          %run_scoped3A = tpu.sem_alloc : memref<!tpu.dma_semaphore, #tpu.memory_space<semaphore_mem>>
          %dma_start3A_201 = arith.constant 0 : i32
          %dma_start3A_202 = arith.constant 0 : i32
          %dma_start3A_203 = tpu.memref_slice %arg37[%dma_start3A_201, %dma_start3A_202] : memref<10000x128xf32, #tpu.memory_space<vmem_shared>> -> memref<10000x128xf32, #tpu.memory_space<vmem_shared>>
          tpu.enqueue_indirect_dma source(%arg20 : memref<128x128xf32, #tpu.memory_space<vmem>>) target(%dma_start3A_203 : memref<10000x128xf32, #tpu.memory_space<vmem_shared>>) offsets(%arg17 : memref<128xi32, #tpu.memory_space<vmem>>) semaphore(%run_scoped3A : memref<!tpu.dma_semaphore, #tpu.memory_space<semaphore_mem>>) {add = true}
          %dma_wait3A_204 = arith.constant 0 : i32
          %dma_wait3A_205 = arith.constant 0 : i32
          %dma_wait3A_206 = tpu.memref_slice %arg37[%dma_wait3A_204, %dma_wait3A_205] : memref<10000x128xf32, #tpu.memory_space<vmem_shared>> -> memref<10000x128xf32, #tpu.memory_space<vmem_shared>>
          tpu.wait_indirect_dma semaphore(%run_scoped3A : memref<!tpu.dma_semaphore, #tpu.memory_space<semaphore_mem>>) src(%arg20 : memref<128x128xf32, #tpu.memory_space<vmem>>) dst(%dma_wait3A_206 : memref<10000x128xf32, #tpu.memory_space<vmem_shared>>)
          tpu.yield
        }) : () -> ()
        %add3A_179 = arith.constant 3 : i32
        %add3A_180 = arith.addi %add3A_154, %add3A_179 : i32
        %lt3A_181 = arith.constant 79 : i32
        %lt3A_182 = arith.cmpi slt, %add3A_180, %lt3A_181 : i32
        %add3A_183 = arith.addi %mul3A_2, %add3A_180 : i32
        %lt3A_184 = arith.constant 2500 : i32
        %lt3A_185 = arith.cmpi slt, %add3A_183, %lt3A_184 : i32
        %and3A_186 = arith.andi %lt3A_182, %lt3A_185 : i1
        %convert_element_type3A_187 = arith.extui %and3A_186 : i1 to i32
        %cond3A_188 = arith.constant 0 : i32
        %cond3A_189 = arith.cmpi ne, %convert_element_type3A_187, %cond3A_188 : i32
        scf.if %cond3A_189 {
          %add3A_201 = arith.constant 3 : i32
          %add3A_202 = arith.addi %add3A_154, %add3A_201 : i32
          %add3A_203 = arith.addi %mul3A_2, %add3A_202 : i32
          %mul3A_204 = arith.constant 128 : i32
          %mul3A_205 = arith.muli %add3A_203, %mul3A_204 : i32
          %dma_wait3A_206 = tpu.memref_slice %arg3[%mul3A_205] : memref<320000xi32, #tpu.memory_space<hbm>> -> memref<128xi32, #tpu.memory_space<hbm>>
          %dma_wait3A_207 = tpu.memref_slice %arg3[%mul3A_205] : memref<320000xi32, #tpu.memory_space<hbm>> -> memref<128xi32, #tpu.memory_space<hbm>>
          tpu.wait_dma2 semaphore(%arg26 : memref<!tpu.dma_semaphore, #tpu.memory_space<semaphore_mem>>) src(%dma_wait3A_207 : memref<128xi32, #tpu.memory_space<hbm>>) dst(%arg8 : memref<128xi32, #tpu.memory_space<vmem>>)
          %add3A_208 = arith.constant 3 : i32
          %add3A_209 = arith.addi %add3A_154, %add3A_208 : i32
          %add3A_210 = arith.addi %mul3A_2, %add3A_209 : i32
          %mul3A_211 = arith.constant 128 : i32
          %mul3A_212 = arith.muli %add3A_210, %mul3A_211 : i32
          %dma_wait3A_213 = tpu.memref_slice %arg4[%mul3A_212] : memref<320000xi32, #tpu.memory_space<hbm>> -> memref<128xi32, #tpu.memory_space<hbm>>
          %dma_wait3A_214 = tpu.memref_slice %arg4[%mul3A_212] : memref<320000xi32, #tpu.memory_space<hbm>> -> memref<128xi32, #tpu.memory_space<hbm>>
          tpu.wait_dma2 semaphore(%arg32 : memref<!tpu.dma_semaphore, #tpu.memory_space<semaphore_mem>>) src(%dma_wait3A_214 : memref<128xi32, #tpu.memory_space<hbm>>) dst(%arg14 : memref<128xi32, #tpu.memory_space<vmem>>)
          %dma_start3A_215 = arith.constant 0 : i32
          %dma_start3A_216 = arith.constant 0 : i32
          %dma_start3A_217 = tpu.memref_slice %arg2[%dma_start3A_215, %dma_start3A_216] : memref<10000x128xf32, #tpu.memory_space<hbm>> -> memref<10000x128xf32, #tpu.memory_space<hbm>>
          tpu.enqueue_indirect_dma source(%dma_start3A_217 : memref<10000x128xf32, #tpu.memory_space<hbm>>) target(%arg20 : memref<128x128xf32, #tpu.memory_space<vmem>>) offsets(%arg8 : memref<128xi32, #tpu.memory_space<vmem>>) semaphore(%arg23 : memref<!tpu.dma_semaphore, #tpu.memory_space<semaphore_mem>>)
        } else {
        }
        %add3A_190 = arith.constant 6 : i32
        %add3A_191 = arith.addi %add3A_154, %add3A_190 : i32
        %lt3A_192 = arith.constant 79 : i32
        %lt3A_193 = arith.cmpi slt, %add3A_191, %lt3A_192 : i32
        %add3A_194 = arith.addi %mul3A_2, %add3A_191 : i32
        %lt3A_195 = arith.constant 2500 : i32
        %lt3A_196 = arith.cmpi slt, %add3A_194, %lt3A_195 : i32
        %and3A_197 = arith.andi %lt3A_193, %lt3A_196 : i1
        %convert_element_type3A_198 = arith.extui %and3A_197 : i1 to i32
        %cond3A_199 = arith.constant 0 : i32
        %cond3A_200 = arith.cmpi ne, %convert_element_type3A_198, %cond3A_199 : i32
        scf.if %cond3A_200 {
          %add3A_201 = arith.constant 6 : i32
          %add3A_202 = arith.addi %add3A_154, %add3A_201 : i32
          %add3A_203 = arith.addi %mul3A_2, %add3A_202 : i32
          %mul3A_204 = arith.constant 128 : i32
          %mul3A_205 = arith.muli %add3A_203, %mul3A_204 : i32
          %dma_start3A_206 = tpu.memref_slice %arg3[%mul3A_205] : memref<320000xi32, #tpu.memory_space<hbm>> -> memref<128xi32, #tpu.memory_space<hbm>>
          %dma_start3A_207 = tpu.memref_slice %arg3[%mul3A_205] : memref<320000xi32, #tpu.memory_space<hbm>> -> memref<128xi32, #tpu.memory_space<hbm>>
          tpu.enqueue_dma source(%dma_start3A_207 : memref<128xi32, #tpu.memory_space<hbm>>) target(%arg11 : memref<128xi32, #tpu.memory_space<vmem>>) target_semaphore(%arg29 : memref<!tpu.dma_semaphore, #tpu.memory_space<semaphore_mem>>)
          %add3A_208 = arith.constant 6 : i32
          %add3A_209 = arith.addi %add3A_154, %add3A_208 : i32
          %add3A_210 = arith.addi %mul3A_2, %add3A_209 : i32
          %mul3A_211 = arith.constant 128 : i32
          %mul3A_212 = arith.muli %add3A_210, %mul3A_211 : i32
          %dma_start3A_213 = tpu.memref_slice %arg4[%mul3A_212] : memref<320000xi32, #tpu.memory_space<hbm>> -> memref<128xi32, #tpu.memory_space<hbm>>
          %dma_start3A_214 = tpu.memref_slice %arg4[%mul3A_212] : memref<320000xi32, #tpu.memory_space<hbm>> -> memref<128xi32, #tpu.memory_space<hbm>>
          tpu.enqueue_dma source(%dma_start3A_214 : memref<128xi32, #tpu.memory_space<hbm>>) target(%arg17 : memref<128xi32, #tpu.memory_space<vmem>>) target_semaphore(%arg35 : memref<!tpu.dma_semaphore, #tpu.memory_space<semaphore_mem>>)
        } else {
        }
      } else {
      }
      %mul3A_164 = arith.constant 6 : i32
      %mul3A_165 = arith.muli %mul3A_164, %scan3A_98 : i32
      %add3A_166 = arith.constant 5 : i32
      %add3A_167 = arith.addi %mul3A_165, %add3A_166 : i32
      %lt3A_168 = arith.constant 79 : i32
      %lt3A_169 = arith.cmpi slt, %add3A_167, %lt3A_168 : i32
      %add3A_170 = arith.addi %mul3A_2, %add3A_167 : i32
      %lt3A_171 = arith.constant 2500 : i32
      %lt3A_172 = arith.cmpi slt, %add3A_170, %lt3A_171 : i32
      %and3A_173 = arith.andi %lt3A_169, %lt3A_172 : i1
      %convert_element_type3A_174 = arith.extui %and3A_173 : i1 to i32
      %cond3A_175 = arith.constant 0 : i32
      %cond3A_176 = arith.cmpi ne, %convert_element_type3A_174, %cond3A_175 : i32
      scf.if %cond3A_176 {
        %dma_wait3A = arith.constant 0 : i32
        %dma_wait3A_177 = arith.constant 0 : i32
        %dma_wait3A_178 = tpu.memref_slice %arg2[%dma_wait3A, %dma_wait3A_177] : memref<10000x128xf32, #tpu.memory_space<hbm>> -> memref<10000x128xf32, #tpu.memory_space<hbm>>
        tpu.wait_indirect_dma semaphore(%arg24 : memref<!tpu.dma_semaphore, #tpu.memory_space<semaphore_mem>>) src(%dma_wait3A_178 : memref<10000x128xf32, #tpu.memory_space<hbm>>) dst(%arg21 : memref<128x128xf32, #tpu.memory_space<vmem>>)
        "tpu.region"() ({
          %run_scoped3A = tpu.sem_alloc : memref<!tpu.dma_semaphore, #tpu.memory_space<semaphore_mem>>
          %dma_start3A_201 = arith.constant 0 : i32
          %dma_start3A_202 = arith.constant 0 : i32
          %dma_start3A_203 = tpu.memref_slice %arg37[%dma_start3A_201, %dma_start3A_202] : memref<10000x128xf32, #tpu.memory_space<vmem_shared>> -> memref<10000x128xf32, #tpu.memory_space<vmem_shared>>
          tpu.enqueue_indirect_dma source(%arg21 : memref<128x128xf32, #tpu.memory_space<vmem>>) target(%dma_start3A_203 : memref<10000x128xf32, #tpu.memory_space<vmem_shared>>) offsets(%arg18 : memref<128xi32, #tpu.memory_space<vmem>>) semaphore(%run_scoped3A : memref<!tpu.dma_semaphore, #tpu.memory_space<semaphore_mem>>) {add = true}
          %dma_wait3A_204 = arith.constant 0 : i32
          %dma_wait3A_205 = arith.constant 0 : i32
          %dma_wait3A_206 = tpu.memref_slice %arg37[%dma_wait3A_204, %dma_wait3A_205] : memref<10000x128xf32, #tpu.memory_space<vmem_shared>> -> memref<10000x128xf32, #tpu.memory_space<vmem_shared>>
          tpu.wait_indirect_dma semaphore(%run_scoped3A : memref<!tpu.dma_semaphore, #tpu.memory_space<semaphore_mem>>) src(%arg21 : memref<128x128xf32, #tpu.memory_space<vmem>>) dst(%dma_wait3A_206 : memref<10000x128xf32, #tpu.memory_space<vmem_shared>>)
          tpu.yield
        }) : () -> ()
        %add3A_179 = arith.constant 3 : i32
        %add3A_180 = arith.addi %add3A_167, %add3A_179 : i32
        %lt3A_181 = arith.constant 79 : i32
        %lt3A_182 = arith.cmpi slt, %add3A_180, %lt3A_181 : i32
        %add3A_183 = arith.addi %mul3A_2, %add3A_180 : i32
        %lt3A_184 = arith.constant 2500 : i32
        %lt3A_185 = arith.cmpi slt, %add3A_183, %lt3A_184 : i32
        %and3A_186 = arith.andi %lt3A_182, %lt3A_185 : i1
        %convert_element_type3A_187 = arith.extui %and3A_186 : i1 to i32
        %cond3A_188 = arith.constant 0 : i32
        %cond3A_189 = arith.cmpi ne, %convert_element_type3A_187, %cond3A_188 : i32
        scf.if %cond3A_189 {
          %add3A_201 = arith.constant 3 : i32
          %add3A_202 = arith.addi %add3A_167, %add3A_201 : i32
          %add3A_203 = arith.addi %mul3A_2, %add3A_202 : i32
          %mul3A_204 = arith.constant 128 : i32
          %mul3A_205 = arith.muli %add3A_203, %mul3A_204 : i32
          %dma_wait3A_206 = tpu.memref_slice %arg3[%mul3A_205] : memref<320000xi32, #tpu.memory_space<hbm>> -> memref<128xi32, #tpu.memory_space<hbm>>
          %dma_wait3A_207 = tpu.memref_slice %arg3[%mul3A_205] : memref<320000xi32, #tpu.memory_space<hbm>> -> memref<128xi32, #tpu.memory_space<hbm>>
          tpu.wait_dma2 semaphore(%arg27 : memref<!tpu.dma_semaphore, #tpu.memory_space<semaphore_mem>>) src(%dma_wait3A_207 : memref<128xi32, #tpu.memory_space<hbm>>) dst(%arg9 : memref<128xi32, #tpu.memory_space<vmem>>)
          %add3A_208 = arith.constant 3 : i32
          %add3A_209 = arith.addi %add3A_167, %add3A_208 : i32
          %add3A_210 = arith.addi %mul3A_2, %add3A_209 : i32
          %mul3A_211 = arith.constant 128 : i32
          %mul3A_212 = arith.muli %add3A_210, %mul3A_211 : i32
          %dma_wait3A_213 = tpu.memref_slice %arg4[%mul3A_212] : memref<320000xi32, #tpu.memory_space<hbm>> -> memref<128xi32, #tpu.memory_space<hbm>>
          %dma_wait3A_214 = tpu.memref_slice %arg4[%mul3A_212] : memref<320000xi32, #tpu.memory_space<hbm>> -> memref<128xi32, #tpu.memory_space<hbm>>
          tpu.wait_dma2 semaphore(%arg33 : memref<!tpu.dma_semaphore, #tpu.memory_space<semaphore_mem>>) src(%dma_wait3A_214 : memref<128xi32, #tpu.memory_space<hbm>>) dst(%arg15 : memref<128xi32, #tpu.memory_space<vmem>>)
          %dma_start3A_215 = arith.constant 0 : i32
          %dma_start3A_216 = arith.constant 0 : i32
          %dma_start3A_217 = tpu.memref_slice %arg2[%dma_start3A_215, %dma_start3A_216] : memref<10000x128xf32, #tpu.memory_space<hbm>> -> memref<10000x128xf32, #tpu.memory_space<hbm>>
          tpu.enqueue_indirect_dma source(%dma_start3A_217 : memref<10000x128xf32, #tpu.memory_space<hbm>>) target(%arg21 : memref<128x128xf32, #tpu.memory_space<vmem>>) offsets(%arg9 : memref<128xi32, #tpu.memory_space<vmem>>) semaphore(%arg24 : memref<!tpu.dma_semaphore, #tpu.memory_space<semaphore_mem>>)
        } else {
        }
        %add3A_190 = arith.constant 6 : i32
        %add3A_191 = arith.addi %add3A_167, %add3A_190 : i32
        %lt3A_192 = arith.constant 79 : i32
        %lt3A_193 = arith.cmpi slt, %add3A_191, %lt3A_192 : i32
        %add3A_194 = arith.addi %mul3A_2, %add3A_191 : i32
        %lt3A_195 = arith.constant 2500 : i32
        %lt3A_196 = arith.cmpi slt, %add3A_194, %lt3A_195 : i32
        %and3A_197 = arith.andi %lt3A_193, %lt3A_196 : i1
        %convert_element_type3A_198 = arith.extui %and3A_197 : i1 to i32
        %cond3A_199 = arith.constant 0 : i32
        %cond3A_200 = arith.cmpi ne, %convert_element_type3A_198, %cond3A_199 : i32
        scf.if %cond3A_200 {
          %add3A_201 = arith.constant 6 : i32
          %add3A_202 = arith.addi %add3A_167, %add3A_201 : i32
          %add3A_203 = arith.addi %mul3A_2, %add3A_202 : i32
          %mul3A_204 = arith.constant 128 : i32
          %mul3A_205 = arith.muli %add3A_203, %mul3A_204 : i32
          %dma_start3A_206 = tpu.memref_slice %arg3[%mul3A_205] : memref<320000xi32, #tpu.memory_space<hbm>> -> memref<128xi32, #tpu.memory_space<hbm>>
          %dma_start3A_207 = tpu.memref_slice %arg3[%mul3A_205] : memref<320000xi32, #tpu.memory_space<hbm>> -> memref<128xi32, #tpu.memory_space<hbm>>
          tpu.enqueue_dma source(%dma_start3A_207 : memref<128xi32, #tpu.memory_space<hbm>>) target(%arg12 : memref<128xi32, #tpu.memory_space<vmem>>) target_semaphore(%arg30 : memref<!tpu.dma_semaphore, #tpu.memory_space<semaphore_mem>>)
          %add3A_208 = arith.constant 6 : i32
          %add3A_209 = arith.addi %add3A_167, %add3A_208 : i32
          %add3A_210 = arith.addi %mul3A_2, %add3A_209 : i32
          %mul3A_211 = arith.constant 128 : i32
          %mul3A_212 = arith.muli %add3A_210, %mul3A_211 : i32
          %dma_start3A_213 = tpu.memref_slice %arg4[%mul3A_212] : memref<320000xi32, #tpu.memory_space<hbm>> -> memref<128xi32, #tpu.memory_space<hbm>>
          %dma_start3A_214 = tpu.memref_slice %arg4[%mul3A_212] : memref<320000xi32, #tpu.memory_space<hbm>> -> memref<128xi32, #tpu.memory_space<hbm>>
          tpu.enqueue_dma source(%dma_start3A_214 : memref<128xi32, #tpu.memory_space<hbm>>) target(%arg18 : memref<128xi32, #tpu.memory_space<vmem>>) target_semaphore(%arg36 : memref<!tpu.dma_semaphore, #tpu.memory_space<semaphore_mem>>)
        } else {
        }
      } else {
      }
    }
    %scan3A_87 = arith.constant 14 : i32
    %barrier3A_88 = arith.constant 0 : index
    tpu.barrier barrier_id(%barrier3A_88)
    %lt3A = arith.constant 15 : i32
    %lt3A_89 = arith.cmpi slt, %arg1, %lt3A : i32
    %convert_element_type3A_90 = arith.extui %lt3A_89 : i1 to i32
    %cond3A_91 = arith.constant 0 : i32
    %cond3A_92 = arith.cmpi ne, %convert_element_type3A_90, %cond3A_91 : i32
    scf.if %cond3A_92 {
      %mul3A_98 = arith.constant 632 : i32
      %mul3A_99 = arith.muli %arg1, %mul3A_98 : i32
      %mul3A_100 = arith.constant 632 : i32
      %mul3A_101 = arith.muli %arg1, %mul3A_100 : i32
      "tpu.region"() ({
        %run_scoped3A = tpu.sem_alloc : memref<!tpu.dma_semaphore, #tpu.memory_space<semaphore_mem>>
        %dma_start3A_102 = arith.constant 0 : i32
        %dma_start3A_103 = tpu.memref_slice %arg6[%arg0, %mul3A_101, %dma_start3A_102] : memref<2x10000x128xf32, #tpu.memory_space<hbm>> -> memref<1x632x128xf32, #tpu.memory_space<hbm>>
        %dma_start3A_104 = tpu.memref_squeeze %dma_start3A_103 : memref<1x632x128xf32, #tpu.memory_space<hbm>> -> memref<632x128xf32, #tpu.memory_space<hbm>>
        %dma_start3A_105 = arith.constant 0 : i32
        %dma_start3A_106 = tpu.memref_slice %arg37[%mul3A_99, %dma_start3A_105] : memref<10000x128xf32, #tpu.memory_space<vmem_shared>> -> memref<632x128xf32, #tpu.memory_space<vmem_shared>>
        tpu.enqueue_dma source(%dma_start3A_106 : memref<632x128xf32, #tpu.memory_space<vmem_shared>>) target(%dma_start3A_104 : memref<632x128xf32, #tpu.memory_space<hbm>>) target_semaphore(%run_scoped3A : memref<!tpu.dma_semaphore, #tpu.memory_space<semaphore_mem>>)
        %dma_wait3A = arith.constant 0 : i32
        %dma_wait3A_107 = tpu.memref_slice %arg6[%arg0, %mul3A_101, %dma_wait3A] : memref<2x10000x128xf32, #tpu.memory_space<hbm>> -> memref<1x632x128xf32, #tpu.memory_space<hbm>>
        %dma_wait3A_108 = tpu.memref_squeeze %dma_wait3A_107 : memref<1x632x128xf32, #tpu.memory_space<hbm>> -> memref<632x128xf32, #tpu.memory_space<hbm>>
        %dma_wait3A_109 = arith.constant 0 : i32
        %dma_wait3A_110 = tpu.memref_slice %arg37[%mul3A_99, %dma_wait3A_109] : memref<10000x128xf32, #tpu.memory_space<vmem_shared>> -> memref<632x128xf32, #tpu.memory_space<vmem_shared>>
        tpu.wait_dma2 semaphore(%run_scoped3A : memref<!tpu.dma_semaphore, #tpu.memory_space<semaphore_mem>>) src(%dma_wait3A_110 : memref<632x128xf32, #tpu.memory_space<vmem_shared>>) dst(%dma_wait3A_108 : memref<632x128xf32, #tpu.memory_space<hbm>>)
        tpu.yield
      }) : () -> ()
    } else {
    }
    %eq3A_93 = arith.constant 15 : i32
    %eq3A_94 = arith.cmpi eq, %arg1, %eq3A_93 : i32
    %convert_element_type3A_95 = arith.extui %eq3A_94 : i1 to i32
    %cond3A_96 = arith.constant 0 : i32
    %cond3A_97 = arith.cmpi ne, %convert_element_type3A_95, %cond3A_96 : i32
    scf.if %cond3A_97 {
      "tpu.region"() ({
        %run_scoped3A = tpu.sem_alloc : memref<!tpu.dma_semaphore, #tpu.memory_space<semaphore_mem>>
        %dma_start3A_98 = arith.constant 9480 : i32
        %dma_start3A_99 = arith.constant 0 : i32
        %dma_start3A_100 = tpu.memref_slice %arg6[%arg0, %dma_start3A_98, %dma_start3A_99] : memref<2x10000x128xf32, #tpu.memory_space<hbm>> -> memref<1x520x128xf32, #tpu.memory_space<hbm>>
        %dma_start3A_101 = tpu.memref_squeeze %dma_start3A_100 : memref<1x520x128xf32, #tpu.memory_space<hbm>> -> memref<520x128xf32, #tpu.memory_space<hbm>>
        %dma_start3A_102 = arith.constant 9480 : i32
        %dma_start3A_103 = arith.constant 0 : i32
        %dma_start3A_104 = tpu.memref_slice %arg37[%dma_start3A_102, %dma_start3A_103] : memref<10000x128xf32, #tpu.memory_space<vmem_shared>> -> memref<520x128xf32, #tpu.memory_space<vmem_shared>>
        tpu.enqueue_dma source(%dma_start3A_104 : memref<520x128xf32, #tpu.memory_space<vmem_shared>>) target(%dma_start3A_101 : memref<520x128xf32, #tpu.memory_space<hbm>>) target_semaphore(%run_scoped3A : memref<!tpu.dma_semaphore, #tpu.memory_space<semaphore_mem>>)
        %dma_wait3A = arith.constant 9480 : i32
        %dma_wait3A_105 = arith.constant 0 : i32
        %dma_wait3A_106 = tpu.memref_slice %arg6[%arg0, %dma_wait3A, %dma_wait3A_105] : memref<2x10000x128xf32, #tpu.memory_space<hbm>> -> memref<1x520x128xf32, #tpu.memory_space<hbm>>
        %dma_wait3A_107 = tpu.memref_squeeze %dma_wait3A_106 : memref<1x520x128xf32, #tpu.memory_space<hbm>> -> memref<520x128xf32, #tpu.memory_space<hbm>>
        %dma_wait3A_108 = arith.constant 9480 : i32
        %dma_wait3A_109 = arith.constant 0 : i32
        %dma_wait3A_110 = tpu.memref_slice %arg37[%dma_wait3A_108, %dma_wait3A_109] : memref<10000x128xf32, #tpu.memory_space<vmem_shared>> -> memref<520x128xf32, #tpu.memory_space<vmem_shared>>
        tpu.wait_dma2 semaphore(%run_scoped3A : memref<!tpu.dma_semaphore, #tpu.memory_space<semaphore_mem>>) src(%dma_wait3A_110 : memref<520x128xf32, #tpu.memory_space<vmem_shared>>) dst(%dma_wait3A_107 : memref<520x128xf32, #tpu.memory_space<hbm>>)
        tpu.yield
      }) : () -> ()
    } else {
    }
    return
  }
}

module attributes {stable_mosaic.version = 14 : i64} {
  func.func @_prep_body(%arg0: i32, %arg1: memref<2000x1xf32, #tpu.memory_space<vmem>>, %arg2: memref<2000x1xf32, #tpu.memory_space<vmem>>, %arg3: memref<2000x128xf32, #tpu.memory_space<vmem>>, %arg4: memref<2000x128xf32, #tpu.memory_space<vmem>>, %arg5: memref<2000x1xf32, #tpu.memory_space<vmem>>) attributes {dimension_semantics = [#tpu.dimension_semantics<arbitrary>], iteration_bounds = array<i64: 5>, scalar_prefetch = 0 : i64, scratch_operands = 0 : i64, tpu.core_type = #tpu.core_type<tc>, window_params = [{transform_indices = @transform_0, window_bounds = array<i64: 2000, 1>}, {transform_indices = @transform_1, window_bounds = array<i64: 2000, 1>}, {transform_indices = @transform_2, window_bounds = array<i64: 2000, 128>}, {transform_indices = @transform_3, window_bounds = array<i64: 2000, 128>}, {transform_indices = @transform_4, window_bounds = array<i64: 2000, 1>}]} {
    %get3A = arith.constant 0 : index
    %get3A_0 = arith.constant 0 : index
    %get3A_1 = vector.load %arg1[%get3A, %get3A_0] : memref<2000x1xf32, #tpu.memory_space<vmem>>, vector<2000x1xf32>
    %get3A_2 = arith.constant 0 : index
    %get3A_3 = arith.constant 0 : index
    %get3A_4 = vector.load %arg2[%get3A_2, %get3A_3] : memref<2000x1xf32, #tpu.memory_space<vmem>>, vector<2000x1xf32>
    %add3A = arith.addf %get3A_1, %get3A_4 : vector<2000x1xf32>
    %rsqrt3A = math.rsqrt %add3A : vector<2000x1xf32>
    %swap3A = arith.constant 0 : index
    %swap3A_5 = arith.constant 0 : index
    %swap3A_6 = vector.load %arg5[%swap3A, %swap3A_5] : memref<2000x1xf32, #tpu.memory_space<vmem>>, vector<2000x1xf32>
    tpu.vector_store %arg5[%swap3A, %swap3A_5], %rsqrt3A {strides = array<i32>} : memref<2000x1xf32, #tpu.memory_space<vmem>>, vector<2000x1xf32>,
    %get3A_7 = arith.constant 0 : index
    %get3A_8 = arith.constant 0 : index
    %get3A_9 = vector.load %arg3[%get3A_7, %get3A_8] : memref<2000x128xf32, #tpu.memory_space<vmem>>, vector<2000x128xf32>
    %mul3A = vector.broadcast %rsqrt3A : vector<2000x1xf32> to vector<2000x128xf32>
    %mul3A_10 = arith.mulf %get3A_9, %mul3A : vector<2000x128xf32>
    %swap3A_11 = arith.constant 0 : index
    %swap3A_12 = arith.constant 0 : index
    %swap3A_13 = vector.load %arg4[%swap3A_11, %swap3A_12] : memref<2000x128xf32, #tpu.memory_space<vmem>>, vector<2000x128xf32>
    tpu.vector_store %arg4[%swap3A_11, %swap3A_12], %mul3A_10 {strides = array<i32>} : memref<2000x128xf32, #tpu.memory_space<vmem>>, vector<2000x128xf32>,
    return
  }
  func.func @transform_0(%arg0: i32) -> (i32, i32) {
    %c0_i32 = arith.constant 0 : i32
    %c0_i32_0 = arith.constant 0 : i32
    return %arg0, %c0_i32 : i32, i32
  }
  func.func @transform_1(%arg0: i32) -> (i32, i32) {
    %c0_i32 = arith.constant 0 : i32
    %c0_i32_0 = arith.constant 0 : i32
    return %arg0, %c0_i32 : i32, i32
  }
  func.func @transform_2(%arg0: i32) -> (i32, i32) {
    %c0_i32 = arith.constant 0 : i32
    %c0_i32_0 = arith.constant 0 : i32
    return %arg0, %c0_i32 : i32, i32
  }
  func.func @transform_3(%arg0: i32) -> (i32, i32) {
    %c0_i32 = arith.constant 0 : i32
    %c0_i32_0 = arith.constant 0 : i32
    return %arg0, %c0_i32 : i32, i32
  }
  func.func @transform_4(%arg0: i32) -> (i32, i32) {
    %c0_i32 = arith.constant 0 : i32
    %c0_i32_0 = arith.constant 0 : i32
    return %arg0, %c0_i32 : i32, i32
  }
}

module attributes {stable_mosaic.version = 14 : i64} {
  func.func @_mm_body(%arg0: i32, %arg1: memref<2000x128xf32, #tpu.memory_space<vmem>>, %arg2: memref<2000x128xf32, #tpu.memory_space<vmem>>, %arg3: memref<2000x1xf32, #tpu.memory_space<vmem>>, %arg4: memref<128x256xf32, #tpu.memory_space<vmem>>, %arg5: memref<1x256xf32, #tpu.memory_space<vmem>>, %arg6: memref<256x128xf32, #tpu.memory_space<vmem>>, %arg7: memref<2000x128xf32, #tpu.memory_space<vmem>>) attributes {dimension_semantics = [#tpu.dimension_semantics<arbitrary>], iteration_bounds = array<i64: 5>, scalar_prefetch = 0 : i64, scratch_operands = 0 : i64, tpu.core_type = #tpu.core_type<tc>, window_params = [{transform_indices = @transform_0, window_bounds = array<i64: 2000, 128>}, {transform_indices = @transform_1, window_bounds = array<i64: 2000, 128>}, {transform_indices = @transform_2, window_bounds = array<i64: 2000, 1>}, {pipeline_mode = #tpu.pipeline_mode<synchronous>, transform_indices = @transform_3, window_bounds = array<i64: 128, 256>}, {pipeline_mode = #tpu.pipeline_mode<synchronous>, transform_indices = @transform_4, window_bounds = array<i64: 1, 256>}, {pipeline_mode = #tpu.pipeline_mode<synchronous>, transform_indices = @transform_5, window_bounds = array<i64: 256, 128>}, {transform_indices = @transform_6, window_bounds = array<i64: 2000, 128>}]} {
    %get3A = arith.constant 0 : index
    %get3A_0 = arith.constant 0 : index
    %get3A_1 = vector.load %arg1[%get3A, %get3A_0] : memref<2000x128xf32, #tpu.memory_space<vmem>>, vector<2000x128xf32>
    %get3A_2 = arith.constant 0 : index
    %get3A_3 = arith.constant 0 : index
    %get3A_4 = vector.load %arg2[%get3A_2, %get3A_3] : memref<2000x128xf32, #tpu.memory_space<vmem>>, vector<2000x128xf32>
    %add3A = arith.addf %get3A_1, %get3A_4 : vector<2000x128xf32>
    %get3A_5 = arith.constant 0 : index
    %get3A_6 = arith.constant 0 : index
    %get3A_7 = vector.load %arg3[%get3A_5, %get3A_6] : memref<2000x1xf32, #tpu.memory_space<vmem>>, vector<2000x1xf32>
    %get3A_8 = arith.constant 0 : index
    %get3A_9 = arith.constant 0 : index
    %get3A_10 = vector.load %arg4[%get3A_8, %get3A_9] : memref<128x256xf32, #tpu.memory_space<vmem>>, vector<128x256xf32>
    %dot_general3A = arith.constant dense<0.000000e+00> : vector<2000x256xf32>
    %dot_general3A_11 = tpu.matmul %add3A, %get3A_10, %dot_general3A {dimension_numbers = #tpu.dot_dimension_numbers<[1], [0], [0], [1], [0, 0, 1, 1], [], []>, transpose_lhs_hint = false} : vector<2000x128xf32>, vector<128x256xf32>, vector<2000x256xf32> -> vector<2000x256xf32>
    %mul3A = vector.broadcast %get3A_7 : vector<2000x1xf32> to vector<2000x256xf32>
    %mul3A_12 = arith.mulf %dot_general3A_11, %mul3A : vector<2000x256xf32>
    %get3A_13 = arith.constant 0 : index
    %get3A_14 = arith.constant 0 : index
    %get3A_15 = vector.load %arg5[%get3A_13, %get3A_14] : memref<1x256xf32, #tpu.memory_space<vmem>>, vector<1x256xf32>
    %add3A_16 = vector.broadcast %get3A_15 : vector<1x256xf32> to vector<2000x256xf32>
    %add3A_17 = arith.addf %mul3A_12, %add3A_16 : vector<2000x256xf32>
    %max3A = arith.constant 0.000000e+00 : f32
    %max3A_18 = vector.broadcast %max3A : f32 to vector<2000x256xf32>
    %max3A_19 = arith.maximumf %add3A_17, %max3A_18 : vector<2000x256xf32>
    %get3A_20 = arith.constant 0 : index
    %get3A_21 = arith.constant 0 : index
    %get3A_22 = vector.load %arg6[%get3A_20, %get3A_21] : memref<256x128xf32, #tpu.memory_space<vmem>>, vector<256x128xf32>
    %dot_general3A_23 = arith.constant dense<0.000000e+00> : vector<2000x128xf32>
    %dot_general3A_24 = tpu.matmul %max3A_19, %get3A_22, %dot_general3A_23 {dimension_numbers = #tpu.dot_dimension_numbers<[1], [0], [0], [1], [0, 0, 1, 1], [], []>, transpose_lhs_hint = false} : vector<2000x256xf32>, vector<256x128xf32>, vector<2000x128xf32> -> vector<2000x128xf32>
    %mul3A_25 = vector.broadcast %get3A_7 : vector<2000x1xf32> to vector<2000x128xf32>
    %mul3A_26 = arith.mulf %dot_general3A_24, %mul3A_25 : vector<2000x128xf32>
    %swap3A = arith.constant 0 : index
    %swap3A_27 = arith.constant 0 : index
    %swap3A_28 = vector.load %arg7[%swap3A, %swap3A_27] : memref<2000x128xf32, #tpu.memory_space<vmem>>, vector<2000x128xf32>
    tpu.vector_store %arg7[%swap3A, %swap3A_27], %mul3A_26 {strides = array<i32>} : memref<2000x128xf32, #tpu.memory_space<vmem>>, vector<2000x128xf32>,
    return
  }
  func.func @transform_0(%arg0: i32) -> (i32, i32) {
    %c0_i32 = arith.constant 0 : i32
    %c0_i32_0 = arith.constant 0 : i32
    return %arg0, %c0_i32 : i32, i32
  }
  func.func @transform_1(%arg0: i32) -> (i32, i32) {
    %c0_i32 = arith.constant 0 : i32
    %c0_i32_0 = arith.constant 0 : i32
    return %arg0, %c0_i32 : i32, i32
  }
  func.func @transform_2(%arg0: i32) -> (i32, i32) {
    %c0_i32 = arith.constant 0 : i32
    %c0_i32_0 = arith.constant 0 : i32
    return %arg0, %c0_i32 : i32, i32
  }
  func.func @transform_3(%arg0: i32) -> (i32, i32) {
    %c0_i32 = arith.constant 0 : i32
    %c0_i32_0 = arith.constant 0 : i32
    %c0_i32_1 = arith.constant 0 : i32
    return %c0_i32, %c0_i32_0 : i32, i32
  }
  func.func @transform_4(%arg0: i32) -> (i32, i32) {
    %c0_i32 = arith.constant 0 : i32
    %c0_i32_0 = arith.constant 0 : i32
    %c0_i32_1 = arith.constant 0 : i32
    return %c0_i32, %c0_i32_0 : i32, i32
  }
  func.func @transform_5(%arg0: i32) -> (i32, i32) {
    %c0_i32 = arith.constant 0 : i32
    %c0_i32_0 = arith.constant 0 : i32
    %c0_i32_1 = arith.constant 0 : i32
    return %c0_i32, %c0_i32_0 : i32, i32
  }
  func.func @transform_6(%arg0: i32) -> (i32, i32) {
    %c0_i32 = arith.constant 0 : i32
    %c0_i32_0 = arith.constant 0 : i32
    return %arg0, %c0_i32 : i32, i32
  }
}

module attributes {stable_mosaic.version = 14 : i64} {
  func.func @_fin_body(%arg0: i32, %arg1: memref<2000x128xf32, #tpu.memory_space<vmem>>, %arg2: memref<2000x128xf32, #tpu.memory_space<vmem>>, %arg3: memref<2000x1xf32, #tpu.memory_space<vmem>>, %arg4: memref<1x128xf32, #tpu.memory_space<vmem>>, %arg5: memref<2000x128xf32, #tpu.memory_space<vmem>>) attributes {dimension_semantics = [#tpu.dimension_semantics<arbitrary>], iteration_bounds = array<i64: 5>, scalar_prefetch = 0 : i64, scratch_operands = 0 : i64, tpu.core_type = #tpu.core_type<tc>, window_params = [{transform_indices = @transform_0, window_bounds = array<i64: 2000, 128>}, {transform_indices = @transform_1, window_bounds = array<i64: 2000, 128>}, {transform_indices = @transform_2, window_bounds = array<i64: 2000, 1>}, {pipeline_mode = #tpu.pipeline_mode<synchronous>, transform_indices = @transform_3, window_bounds = array<i64: 1, 128>}, {transform_indices = @transform_4, window_bounds = array<i64: 2000, 128>}]} {
    %get3A = arith.constant 0 : index
    %get3A_0 = arith.constant 0 : index
    %get3A_1 = vector.load %arg1[%get3A, %get3A_0] : memref<2000x128xf32, #tpu.memory_space<vmem>>, vector<2000x128xf32>
    %get3A_2 = arith.constant 0 : index
    %get3A_3 = arith.constant 0 : index
    %get3A_4 = vector.load %arg2[%get3A_2, %get3A_3] : memref<2000x128xf32, #tpu.memory_space<vmem>>, vector<2000x128xf32>
    %add3A = arith.addf %get3A_1, %get3A_4 : vector<2000x128xf32>
    %get3A_5 = arith.constant 0 : index
    %get3A_6 = arith.constant 0 : index
    %get3A_7 = vector.load %arg3[%get3A_5, %get3A_6] : memref<2000x1xf32, #tpu.memory_space<vmem>>, vector<2000x1xf32>
    %mul3A = vector.broadcast %get3A_7 : vector<2000x1xf32> to vector<2000x128xf32>
    %mul3A_8 = arith.mulf %add3A, %mul3A : vector<2000x128xf32>
    %get3A_9 = arith.constant 0 : index
    %get3A_10 = arith.constant 0 : index
    %get3A_11 = vector.load %arg4[%get3A_9, %get3A_10] : memref<1x128xf32, #tpu.memory_space<vmem>>, vector<1x128xf32>
    %add3A_12 = vector.broadcast %get3A_11 : vector<1x128xf32> to vector<2000x128xf32>
    %add3A_13 = arith.addf %mul3A_8, %add3A_12 : vector<2000x128xf32>
    %swap3A = arith.constant 0 : index
    %swap3A_14 = arith.constant 0 : index
    %swap3A_15 = vector.load %arg5[%swap3A, %swap3A_14] : memref<2000x128xf32, #tpu.memory_space<vmem>>, vector<2000x128xf32>
    tpu.vector_store %arg5[%swap3A, %swap3A_14], %add3A_13 {strides = array<i32>} : memref<2000x128xf32, #tpu.memory_space<vmem>>, vector<2000x128xf32>,
    return
  }
  func.func @transform_0(%arg0: i32) -> (i32, i32) {
    %c0_i32 = arith.constant 0 : i32
    %c0_i32_0 = arith.constant 0 : i32
    return %arg0, %c0_i32 : i32, i32
  }
  func.func @transform_1(%arg0: i32) -> (i32, i32) {
    %c0_i32 = arith.constant 0 : i32
    %c0_i32_0 = arith.constant 0 : i32
    return %arg0, %c0_i32 : i32, i32
  }
  func.func @transform_2(%arg0: i32) -> (i32, i32) {
    %c0_i32 = arith.constant 0 : i32
    %c0_i32_0 = arith.constant 0 : i32
    return %arg0, %c0_i32 : i32, i32
  }
  func.func @transform_3(%arg0: i32) -> (i32, i32) {
    %c0_i32 = arith.constant 0 : i32
    %c0_i32_0 = arith.constant 0 : i32
    %c0_i32_1 = arith.constant 0 : i32
    return %c0_i32, %c0_i32_0 : i32, i32
  }
  func.func @transform_4(%arg0: i32) -> (i32, i32) {
    %c0_i32 = arith.constant 0 : i32
    %c0_i32_0 = arith.constant 0 : i32
    return %arg0, %c0_i32 : i32, i32
  }
}

</mosaic_0001>

<sc_bundles>
// kernel: kernel.11.cloned.1.call-start
scs
__scs_entry_jumppad:
0x0: {  	(pc) =	sbr.rel $0x88, $3  }
0x1: {  	(tag) =	ssettag $0x0;
	lr =	simm.s32 $0x1  }
0x2: {  	[smem:$0x3F9B] =	sst lr;
	_ =	strace $0xD0000000  }
0x3: {  	_ = 	snop  }
0x4: {  	_ = 	snop  }
0x5: {  	_ = 	snop  }
0x6: {  	_ = 	snop  }
0x7: {  	_ = 	snop  }
__scs_overlays_trampoline_lowered:
0x8: {  	[smem:$0x3FAA] =	sst s0  }
0x9: {  	[smem:$0x3FAB] =	sst s1  }
0xa: {  	[smem:$0x3FAC] =	sst s2  }
0xb: {  	[smem:$0x3FAD] =	sst s3  }
0xc: {  	[smem:$0x3FAE] =	sst s4  }
0xd: {  	[smem:$0x3FAF] =	sst s5  }
0xe: {  	[smem:$0x3FB0] =	sst s6  }
0xf: {  	[smem:$0x3FB1] =	sst s7  }
0x10: {  	[smem:$0x3FB2] =	sst s8  }
0x11: {  	[smem:$0x3FB3] =	sst s9;
	s0 =	simm.s32 @!p0 $0x0  }
0x12: {  	s1 =	sld [smem:$0x3F99];
	s0 =	simm.s32 @p0 $0x1  }
0x13: {  	[smem:$0x3FB4] =	sst s0;
	s0 =	simm.s32 @!p1 $0x0  }
0x14: {  	s2 =	sld [smem:$0x3F98];
	s0 =	simm.s32 @p1 $0x1  }
0x15: {  	[smem:$0x3FB5] =	sst s0;
	s0 =	simm.s32 @!p2 $0x0  }
0x16: {  	s3 =	sld [smem:$0x3FDB];
	s0 =	simm.s32 @p2 $0x1  }
0x17: {  	s4 =	simm.s32 $0x1BF5;
	[smem:$0x3FB7] =	sst s0  }
0x18: {  	s0 =	sld [smem:$0x3F9A];
	_ =	swait.ge [sflag:s4], $0x0  }
0x19: {  	s7 =	sld [smem:$0x3F9B]  }
0x1a: {  	s8 =	sadd.s32 $0xFFFFE003, lr  }
0x1b: {  	s9 =	sadd.s32 $0xFFFFFEF7, lr;
	s5 =	simm.s32 $0xFFFFFFFF;
	p2 =	slt.u32 s8, $0xFFFFF086  }
0x1c: {  	p1 =	slt.u32 s9, $0xF7A;
	s5 =	simm.s32 @!p2 $0x0  }
0x1d: {  	s5 =	simm.s32 @p1 $0x1;
	p0 =	seq.s32 s7, s2  }
0x1e: {  	s7 =	smul.u32 @!p0 $0xF7A, s2;
	p2 =	seq.s32 @!p0 s5, $0x0  }
0x1f: {  	s9 =	smul.u32 $0xF7A, s1;
	s8 =	simm.s32 @!p0 $0x1BF5;
	p2 =	por !p2, p0  }
0x20: {  	[sflag:s8] =	ssyncset.s32 @!p0 $0xFFFFF086;
	s6 =	sadd.s32 @!p0 s3, s7;
	s7 =	simm.s32 @!p0 $0x108  }
0x21: {  	s3 =	sadd.s32 s3, s9;
	s6 =	sadd.s32 @!p0 $0x88, s6;
	s7 =	simm.s32 @p2 $0x1082  }
0x22: {  	[simem:s7], [sflag:s8] =	dma.local @!p0 [hbm:s6], $0xF7A  }
0x23: {  	s9 =	sor.u32 $0xD0000000, s2;
	s6 =	simm.s32 $0x108;
	_ =	swait.ge @!p0 [sflag:s8], $0x0  }
0x24: {  	s3 =	sadd.s32 $0x88, s3;
	s6 =	simm.s32 @!p1 $0x1082;
	[sflag:s4] =	ssyncset.s32 $0xFFFFF086  }
0x25: {  	[simem:s6], [sflag:s4] =	dma.local [hbm:s3], $0xF7A  }
0x26: {  	[smem:$0x3F9B] =	sst s1;
	(tag) =	ssettag s2;
	_ =	strace s9  }
0x27: {  	s1 =	sld [smem:$0x3FAB]  }
0x28: {  	s2 =	sld [smem:$0x3FAC]  }
0x29: {  	s4 =	sld [smem:$0x3FAE]  }
0x2a: {  	p0 =	seq.s32 s5, $0x0;
	s5 =	sld [smem:$0x3FAF]  }
0x2b: {  	s6 =	sld [smem:$0x3FB0]  }
0x2c: {  	s7 =	sld [smem:$0x3FB1]  }
0x2d: {  	s3 =	simm.s32 $0x108;
	s8 =	sld [smem:$0x3FB2]  }
0x2e: {  	s3 =	simm.s32 @!p0 $0x1082;
	s9 =	sld [smem:$0x3FB3]  }
0x2f: {  	lr =	sadd.s32 s0, s3;
	s0 =	sld [smem:$0x3FAA]  }
0x30: {  	s3 =	sld [smem:$0x3FAD]  }
0x31: {  	[smem:$0x3FB6] =	sst s10  }
0x32: {  	s10 =	sld [smem:$0x3FB4];
	_ =	sdelay $0x3  }
0x33: {  	p0 =	seq.s32 s10, $0x1;
	s10 =	sld [smem:$0x3FB6];
	_ =	sdelay $0x3  }
0x34: {  	[smem:$0x3FB6] =	sst s10  }
0x35: {  	s10 =	sld [smem:$0x3FB5];
	_ =	sdelay $0x3  }
0x36: {  	p1 =	seq.s32 s10, $0x1;
	s10 =	sld [smem:$0x3FB6];
	_ =	sdelay $0x3  }
0x37: {  	[smem:$0x3FB6] =	sst s10  }
0x38: {  	s10 =	sld [smem:$0x3FB7]  }
0x39: {  	_ = 	snop;
	(pc) =	sbr.ind lr, $3  }
0x3a: {  	_ = 	snop  }
0x3b: {  	_ = 	snop  }
0x3c: {  	p2 =	seq.s32 s10, $0x1;
	s10 =	sld [smem:$0x3FB6]  }
0x3d: {  	_ =	shalt  }
0x3e: {  	_ =	shalt  }
0x3f: {  	_ =	shalt  }
0x40: {  	_ =	shalt  }
0x41: {  	_ =	shalt  }
0x42: {  	_ =	shalt  }
0x43: {  	_ =	shalt  }
0x44: {  	_ =	shalt  }
0x45: {  	_ =	shalt  }
0x46: {  	_ =	shalt  }
0x47: {  	_ =	shalt  }
0x48: {  	_ =	shalt  }
0x49: {  	_ =	shalt  }
0x4a: {  	_ =	shalt  }
0x4b: {  	_ =	shalt  }
0x4c: {  	_ =	shalt  }
0x4d: {  	_ =	shalt  }
0x4e: {  	_ =	shalt  }
0x4f: {  	_ =	shalt  }
0x50: {  	_ =	shalt  }
0x51: {  	_ =	shalt  }
0x52: {  	_ =	shalt  }
0x53: {  	_ =	shalt  }
0x54: {  	_ =	shalt  }
0x55: {  	_ =	shalt  }
0x56: {  	_ =	shalt  }
0x57: {  	_ =	shalt  }
0x58: {  	_ =	shalt  }
0x59: {  	_ =	shalt  }
0x5a: {  	_ =	shalt  }
0x5b: {  	_ =	shalt  }
0x5c: {  	_ =	shalt  }
0x5d: {  	_ =	shalt  }
0x5e: {  	_ =	shalt  }
0x5f: {  	_ =	shalt  }
0x60: {  	_ =	shalt  }
0x61: {  	_ =	shalt  }
0x62: {  	_ =	shalt  }
0x63: {  	_ =	shalt  }
0x64: {  	_ =	shalt  }
0x65: {  	_ =	shalt  }
0x66: {  	_ =	shalt  }
0x67: {  	_ =	shalt  }
0x68: {  	_ =	shalt  }
0x69: {  	_ =	shalt  }
0x6a: {  	_ =	shalt  }
0x6b: {  	_ =	shalt  }
0x6c: {  	_ =	shalt  }
0x6d: {  	_ =	shalt  }
0x6e: {  	_ =	shalt  }
0x6f: {  	_ =	shalt  }
0x70: {  	_ =	shalt  }
0x71: {  	_ =	shalt  }
0x72: {  	_ =	shalt  }
0x73: {  	_ =	shalt  }
0x74: {  	_ =	shalt  }
0x75: {  	_ =	shalt  }
0x76: {  	_ =	shalt  }
0x77: {  	_ =	shalt  }
0x78: {  	_ =	shalt  }
0x79: {  	_ =	shalt  }
0x7a: {  	_ =	shalt  }
0x7b: {  	_ =	shalt  }
0x7c: {  	_ =	shalt  }
0x7d: {  	_ =	shalt  }
0x7e: {  	_ =	shalt  }
0x7f: {  	_ =	shalt  }
0x80: {  	_ =	shalt  }
0x81: {  	_ =	shalt  }
0x82: {  	_ =	shalt  }
0x83: {  	_ =	shalt  }
0x84: {  	_ =	shalt  }
0x85: {  	_ =	shalt  }
0x86: {  	_ =	shalt  }
0x87: {  	_ =	shalt  }
.Lfunc_end0:
.L_simem_size_0:
called_computation.1_lowered:
.L_overlay_start_0:
0x88: {  	s2 =	sld [smem:$0x3FD9]  }
0x89: {  	s3 =	sld [smem:$0x3FFE];
	_ =	sdelay $0x1  }
0x8a: {  	s1 =	srdreg.scid  }
0x8b: {  	s0 =	sand.u32 $0x1, s1  }
0x8c: {  	s17 =	sshll.u32 s0, $0xA;
	s2 =	sadd.s32 s3, s2  }
0x8d: {  	s2 =	sadd.s32 s2, s17  }
0x8e: {  	[smem:$0x3FC2] =	sst s2  }
0x8f: {  	_ = 	snop  }
0x90: {  	s2 =	sld [smem:$0x3FD0];
	(tm) =	ssettm $0x1  }
0x91: {  	s18 =	sld [smem:$0x3FFB];
	_ =	sdelay $0x3  }
0x92: {  	_ =	strace s18  }
0x93: {  	s3 =	sld [smem:$0x3FFC];
	_ =	sdelay $0x3  }
0x94: {  	_ =	strace s3  }
0x95: {  	s3 =	sld [smem:$0x3FFD];
	_ =	sdelay $0x3  }
0x96: {  	_ =	strace s3  }
0x97: {  	_ =	strace $0x8FFFFFFF  }
0x98: {  	s19 =	sld [smem:$0x3FDB];
	_ =	sdelay $0x1  }
0x99: {  	s4 =	simm.s32 $_scs_section_size  }
0x9a: {  	s5 =	simm.s32 $_size__tile_overlayer_lowered;
	s6 =	simm.s32 $_tile_overlayer_lowered  }
0x9b: {  	s22 =	simm.s32 $0x1BFF;
	s21 =	sshll.u32 s6, $0x1;
	s3 =	sadd.s32 s4, s19  }
0x9c: {  	s7 =	simm.s32 $0x0;
	s20 =	sshll.u32 s5, $0x1;
	s5 =	sadd.s32 s21, s3  }
0x9d: {  	[timem:s7], [sflag:s22] =	dma.local [hbm:s5], s20  }
0x9e: {  	_ =	swait.ge [sflag:s22], s20  }
0x9f: {  	s4 =	ssub.s32 $0x0, s20;
	[sflag:s22] =	ssyncset.done $0x0  }
0xa0: {  	[sflag:s22] =	ssyncadd.s32 s4;
	_ =	sdelay $0x1  }
0xa1: {  	s23 =	simm.s32 $0x1B8B  }
0xa2: {  	_ =	swait.ge [sflag:s23], $0x1  }
0xa3: {  	[sflag:s23] =	ssyncset.done $0x0  }
0xa4: {  	s25 =	simm.s32 $0x1B8E;
	s24 =	sld [smem:$0x3FFE];
	[sflag:s23] =	ssyncadd.s32 $0xFFFFFFFF  }
0xa5: {  	s26 =	simm.s32 $execute0_lowered;
	[smem:$0x3FD2] =	sst s25  }
0xa6: {  	s5 =	sshll.u32 s26, $0x1;
	_ =	strace $0x80000049;
	[dreg:$0x1] =	wrdreg $0xFFFFFFFF  }
0xa7: {  	s28 =	simm.s32 $_size_execute0_lowered;
	s3 =	sadd.s32 s3, s5;
	[dreg:$0x0] =	wrdreg $0x0  }
0xa8: {  	s5 =	sshll.u32 s28, $0x1;
	[dreg:$0x2] =	wrdreg s3  }
0xa9: {  	[dreg:$0x3] =	wrdreg s5  }
0xaa: {  	[dreg:$0x4] =	wrdreg $0xC0  }
0xab: {  	_ =	task [dreg:s7], $0x5FFFF  }
0xac: {  	[dreg:$0x1] =	wrdreg $0xFFFFFFFF  }
0xad: {  	[dreg:$0x0] =	wrdreg $0x60  }
0xae: {  	[dreg:$0x2] =	wrdreg s2  }
0xaf: {  	[dreg:$0x3] =	wrdreg s24  }
0xb0: {  	[dreg:$0x4] =	wrdreg $0xC6000  }
0xb1: {  	[dreg:$0x5] =	wrdreg $0x9  }
0xb2: {  	_ =	task.clear_ibuf [dreg:s7], $0x6FFFF;
	_ =	strace $0x90000049  }
0xb3: {  	s29 =	simm.s32 $0x9;
	_ =	strace $0x8000004B  }
0xb4: {  	_ =	swait.ge [sflag:s29], $0x1  }
0xb5: {  	[sflag:s29] =	ssyncadd.s32 $0xFFFFFFFF  }
0xb6: {  	_ =	strace $0x9000004B  }
0xb7: {  	_ =	sfence  }
0xb8: {  	s30 =	sld [smem:$0x0];
	_ =	sdelay $0x2  }
0xb9: {  	s31 =	sshll.u32 s1, $0xD;
	s1 =	sshrl.u32 s1, $0x2  }
0xba: {  	s3 =	sand.u32 $0x4000, s31;
	s1 =	sadd.s32 s1, s30  }
0xbb: {  	s0 =	sor.u32 s3, s0;
	s1 =	sshll.u32 s1, $0x11  }
0xbc: {  	s0 =	sor.u32 s1, s0  }
0xbd: {  	s0 =	sadd.s32 $0x8F2B, s0  }
0xbe: {  	[sflag:s0] =	ssyncadd.remote.s32 $0x1  }
0xbf: {  	_ =	sfence.sel $0xFFFF  }
0xc0: {  	[dreg:$0x0] =	wrdreg $0xFFFFFFFF;
	(pc) =	sbr.abs _section_cstart, $3  }
0xc1: {  	[dreg:$0x1] =	wrdreg $0xFFFFFFFF  }
0xc2: {  	_ =	task.clear_ibuf [dreg:s7], $0x2FFFF;
	_ =	strace $0x9FFFFFFF  }
0xc3: {  	(tm) =	ssettm $0x7FFFFFFF  }
tec
execute0_lowered:
.L_overlay_start_1:
0x0: {  	(tag) =	ssettag $0x1  }
0x1: {  	s0 =	rddreg [dreg:$0x0]  }
0x2: {  	s1 =	srdreg.scid;
	s5 =	rddreg [dreg:$0x1]  }
0x3: {  	s3 =	rddreg [dreg:$0x2];
	s2 =	stileid.u32  }
0x4: {  	s28 =	simm.s32 $0x10;
	s30 =	simm.s32 $0x80;
	s31 =	simm.s32 $0x100  }
0x5: {  	s1 =	sand.u32 $0x1, s1;
	s6 =	sadd.s32 $0x1A00, s5;
	s24 =	smul.u32 $0x4F, s2  }
0x6: {  	s17 =	sadd.s32 $0xB800, s5;
	s25 =	smul.u32 $0x4F000, s2;
	s4 =	sshll.u32 s1, $0x4  }
0x7: {  	s18 =	sadd.s32 $0x3C800, s5;
	s21 =	smul.u32 $0x138800, s1;
	s4 =	sor.u32 s2, s4  }
0x8: {  	p0 =	seq.s32 s2, $0x0;
	p2 =	seq.s32 s2, $0xF;
	s8 =	smul.u32 $0x2780, s4  }
0x9: {  	s7 =	ssub.s32 $0x2, s1;
	p1 =	seq.s32 s1, $0x1;
	s4 =	smul.u32 $0x4F0, s4  }
0xa: {  	s9 =	sshrl.u32 s7, $0x1;
	p0 =	por !p0, !p1;
	s26 =	sshrl.u32 s25, $0x2  }
0xb: {  	s7 =	ssub.s32 s7, s9;
	s8 =	sshrl.u32 s8, $0x3;
	s12 =	sadd.s32 s6, s4  }
0xc: {  	s4 =	sadd.s32 s17, s4;
	[dreg:$0x4] =	wrdreg s12;
	s13 =	sadd.s32 $0x10, s8  }
0xd: {  	p0 =	por !p0, !p0;
	[dreg:$0x5] =	wrdreg s4;
	s14 =	sadd.s32 s6, s13  }
0xe: {  	s15 =	sadd.s32 $0x20, s8;
	s4 =	sadd.s32 s17, s13;
	[dreg:$0x6] =	wrdreg s14  }
0xf: {  	s19 =	sadd.s32 $0x30, s8;
	s16 =	sadd.s32 s6, s15;
	[dreg:$0x7] =	wrdreg s4  }
0x10: {  	s20 =	sadd.s32 s6, s19;
	s13 =	sadd.s32 $0x40, s8;
	[dreg:$0x8] =	wrdreg s16  }
0x11: {  	s8 =	sadd.s32 $0x50, s8;
	s4 =	sadd.s32 s17, s15;
	[dreg:$0xa] =	wrdreg s20  }
0x12: {  	s16 =	smul.u32 $0x13C00, s2;
	s12 =	sadd.s32 s6, s13;
	s13 =	sadd.s32 s17, s13  }
0x13: {  	s14 =	sadd.s32 s6, s8;
	s15 =	sadd.s32 s17, s8;
	s20 =	smul.u32 $0x4F0, s1  }
0x14: {  	[dreg:$0x9] =	wrdreg s4;
	s4 =	sadd.s32 s17, s19;
	s19 =	smul.u32 $0x4F00, s1  }
0x15: {  	s1 =	sor.u32 s1, s2;
	[dreg:$0xb] =	wrdreg s4;
	s22 =	sadd.s32 s16, s21  }
0x16: {  	s4 =	sshrl.u32 s21, $0x3;
	s20 =	sadd.s32 s24, s20;
	s21 =	sadd.s32 $0x15600, s5  }
0x17: {  	s5 =	sadd.s32 s26, s3;
	p1 =	sne.s32 s1, $0x0;
	s1 =	sadd.s32 $0x128400, s3  }
0x18: {  	s26 =	smul.u32 $0x4F0, s2;
	s8 =	sshrl.u32 s22, $0x3;
	s23 =	sadd.s32 s18, s4  }
.Ltmp0:
0x19: {  	s4 =	sadd.s32 s19, s17;
	s29 =	sadd.s32 s19, s6;
	(pc) =	sbr.rel .LBB2_1-.Ltmp0, $4  }
0x1a: {  	s19 =	simm.s32 $0x0;
	s6 =	simm.s32 @!p0 $0x0;
	s24 =	sshrl.u32 @p2 s1, $0x3  }
0x1b: {  	s25 =	sshrl.u32 @!p2 s5, $0x3;
	s1 =	simm.s32 $0x0;
	s16 =	sadd.s32 s18, s8  }
0x1c: {  	[smem:$0x7FF] =	sst s19;
	s6 =	simm.s32 @p0 $0x1;
	s22 =	sadd.s32 $0x25080, s23  }
0x1d: {  	s23 =	smax.u32 s7, $0x1;
	_ =	strace $0x8000004A;
	[smem:$0x7FD] =	sst s6  }
.LBB2_13:
0x1e: {  	[bflag:$0x0] =	sbarrier.arrive $0xFFFF;
	s5 =	simm.s32 @p2 $0x1FD0  }
0x1f: {  	[hbm:s22], [sflag:s5] =	dma.local @p2 [spmem:s24], $0x2080  }
0x20: {  	s5 =	simm.s32 @p2 $0x10  }
0x21: {  	_ =	swait.ge @p2 [sflag:s5], $0x2080  }
0x22: {  	s6 =	sshll.u32 @!p2 s2, $0x6;
	s1 =	sadd.s32 $0x1, s1;
	[sflag:s5] =	ssyncset.done @p2 $0x0  }
0x23: {  	p0 =	sne.s32 s1, s23;
	[sflag:s5] =	ssyncadd.s32 @p2 $0xFFFFDF80;
	s5 =	sor.u32 @!p2 $0x1C10, s6  }
0x24: {  	[hbm:s16], [sflag:s5] =	dma.local @!p2 [spmem:s25], $0x2780  }
.Ltmp1:
0x25: {  	_ = 	snop;
	(pc) =	sbr.rel @!p0 .LBB2_14-.Ltmp1, $4  }
0x26: {  	s5 =	simm.s32 @!p2 $0x10  }
0x27: {  	_ =	swait.ge @!p2 [sflag:s5], $0x2780  }
0x28: {  	[sflag:s5] =	ssyncset.done @!p2 $0x0  }
0x29: {  	[sflag:s5] =	ssyncadd.s32 @!p2 $0xFFFFD880  }
.LBB2_1:
0x2a: {  	s5 =	sshll.u32 @!p1 s2, $0x6  }
0x2b: {  	s6 =	sshrl.u32 @!p1 s3, $0x3;
	s5 =	sor.u32 @!p1 $0x1C10, s5  }
0x2c: {  	[spmem:s6], [sflag:s5] =	dma.local @!p1 [hbm:s0], $0x27100  }
0x2d: {  	s5 =	simm.s32 @!p1 $0x10  }
0x2e: {  	_ =	swait.ge @!p1 [sflag:s5], $0x27100  }
0x2f: {  	s9 =	sld [smem:$0x7FD];
	_ =	sdelay $0x2  }
0x30: {  	[sflag:s5] =	ssyncset.done @!p1 $0x0;
	p0 =	seq.s32 s9, $0x1  }
0x31: {  	[sflag:s5] =	ssyncadd.s32 @!p1 $0xFFFD8F00;
	s5 =	sshrl.u32 @p0 s3, $0x3;
	s6 =	simm.s32 @p0 $0x1C10  }
0x32: {  	[spmem:s5], [sflag:s6] =	dma.local @p0 [hbm:s21], $0x27100  }
0x33: {  	s5 =	simm.s32 @p0 $0x10  }
0x34: {  	_ =	swait.ge @p0 [sflag:s5], $0x27100  }
0x35: {  	[sflag:s5] =	ssyncset.done @p0 $0x0  }
0x36: {  	[sflag:s5] =	ssyncadd.s32 @p0 $0xFFFD8F00  }
0x37: {  	[bflag:$0x0] =	sbarrier.arrive $0xFFFF  }
0x38: {  	s10 =	rddreg [dreg:$0x4]  }
0x39: {  	[tilespmem:s19], [sflag:$0x10] =	stream.linear.gather [hbm4b:s10+s19], $0x80, $0x38;
	[tilespmem:$0x1FE80] =	vst v63  }
0x3a: {  	_ =	swait.ge [sflag:s28], $0x80  }
0x3b: {  	[sflag:s28] =	ssyncset.done $0x0  }
0x3c: {  	s17 =	simm.s32 $0x300;
	s11 =	rddreg [dreg:$0x5];
	[sflag:s28] =	ssyncadd.s32 $0xFFFFFF80  }
0x3d: {  	[tilespmem:s17], [sflag:$0x10] =	stream.linear.gather [hbm4b:s11+s19], $0x80, $0x38;
	[tilespmem:$0x1FE80] =	vst v63  }
0x3e: {  	_ =	swait.ge [sflag:s28], $0x80  }
0x3f: {  	[sflag:s28] =	ssyncset.done $0x0  }
0x40: {  	s18 =	simm.s32 $0x600;
	[sflag:s28] =	ssyncadd.s32 $0xFFFFFF80  }
0x41: {  	[tilespmem:s18], [sflag:$0x1] =	stream.indirect.gather [hbm4b:s0+s30], $0x80, s19, s30, $0xb8;
	[tilespmem:$0x1FE80] =	vst v63  }
0x42: {  	s6 =	rddreg [dreg:$0x6]  }
0x43: {  	[tilespmem:s30], [sflag:$0x10] =	stream.linear.gather [hbm4b:s6+s19], $0x80, $0x38;
	[tilespmem:$0x1FE80] =	vst v63  }
0x44: {  	_ =	swait.ge [sflag:s28], $0x80  }
0x45: {  	[sflag:s28] =	ssyncset.done $0x0  }
0x46: {  	s8 =	simm.s32 $0x380;
	s7 =	rddreg [dreg:$0x7];
	[sflag:s28] =	ssyncadd.s32 $0xFFFFFF80  }
0x47: {  	[tilespmem:s8], [sflag:$0x10] =	stream.linear.gather [hbm4b:s7+s19], $0x80, $0x38;
	[tilespmem:$0x1FE80] =	vst v63  }
0x48: {  	_ =	swait.ge [sflag:s28], $0x80  }
0x49: {  	[sflag:s28] =	ssyncset.done $0x0  }
0x4a: {  	s9 =	simm.s32 $0x4600;
	[sflag:s28] =	ssyncadd.s32 $0xFFFFFF80  }
0x4b: {  	[tilespmem:s9], [sflag:$0x2] =	stream.indirect.gather [hbm4b:s0+s30], $0x80, s30, s30, $0xb8;
	[tilespmem:$0x1FE80] =	vst v63  }
0x4c: {  	s10 =	rddreg [dreg:$0x8]  }
0x4d: {  	[tilespmem:s31], [sflag:$0x10] =	stream.linear.gather [hbm4b:s10+s19], $0x80, $0x38;
	[tilespmem:$0x1FE80] =	vst v63  }
0x4e: {  	_ =	swait.ge [sflag:s28], $0x80  }
0x4f: {  	[sflag:s28] =	ssyncset.done $0x0  }
0x50: {  	s17 =	simm.s32 $0x400;
	s11 =	rddreg [dreg:$0x9];
	[sflag:s28] =	ssyncadd.s32 $0xFFFFFF80  }
0x51: {  	[tilespmem:s17], [sflag:$0x10] =	stream.linear.gather [hbm4b:s11+s19], $0x80, $0x38;
	[tilespmem:$0x1FE80] =	vst v63  }
0x52: {  	_ =	swait.ge [sflag:s28], $0x80  }
0x53: {  	[sflag:s28] =	ssyncset.done $0x0  }
0x54: {  	s18 =	simm.s32 $0x8600;
	[sflag:s28] =	ssyncadd.s32 $0xFFFFFF80  }
0x55: {  	[tilespmem:s18], [sflag:$0x3] =	stream.indirect.gather [hbm4b:s0+s30], $0x80, s31, s30, $0xb8;
	[tilespmem:$0x1FE80] =	vst v63  }
0x56: {  	s7 =	simm.s32 $0x180;
	s6 =	rddreg [dreg:$0xa]  }
0x57: {  	[tilespmem:s7], [sflag:$0x7] =	stream.linear.gather [hbm4b:s6+s19], $0x80, $0x38;
	[tilespmem:$0x1FE80] =	vst v63  }
0x58: {  	s9 =	simm.s32 $0x480;
	s8 =	rddreg [dreg:$0xb]  }
0x59: {  	[tilespmem:s9], [sflag:$0xD] =	stream.linear.gather [hbm4b:s8+s19], $0x80, $0x38;
	[tilespmem:$0x1FE80] =	vst v63  }
0x5a: {  	s10 =	simm.s32 $0x200  }
0x5b: {  	[tilespmem:s10], [sflag:$0x8] =	stream.linear.gather [hbm4b:s12+s19], $0x80, $0x38;
	[tilespmem:$0x1FE80] =	vst v63  }
0x5c: {  	s11 =	simm.s32 $0x500  }
0x5d: {  	[tilespmem:s11], [sflag:$0xE] =	stream.linear.gather [hbm4b:s13+s19], $0x80, $0x38;
	[tilespmem:$0x1FE80] =	vst v63  }
.Ltmp2:
0x5e: {  	s17 =	simm.s32 $0x280;
	(pc) =	sbr.rel .LBB2_2-.Ltmp2, $4  }
0x5f: {  	[tilespmem:s17], [sflag:$0x9] =	stream.linear.gather [hbm4b:s14+s19], $0x80, $0x38;
	[tilespmem:$0x1FE80] =	vst v63  }
0x60: {  	s5 =	simm.s32 $0x0;
	s18 =	simm.s32 $0x580  }
0x61: {  	[tilespmem:s18], [sflag:$0xF] =	stream.linear.gather [hbm4b:s15+s19], $0x80, $0x38;
	[tilespmem:$0x1FE80] =	vst v63  }
0x62: {  	s6 =	simm.s32 $0x0;
	s17 =	smov.u32 s4;
	s18 =	smov.u32 s29  }
.LBB2_12:
0x63: {  	s5 =	sadd.s32 $0x6, s5  }
0x64: {  	p0 =	sne.s32 s5, $0x54  }
.Ltmp3:
0x65: {  	_ = 	snop;
	(pc) =	sbr.rel @!p0 .LBB2_13-.Ltmp3, $2  }
0x66: {  	_ =	sdelay $0x2  }
0x67: {  	s6 =	sadd.s32 $0x1, s6;
	s17 =	sadd.s32 $0x60, s17;
	s18 =	sadd.s32 $0x60, s18  }
.LBB2_2:
0x68: {  	s7 =	sadd.s32 s5, s20  }
0x69: {  	p3 =	sgt.u32 s7, $0x9C3  }
0x6a: {  	s8 =	simm.s32 @!p3 $0x1  }
0x6b: {  	_ =	swait.ge @!p3 [sflag:s8], $0x4000  }
0x6c: {  	s9 =	simm.s32 @!p3 $0x300;
	[sflag:s8] =	ssyncset.done @!p3 $0x0  }
0x6d: {  	s10 =	simm.s32 @!p3 $0x600;
	[sflag:s8] =	ssyncadd.s32 @!p3 $0xFFFFC000;
	s8 =	simm.s32 @!p3 $0x80  }
0x6e: {  	[spmem:s3] =	stream.indirect.scatter.add.f32 @!p3 [tilespmem:s10], [sflag:$0x10], $0x80, s9, s8, $0xb8;
	[tilespmem:$0x1FE80] =	vst v63  }
0x6f: {  	p4 =	seq.s32 @!p3 s5, $0x4E;
	s8 =	sadd.s32 @!p3 s5, s20  }
0x70: {  	p5 =	por p4, p3;
	s9 =	sadd.s32 @!p3 $0x3, s8  }
0x71: {  	s10 =	simm.s32 @!p3 $0x10;
	p6 =	sgt.u32 @!p5 s9, $0x9C3  }
0x72: {  	_ =	swait.ge @!p3 [sflag:s10], $0x4000;
	p6 =	por @!p3 p6, p4  }
0x73: {  	[sflag:s10] =	ssyncset.done @!p3 $0x0;
	p6 =	por p6, p3  }
0x74: {  	[sflag:s10] =	ssyncadd.s32 @!p3 $0xFFFFC000;
	s9 =	simm.s32 @!p6 $0x7  }
0x75: {  	s8 =	sadd.s32 @!p3 $0x6, s8;
	_ =	swait.ge @!p6 [sflag:s9], $0x80  }
0x76: {  	p5 =	sgt.u32 @!p5 s8, $0x9C3;
	[sflag:s9] =	ssyncset.done @!p6 $0x0  }
0x77: {  	p4 =	por @!p3 p5, p4;
	[sflag:s9] =	ssyncadd.s32 @!p6 $0xFFFFFF80;
	s9 =	simm.s32 @!p6 $0xD  }
0x78: {  	p3 =	por p4, p3;
	_ =	swait.ge @!p6 [sflag:s9], $0x80  }
0x79: {  	s10 =	simm.s32 @!p6 $0x180;
	s11 =	simm.s32 @!p6 $0x600;
	[sflag:s9] =	ssyncset.done @!p6 $0x0  }
0x7a: {  	s8 =	sadd.s32 @!p3 s18, s26;
	[sflag:s9] =	ssyncadd.s32 @!p6 $0xFFFFFF80;
	s9 =	simm.s32 @!p6 $0x80  }
0x7b: {  	[tilespmem:s11], [sflag:$0x1] =	stream.indirect.gather @!p6 [hbm4b:s0+s9], $0x80, s10, s9, $0xb8;
	[tilespmem:$0x1FE80] =	vst v63  }
0x7c: {  	s8 =	sadd.s32 @!p3 $0x60, s8;
	s9 =	simm.s32 @!p3 $0x0  }
0x7d: {  	[tilespmem:s9], [sflag:$0x4] =	stream.linear.gather @!p3 [hbm4b:s8+s9], $0x80, $0x38;
	[tilespmem:$0x1FE80] =	vst v63  }
0x7e: {  	s8 =	sadd.s32 @!p3 s17, s26  }
0x7f: {  	s10 =	simm.s32 @!p3 $0x300;
	s8 =	sadd.s32 @!p3 $0x60, s8  }
0x80: {  	[tilespmem:s10], [sflag:$0xA] =	stream.linear.gather @!p3 [hbm4b:s8+s9], $0x80, $0x38;
	[tilespmem:$0x1FE80] =	vst v63  }
0x81: {  	s8 =	sadd.s32 $0x1, s5  }
0x82: {  	p3 =	sgt.u32 s8, $0x4E  }
.Ltmp4:
0x83: {  	_ = 	snop;
	(pc) =	sbr.rel @p3 .LBB2_4-.Ltmp4, $1  }
0x84: {  	_ =	sdelay $0x3  }
0x85: {  	s8 =	sadd.s32 s20, s8  }
0x86: {  	p3 =	sgt.u32 s8, $0x9C3  }
0x87: {  	s8 =	simm.s32 @!p3 $0x2  }
0x88: {  	_ =	swait.ge @!p3 [sflag:s8], $0x4000  }
0x89: {  	s9 =	simm.s32 @!p3 $0x380;
	[sflag:s8] =	ssyncset.done @!p3 $0x0  }
0x8a: {  	s10 =	simm.s32 @!p3 $0x4600;
	[sflag:s8] =	ssyncadd.s32 @!p3 $0xFFFFC000;
	s8 =	simm.s32 @!p3 $0x80  }
0x8b: {  	[spmem:s3] =	stream.indirect.scatter.add.f32 @!p3 [tilespmem:s10], [sflag:$0x10], $0x80, s9, s8, $0xb8;
	[tilespmem:$0x1FE80] =	vst v63  }
0x8c: {  	s8 =	sadd.s32 @!p3 s5, s20  }
0x8d: {  	s9 =	simm.s32 @!p3 $0x10;
	s10 =	sadd.s32 @!p3 $0x4, s8  }
0x8e: {  	_ =	swait.ge @!p3 [sflag:s9], $0x4000;
	p4 =	sgt.u32 @!p3 s10, $0x9C3  }
0x8f: {  	[sflag:s9] =	ssyncset.done @!p3 $0x0;
	p4 =	por p4, p3  }
0x90: {  	[sflag:s9] =	ssyncadd.s32 @!p3 $0xFFFFC000;
	s9 =	simm.s32 @!p4 $0x8  }
0x91: {  	_ =	swait.ge @!p4 [sflag:s9], $0x80  }
0x92: {  	[sflag:s9] =	ssyncset.done @!p4 $0x0  }
0x93: {  	[sflag:s9] =	ssyncadd.s32 @!p4 $0xFFFFFF80;
	s9 =	simm.s32 @!p4 $0xE  }
0x94: {  	_ =	swait.ge @!p4 [sflag:s9], $0x80  }
0x95: {  	s10 =	simm.s32 @!p4 $0x200;
	[sflag:s9] =	ssyncset.done @!p4 $0x0  }
0x96: {  	s11 =	simm.s32 @!p4 $0x4600;
	[sflag:s9] =	ssyncadd.s32 @!p4 $0xFFFFFF80;
	s9 =	simm.s32 @!p4 $0x80  }
0x97: {  	[tilespmem:s11], [sflag:$0x2] =	stream.indirect.gather @!p4 [hbm4b:s0+s9], $0x80, s10, s9, $0xb8;
	[tilespmem:$0x1FE80] =	vst v63  }
0x98: {  	p4 =	sgt.u32 @!p3 s6, $0xB  }
0x99: {  	s8 =	sadd.s32 @!p3 $0x7, s8;
	p5 =	por p4, p3  }
0x9a: {  	p5 =	sgt.u32 @!p5 s8, $0x9C3  }
0x9b: {  	p4 =	por @!p3 p5, p4  }
0x9c: {  	p3 =	por p4, p3  }
0x9d: {  	s8 =	sadd.s32 @!p3 s18, s26  }
0x9e: {  	s9 =	simm.s32 @!p3 $0x0;
	s10 =	simm.s32 @!p3 $0x80;
	s8 =	sadd.s32 @!p3 $0x70, s8  }
0x9f: {  	[tilespmem:s10], [sflag:$0x5] =	stream.linear.gather @!p3 [hbm4b:s8+s9], $0x80, $0x38;
	[tilespmem:$0x1FE80] =	vst v63  }
0xa0: {  	s8 =	sadd.s32 @!p3 s17, s26  }
0xa1: {  	s10 =	simm.s32 @!p3 $0x380;
	s8 =	sadd.s32 @!p3 $0x70, s8  }
0xa2: {  	[tilespmem:s10], [sflag:$0xB] =	stream.linear.gather @!p3 [hbm4b:s8+s9], $0x80, $0x38;
	[tilespmem:$0x1FE80] =	vst v63  }
.LBB2_4:
0xa3: {  	p3 =	seq.s32 s5, $0x4E  }
.Ltmp5:
0xa4: {  	_ = 	snop;
	(pc) =	sbr.rel @p3 .LBB2_6-.Ltmp5, $1  }
0xa5: {  	_ =	sdelay $0x3  }
0xa6: {  	s8 =	sadd.s32 $0x2, s7  }
0xa7: {  	p4 =	sgt.u32 s8, $0x9C3  }
0xa8: {  	s8 =	simm.s32 @!p4 $0x3  }
0xa9: {  	_ =	swait.ge @!p4 [sflag:s8], $0x4000  }
0xaa: {  	s9 =	simm.s32 @!p4 $0x400;
	[sflag:s8] =	ssyncset.done @!p4 $0x0  }
0xab: {  	s10 =	simm.s32 @!p4 $0x8600;
	[sflag:s8] =	ssyncadd.s32 @!p4 $0xFFFFC000;
	s8 =	simm.s32 @!p4 $0x80  }
0xac: {  	[spmem:s3] =	stream.indirect.scatter.add.f32 @!p4 [tilespmem:s10], [sflag:$0x10], $0x80, s9, s8, $0xb8;
	[tilespmem:$0x1FE80] =	vst v63  }
0xad: {  	s8 =	sadd.s32 @!p4 s5, s20  }
0xae: {  	s9 =	simm.s32 @!p4 $0x10;
	s10 =	sadd.s32 @!p4 $0x5, s8  }
0xaf: {  	_ =	swait.ge @!p4 [sflag:s9], $0x4000;
	p5 =	sgt.u32 @!p4 s10, $0x9C3  }
0xb0: {  	[sflag:s9] =	ssyncset.done @!p4 $0x0;
	p5 =	por p5, p4  }
0xb1: {  	[sflag:s9] =	ssyncadd.s32 @!p4 $0xFFFFC000;
	s9 =	simm.s32 @!p5 $0x9  }
0xb2: {  	_ =	swait.ge @!p5 [sflag:s9], $0x80  }
0xb3: {  	[sflag:s9] =	ssyncset.done @!p5 $0x0  }
0xb4: {  	[sflag:s9] =	ssyncadd.s32 @!p5 $0xFFFFFF80;
	s9 =	simm.s32 @!p5 $0xF  }
0xb5: {  	_ =	swait.ge @!p5 [sflag:s9], $0x80  }
0xb6: {  	s10 =	simm.s32 @!p5 $0x280;
	[sflag:s9] =	ssyncset.done @!p5 $0x0  }
0xb7: {  	s11 =	simm.s32 @!p5 $0x8600;
	[sflag:s9] =	ssyncadd.s32 @!p5 $0xFFFFFF80;
	s9 =	simm.s32 @!p5 $0x80  }
0xb8: {  	[tilespmem:s11], [sflag:$0x3] =	stream.indirect.gather @!p5 [hbm4b:s0+s9], $0x80, s10, s9, $0xb8;
	[tilespmem:$0x1FE80] =	vst v63  }
0xb9: {  	p5 =	sgt.u32 @!p4 s6, $0xB  }
0xba: {  	s8 =	sadd.s32 @!p4 $0x8, s8;
	p6 =	por p5, p4  }
0xbb: {  	p6 =	sgt.u32 @!p6 s8, $0x9C3  }
0xbc: {  	p5 =	por @!p4 p6, p5  }
0xbd: {  	p4 =	por p5, p4  }
0xbe: {  	s8 =	sadd.s32 @!p4 s18, s26  }
0xbf: {  	s9 =	simm.s32 @!p4 $0x0;
	s10 =	simm.s32 @!p4 $0x100;
	s8 =	sadd.s32 @!p4 $0x80, s8  }
0xc0: {  	[tilespmem:s10], [sflag:$0x6] =	stream.linear.gather @!p4 [hbm4b:s8+s9], $0x80, $0x38;
	[tilespmem:$0x1FE80] =	vst v63  }
0xc1: {  	s8 =	sadd.s32 @!p4 s17, s26  }
0xc2: {  	s10 =	simm.s32 @!p4 $0x400;
	s8 =	sadd.s32 @!p4 $0x80, s8  }
0xc3: {  	[tilespmem:s10], [sflag:$0xC] =	stream.linear.gather @!p4 [hbm4b:s8+s9], $0x80, $0x38;
	[tilespmem:$0x1FE80] =	vst v63  }
.LBB2_6:
.Ltmp6:
0xc4: {  	(pc) =	sbr.rel @p3 .LBB2_8-.Ltmp6, $1  }
0xc5: {  	_ =	sdelay $0x3  }
0xc6: {  	s8 =	sadd.s32 $0x3, s7  }
0xc7: {  	p4 =	sgt.u32 s8, $0x9C3  }
0xc8: {  	s8 =	simm.s32 @!p4 $0x1  }
0xc9: {  	_ =	swait.ge @!p4 [sflag:s8], $0x4000  }
0xca: {  	s9 =	simm.s32 @!p4 $0x480;
	[sflag:s8] =	ssyncset.done @!p4 $0x0  }
0xcb: {  	s10 =	simm.s32 @!p4 $0x600;
	[sflag:s8] =	ssyncadd.s32 @!p4 $0xFFFFC000;
	s8 =	simm.s32 @!p4 $0x80  }
0xcc: {  	[spmem:s3] =	stream.indirect.scatter.add.f32 @!p4 [tilespmem:s10], [sflag:$0x10], $0x80, s9, s8, $0xb8;
	[tilespmem:$0x1FE80] =	vst v63  }
0xcd: {  	s8 =	sadd.s32 @!p4 s5, s20  }
0xce: {  	s9 =	simm.s32 @!p4 $0x10;
	s10 =	sadd.s32 @!p4 $0x6, s8  }
0xcf: {  	_ =	swait.ge @!p4 [sflag:s9], $0x4000;
	p5 =	sgt.u32 @!p4 s10, $0x9C3  }
0xd0: {  	[sflag:s9] =	ssyncset.done @!p4 $0x0;
	p5 =	por p5, p4  }
0xd1: {  	[sflag:s9] =	ssyncadd.s32 @!p4 $0xFFFFC000;
	s9 =	simm.s32 @!p5 $0x4  }
0xd2: {  	_ =	swait.ge @!p5 [sflag:s9], $0x80  }
0xd3: {  	[sflag:s9] =	ssyncset.done @!p5 $0x0  }
0xd4: {  	[sflag:s9] =	ssyncadd.s32 @!p5 $0xFFFFFF80;
	s9 =	simm.s32 @!p5 $0xA  }
0xd5: {  	_ =	swait.ge @!p5 [sflag:s9], $0x80  }
0xd6: {  	s10 =	simm.s32 @!p5 $0x0;
	[sflag:s9] =	ssyncset.done @!p5 $0x0  }
0xd7: {  	s11 =	simm.s32 @!p5 $0x600;
	[sflag:s9] =	ssyncadd.s32 @!p5 $0xFFFFFF80;
	s9 =	simm.s32 @!p5 $0x80  }
0xd8: {  	[tilespmem:s11], [sflag:$0x1] =	stream.indirect.gather @!p5 [hbm4b:s0+s9], $0x80, s10, s9, $0xb8;
	[tilespmem:$0x1FE80] =	vst v63  }
0xd9: {  	p5 =	sgt.u32 @!p4 s6, $0xB  }
0xda: {  	s8 =	sadd.s32 @!p4 $0x9, s8;
	p6 =	por p5, p4  }
0xdb: {  	p6 =	sgt.u32 @!p6 s8, $0x9C3  }
0xdc: {  	p5 =	por @!p4 p6, p5  }
0xdd: {  	p4 =	por p5, p4  }
0xde: {  	s8 =	sadd.s32 @!p4 s18, s26  }
0xdf: {  	s9 =	simm.s32 @!p4 $0x0;
	s10 =	simm.s32 @!p4 $0x180;
	s8 =	sadd.s32 @!p4 $0x90, s8  }
0xe0: {  	[tilespmem:s10], [sflag:$0x7] =	stream.linear.gather @!p4 [hbm4b:s8+s9], $0x80, $0x38;
	[tilespmem:$0x1FE80] =	vst v63  }
0xe1: {  	s8 =	sadd.s32 @!p4 s17, s26  }
0xe2: {  	s10 =	simm.s32 @!p4 $0x480;
	s8 =	sadd.s32 @!p4 $0x90, s8  }
0xe3: {  	[tilespmem:s10], [sflag:$0xD] =	stream.linear.gather @!p4 [hbm4b:s8+s9], $0x80, $0x38;
	[tilespmem:$0x1FE80] =	vst v63  }
.LBB2_8:
.Ltmp7:
0xe4: {  	(pc) =	sbr.rel @p3 .LBB2_10-.Ltmp7, $1  }
0xe5: {  	_ =	sdelay $0x3  }
0xe6: {  	s8 =	sadd.s32 $0x4, s7  }
0xe7: {  	p4 =	sgt.u32 s8, $0x9C3  }
0xe8: {  	s8 =	simm.s32 @!p4 $0x2  }
0xe9: {  	_ =	swait.ge @!p4 [sflag:s8], $0x4000  }
0xea: {  	s9 =	simm.s32 @!p4 $0x500;
	[sflag:s8] =	ssyncset.done @!p4 $0x0  }
0xeb: {  	s10 =	simm.s32 @!p4 $0x4600;
	[sflag:s8] =	ssyncadd.s32 @!p4 $0xFFFFC000;
	s8 =	simm.s32 @!p4 $0x80  }
0xec: {  	[spmem:s3] =	stream.indirect.scatter.add.f32 @!p4 [tilespmem:s10], [sflag:$0x10], $0x80, s9, s8, $0xb8;
	[tilespmem:$0x1FE80] =	vst v63  }
0xed: {  	p5 =	sgt.u32 @!p4 s6, $0xB;
	s8 =	sadd.s32 @!p4 s5, s20  }
0xee: {  	p6 =	por p5, p4;
	s9 =	sadd.s32 @!p4 $0x7, s8  }
0xef: {  	s10 =	simm.s32 @!p4 $0x10;
	p0 =	sgt.u32 @!p6 s9, $0x9C3  }
0xf0: {  	_ =	swait.ge @!p4 [sflag:s10], $0x4000;
	p0 =	por @!p4 p0, p5  }
0xf1: {  	[sflag:s10] =	ssyncset.done @!p4 $0x0;
	p0 =	por p0, p4  }
0xf2: {  	[sflag:s10] =	ssyncadd.s32 @!p4 $0xFFFFC000;
	s9 =	simm.s32 @!p0 $0x5  }
0xf3: {  	_ =	swait.ge @!p0 [sflag:s9], $0x80  }
0xf4: {  	[sflag:s9] =	ssyncset.done @!p0 $0x0  }
0xf5: {  	[sflag:s9] =	ssyncadd.s32 @!p0 $0xFFFFFF80;
	s9 =	simm.s32 @!p0 $0xB  }
0xf6: {  	_ =	swait.ge @!p0 [sflag:s9], $0x80  }
0xf7: {  	s8 =	sadd.s32 @!p4 $0xA, s8;
	[sflag:s9] =	ssyncset.done @!p0 $0x0  }
0xf8: {  	s10 =	simm.s32 @!p0 $0x4600;
	[sflag:s9] =	ssyncadd.s32 @!p0 $0xFFFFFF80;
	s9 =	simm.s32 @!p0 $0x80  }
0xf9: {  	[tilespmem:s10], [sflag:$0x2] =	stream.indirect.gather @!p0 [hbm4b:s0+s9], $0x80, s9, s9, $0xb8;
	[tilespmem:$0x1FE80] =	vst v63  }
0xfa: {  	p0 =	sgt.u32 @!p6 s8, $0x9C3  }
0xfb: {  	p0 =	por @!p4 p0, p5  }
0xfc: {  	p0 =	por p0, p4  }
0xfd: {  	s8 =	sadd.s32 @!p0 s18, s26  }
0xfe: {  	s9 =	simm.s32 @!p0 $0x0;
	s10 =	simm.s32 @!p0 $0x200;
	s8 =	sadd.s32 @!p0 $0xA0, s8  }
0xff: {  	[tilespmem:s10], [sflag:$0x8] =	stream.linear.gather @!p0 [hbm4b:s8+s9], $0x80, $0x38;
	[tilespmem:$0x1FE80] =	vst v63  }
0x100: {  	s8 =	sadd.s32 @!p0 s17, s26  }
0x101: {  	s10 =	simm.s32 @!p0 $0x500;
	s8 =	sadd.s32 @!p0 $0xA0, s8  }
0x102: {  	[tilespmem:s10], [sflag:$0xE] =	stream.linear.gather @!p0 [hbm4b:s8+s9], $0x80, $0x38;
	[tilespmem:$0x1FE80] =	vst v63  }
.LBB2_10:
.Ltmp8:
0x103: {  	(pc) =	sbr.rel @p3 .LBB2_12-.Ltmp8, $1  }
0x104: {  	_ =	sdelay $0x3  }
0x105: {  	s7 =	sadd.s32 $0x5, s7  }
0x106: {  	p3 =	sgt.u32 s7, $0x9C3  }
0x107: {  	s7 =	simm.s32 @!p3 $0x3  }
0x108: {  	_ =	swait.ge @!p3 [sflag:s7], $0x4000  }
0x109: {  	s8 =	simm.s32 @!p3 $0x580;
	[sflag:s7] =	ssyncset.done @!p3 $0x0  }
0x10a: {  	s9 =	simm.s32 @!p3 $0x8600;
	[sflag:s7] =	ssyncadd.s32 @!p3 $0xFFFFC000;
	s7 =	simm.s32 @!p3 $0x80  }
0x10b: {  	[spmem:s3] =	stream.indirect.scatter.add.f32 @!p3 [tilespmem:s9], [sflag:$0x10], $0x80, s8, s7, $0xb8;
	[tilespmem:$0x1FE80] =	vst v63  }
0x10c: {  	p4 =	sgt.u32 @!p3 s6, $0xB;
	s7 =	sadd.s32 @!p3 s5, s20  }
0x10d: {  	p5 =	por p4, p3;
	s8 =	sadd.s32 @!p3 $0x8, s7  }
0x10e: {  	s9 =	simm.s32 @!p3 $0x10;
	p0 =	sgt.u32 @!p5 s8, $0x9C3  }
0x10f: {  	_ =	swait.ge @!p3 [sflag:s9], $0x4000;
	p0 =	por @!p3 p0, p4  }
0x110: {  	[sflag:s9] =	ssyncset.done @!p3 $0x0;
	p0 =	por p0, p3  }
0x111: {  	[sflag:s9] =	ssyncadd.s32 @!p3 $0xFFFFC000;
	s8 =	simm.s32 @!p0 $0x6  }
0x112: {  	_ =	swait.ge @!p0 [sflag:s8], $0x80  }
0x113: {  	[sflag:s8] =	ssyncset.done @!p0 $0x0  }
0x114: {  	[sflag:s8] =	ssyncadd.s32 @!p0 $0xFFFFFF80;
	s8 =	simm.s32 @!p0 $0xC  }
0x115: {  	_ =	swait.ge @!p0 [sflag:s8], $0x80  }
0x116: {  	s7 =	sadd.s32 @!p3 $0xB, s7;
	s9 =	simm.s32 @!p0 $0x100;
	[sflag:s8] =	ssyncset.done @!p0 $0x0  }
0x117: {  	s10 =	simm.s32 @!p0 $0x8600;
	[sflag:s8] =	ssyncadd.s32 @!p0 $0xFFFFFF80;
	s8 =	simm.s32 @!p0 $0x80  }
0x118: {  	[tilespmem:s10], [sflag:$0x3] =	stream.indirect.gather @!p0 [hbm4b:s0+s8], $0x80, s9, s8, $0xb8;
	[tilespmem:$0x1FE80] =	vst v63  }
0x119: {  	p0 =	sgt.u32 @!p5 s7, $0x9C3  }
0x11a: {  	p0 =	por @!p3 p0, p4  }
0x11b: {  	p0 =	por p0, p3  }
0x11c: {  	s7 =	sadd.s32 @!p0 s18, s26;
	s8 =	simm.s32 @!p0 $0x0  }
.Ltmp9:
0x11d: {  	s9 =	simm.s32 @!p0 $0x280;
	s7 =	sadd.s32 @!p0 $0xB0, s7;
	(pc) =	sbr.rel .LBB2_12-.Ltmp9, $4  }
0x11e: {  	[tilespmem:s9], [sflag:$0x9] =	stream.linear.gather @!p0 [hbm4b:s7+s8], $0x80, $0x38;
	[tilespmem:$0x1FE80] =	vst v63  }
0x11f: {  	s7 =	sadd.s32 @!p0 s17, s26  }
0x120: {  	s9 =	simm.s32 @!p0 $0x580;
	s7 =	sadd.s32 @!p0 $0xB0, s7  }
0x121: {  	[tilespmem:s9], [sflag:$0xF] =	stream.linear.gather @!p0 [hbm4b:s7+s8], $0x80, $0x38;
	[tilespmem:$0x1FE80] =	vst v63  }
.LBB2_14:
0x122: {  	_ =	sfence.sel $0x180000  }
0x123: {  	[bflag:$0x0] =	sbarrier.arrive $0xFFFF  }
0x124: {  	_ =	strace $0x9000004A  }
0x125: {  	[bflag:$0x2] =	sbarrier.arrive $0xFFFF  }
0x126: {  	p0 =	sne.s32 s2, $0x0;
	s0 =	rddreg [dreg:$0x3]  }
0x127: {  	s0 =	sadd.s32 @!p0 $0x100000, s0  }
0x128: {  	[sflag:s0] =	ssyncadd.tile.s32 @!p0 $0x1;
	_ =	shalt  }
.Lfunc_end2:
_tile_overlayer_lowered:
.L_overlay_start_2:
0x129: {  	(tag) =	ssettag $0x2  }
0x12a: {  	s0 =	rddreg [dreg:$0x0];
	s2 =	stileid.u32  }
0x12b: {  	s1 =	rddreg [dreg:$0x1];
	p0 =	sne.s32 s2, $0x0  }
0x12c: {  	s3 =	rddreg [dreg:$0x2];
	[bflag:$0x3] =	sbarrier.arrive $0xFFFF;
	s2 =	simm.s32 @!p0 $0x1C10  }
0x12d: {  	[timem:s3], [sflag:s2] =	dma.local @!p0 [hbm:s0], s1  }
0x12e: {  	s0 =	simm.s32 @!p0 $0x10  }
0x12f: {  	_ =	swait.ge @!p0 [sflag:s0], s1  }
0x130: {  	s1 =	ssub.s32 @!p0 $0x0, s1;
	[sflag:s0] =	ssyncset.done @!p0 $0x0  }
0x131: {  	[sflag:s0] =	ssyncadd.s32 @!p0 s1  }
0x132: {  	[bflag:$0x3] =	sbarrier.arrive $0xFFFF  }
0x133: {  	_ =	shalt  }

// kernel: kernel.14.cloned.1.call-start
scs
__scs_entry_jumppad:
0x0: {  	(pc) =	sbr.rel $0x88, $3  }
0x1: {  	(tag) =	ssettag $0x0;
	lr =	simm.s32 $0x1  }
0x2: {  	[smem:$0x3F9B] =	sst lr;
	_ =	strace $0xD0000000  }
0x3: {  	_ = 	snop  }
0x4: {  	_ = 	snop  }
0x5: {  	_ = 	snop  }
0x6: {  	_ = 	snop  }
0x7: {  	_ = 	snop  }
__scs_overlays_trampoline_lowered:
0x8: {  	[smem:$0x3FAA] =	sst s0  }
0x9: {  	[smem:$0x3FAB] =	sst s1  }
0xa: {  	[smem:$0x3FAC] =	sst s2  }
0xb: {  	[smem:$0x3FAD] =	sst s3  }
0xc: {  	[smem:$0x3FAE] =	sst s4  }
0xd: {  	[smem:$0x3FAF] =	sst s5  }
0xe: {  	[smem:$0x3FB0] =	sst s6  }
0xf: {  	[smem:$0x3FB1] =	sst s7  }
0x10: {  	[smem:$0x3FB2] =	sst s8  }
0x11: {  	[smem:$0x3FB3] =	sst s9;
	s0 =	simm.s32 @!p0 $0x0  }
0x12: {  	s1 =	sld [smem:$0x3F99];
	s0 =	simm.s32 @p0 $0x1  }
0x13: {  	[smem:$0x3FB4] =	sst s0;
	s0 =	simm.s32 @!p1 $0x0  }
0x14: {  	s2 =	sld [smem:$0x3F98];
	s0 =	simm.s32 @p1 $0x1  }
0x15: {  	[smem:$0x3FB5] =	sst s0;
	s0 =	simm.s32 @!p2 $0x0  }
0x16: {  	s3 =	sld [smem:$0x3FDB];
	s0 =	simm.s32 @p2 $0x1  }
0x17: {  	s4 =	simm.s32 $0x1BF5;
	[smem:$0x3FB7] =	sst s0  }
0x18: {  	s0 =	sld [smem:$0x3F9A];
	_ =	swait.ge [sflag:s4], $0x0  }
0x19: {  	s7 =	sld [smem:$0x3F9B]  }
0x1a: {  	s8 =	sadd.s32 $0xFFFFE003, lr  }
0x1b: {  	s9 =	sadd.s32 $0xFFFFFEF7, lr;
	s5 =	simm.s32 $0xFFFFFFFF;
	p2 =	slt.u32 s8, $0xFFFFF086  }
0x1c: {  	p1 =	slt.u32 s9, $0xF7A;
	s5 =	simm.s32 @!p2 $0x0  }
0x1d: {  	s5 =	simm.s32 @p1 $0x1;
	p0 =	seq.s32 s7, s2  }
0x1e: {  	s7 =	smul.u32 @!p0 $0xF7A, s2;
	p2 =	seq.s32 @!p0 s5, $0x0  }
0x1f: {  	s9 =	smul.u32 $0xF7A, s1;
	s8 =	simm.s32 @!p0 $0x1BF5;
	p2 =	por !p2, p0  }
0x20: {  	[sflag:s8] =	ssyncset.s32 @!p0 $0xFFFFF086;
	s6 =	sadd.s32 @!p0 s3, s7;
	s7 =	simm.s32 @!p0 $0x108  }
0x21: {  	s3 =	sadd.s32 s3, s9;
	s6 =	sadd.s32 @!p0 $0x88, s6;
	s7 =	simm.s32 @p2 $0x1082  }
0x22: {  	[simem:s7], [sflag:s8] =	dma.local @!p0 [hbm:s6], $0xF7A  }
0x23: {  	s9 =	sor.u32 $0xD0000000, s2;
	s6 =	simm.s32 $0x108;
	_ =	swait.ge @!p0 [sflag:s8], $0x0  }
0x24: {  	s3 =	sadd.s32 $0x88, s3;
	s6 =	simm.s32 @!p1 $0x1082;
	[sflag:s4] =	ssyncset.s32 $0xFFFFF086  }
0x25: {  	[simem:s6], [sflag:s4] =	dma.local [hbm:s3], $0xF7A  }
0x26: {  	[smem:$0x3F9B] =	sst s1;
	(tag) =	ssettag s2;
	_ =	strace s9  }
0x27: {  	s1 =	sld [smem:$0x3FAB]  }
0x28: {  	s2 =	sld [smem:$0x3FAC]  }
0x29: {  	s4 =	sld [smem:$0x3FAE]  }
0x2a: {  	p0 =	seq.s32 s5, $0x0;
	s5 =	sld [smem:$0x3FAF]  }
0x2b: {  	s6 =	sld [smem:$0x3FB0]  }
0x2c: {  	s7 =	sld [smem:$0x3FB1]  }
0x2d: {  	s3 =	simm.s32 $0x108;
	s8 =	sld [smem:$0x3FB2]  }
0x2e: {  	s3 =	simm.s32 @!p0 $0x1082;
	s9 =	sld [smem:$0x3FB3]  }
0x2f: {  	lr =	sadd.s32 s0, s3;
	s0 =	sld [smem:$0x3FAA]  }
0x30: {  	s3 =	sld [smem:$0x3FAD]  }
0x31: {  	[smem:$0x3FB6] =	sst s10  }
0x32: {  	s10 =	sld [smem:$0x3FB4];
	_ =	sdelay $0x3  }
0x33: {  	p0 =	seq.s32 s10, $0x1;
	s10 =	sld [smem:$0x3FB6];
	_ =	sdelay $0x3  }
0x34: {  	[smem:$0x3FB6] =	sst s10  }
0x35: {  	s10 =	sld [smem:$0x3FB5];
	_ =	sdelay $0x3  }
0x36: {  	p1 =	seq.s32 s10, $0x1;
	s10 =	sld [smem:$0x3FB6];
	_ =	sdelay $0x3  }
0x37: {  	[smem:$0x3FB6] =	sst s10  }
0x38: {  	s10 =	sld [smem:$0x3FB7]  }
0x39: {  	_ = 	snop;
	(pc) =	sbr.ind lr, $3  }
0x3a: {  	_ = 	snop  }
0x3b: {  	_ = 	snop  }
0x3c: {  	p2 =	seq.s32 s10, $0x1;
	s10 =	sld [smem:$0x3FB6]  }
0x3d: {  	_ =	shalt  }
0x3e: {  	_ =	shalt  }
0x3f: {  	_ =	shalt  }
0x40: {  	_ =	shalt  }
0x41: {  	_ =	shalt  }
0x42: {  	_ =	shalt  }
0x43: {  	_ =	shalt  }
0x44: {  	_ =	shalt  }
0x45: {  	_ =	shalt  }
0x46: {  	_ =	shalt  }
0x47: {  	_ =	shalt  }
0x48: {  	_ =	shalt  }
0x49: {  	_ =	shalt  }
0x4a: {  	_ =	shalt  }
0x4b: {  	_ =	shalt  }
0x4c: {  	_ =	shalt  }
0x4d: {  	_ =	shalt  }
0x4e: {  	_ =	shalt  }
0x4f: {  	_ =	shalt  }
0x50: {  	_ =	shalt  }
0x51: {  	_ =	shalt  }
0x52: {  	_ =	shalt  }
0x53: {  	_ =	shalt  }
0x54: {  	_ =	shalt  }
0x55: {  	_ =	shalt  }
0x56: {  	_ =	shalt  }
0x57: {  	_ =	shalt  }
0x58: {  	_ =	shalt  }
0x59: {  	_ =	shalt  }
0x5a: {  	_ =	shalt  }
0x5b: {  	_ =	shalt  }
0x5c: {  	_ =	shalt  }
0x5d: {  	_ =	shalt  }
0x5e: {  	_ =	shalt  }
0x5f: {  	_ =	shalt  }
0x60: {  	_ =	shalt  }
0x61: {  	_ =	shalt  }
0x62: {  	_ =	shalt  }
0x63: {  	_ =	shalt  }
0x64: {  	_ =	shalt  }
0x65: {  	_ =	shalt  }
0x66: {  	_ =	shalt  }
0x67: {  	_ =	shalt  }
0x68: {  	_ =	shalt  }
0x69: {  	_ =	shalt  }
0x6a: {  	_ =	shalt  }
0x6b: {  	_ =	shalt  }
0x6c: {  	_ =	shalt  }
0x6d: {  	_ =	shalt  }
0x6e: {  	_ =	shalt  }
0x6f: {  	_ =	shalt  }
0x70: {  	_ =	shalt  }
0x71: {  	_ =	shalt  }
0x72: {  	_ =	shalt  }
0x73: {  	_ =	shalt  }
0x74: {  	_ =	shalt  }
0x75: {  	_ =	shalt  }
0x76: {  	_ =	shalt  }
0x77: {  	_ =	shalt  }
0x78: {  	_ =	shalt  }
0x79: {  	_ =	shalt  }
0x7a: {  	_ =	shalt  }
0x7b: {  	_ =	shalt  }
0x7c: {  	_ =	shalt  }
0x7d: {  	_ =	shalt  }
0x7e: {  	_ =	shalt  }
0x7f: {  	_ =	shalt  }
0x80: {  	_ =	shalt  }
0x81: {  	_ =	shalt  }
0x82: {  	_ =	shalt  }
0x83: {  	_ =	shalt  }
0x84: {  	_ =	shalt  }
0x85: {  	_ =	shalt  }
0x86: {  	_ =	shalt  }
0x87: {  	_ =	shalt  }
.Lfunc_end0:
.L_simem_size_0:
called_computation.2_lowered:
.L_overlay_start_0:
0x88: {  	s2 =	sld [smem:$0x3FD9]  }
0x89: {  	s3 =	sld [smem:$0x3FFE];
	_ =	sdelay $0x1  }
0x8a: {  	s1 =	srdreg.scid  }
0x8b: {  	s0 =	sand.u32 $0x1, s1  }
0x8c: {  	s17 =	sshll.u32 s0, $0xA;
	s2 =	sadd.s32 s3, s2  }
0x8d: {  	s2 =	sadd.s32 s2, s17  }
0x8e: {  	[smem:$0x3FC2] =	sst s2  }
0x8f: {  	_ = 	snop  }
0x90: {  	s2 =	sld [smem:$0x3FD0];
	(tm) =	ssettm $0x1  }
0x91: {  	s18 =	sld [smem:$0x3FFB];
	_ =	sdelay $0x3  }
0x92: {  	_ =	strace s18  }
0x93: {  	s3 =	sld [smem:$0x3FFC];
	_ =	sdelay $0x3  }
0x94: {  	_ =	strace s3  }
0x95: {  	s3 =	sld [smem:$0x3FFD];
	_ =	sdelay $0x3  }
0x96: {  	_ =	strace s3  }
0x97: {  	_ =	strace $0x8FFFFFFF  }
0x98: {  	s19 =	sld [smem:$0x3FDB];
	_ =	sdelay $0x1  }
0x99: {  	s4 =	simm.s32 $_scs_section_size  }
0x9a: {  	s5 =	simm.s32 $_size__tile_overlayer_lowered;
	s6 =	simm.s32 $_tile_overlayer_lowered  }
0x9b: {  	s22 =	simm.s32 $0x1BFF;
	s21 =	sshll.u32 s6, $0x1;
	s3 =	sadd.s32 s4, s19  }
0x9c: {  	s7 =	simm.s32 $0x0;
	s20 =	sshll.u32 s5, $0x1;
	s5 =	sadd.s32 s21, s3  }
0x9d: {  	[timem:s7], [sflag:s22] =	dma.local [hbm:s5], s20  }
0x9e: {  	_ =	swait.ge [sflag:s22], s20  }
0x9f: {  	s4 =	ssub.s32 $0x0, s20;
	[sflag:s22] =	ssyncset.done $0x0  }
0xa0: {  	[sflag:s22] =	ssyncadd.s32 s4;
	_ =	sdelay $0x1  }
0xa1: {  	s23 =	simm.s32 $0x1B8B  }
0xa2: {  	_ =	swait.ge [sflag:s23], $0x1  }
0xa3: {  	[sflag:s23] =	ssyncset.done $0x0  }
0xa4: {  	s25 =	simm.s32 $0x1B8E;
	s24 =	sld [smem:$0x3FFE];
	[sflag:s23] =	ssyncadd.s32 $0xFFFFFFFF  }
0xa5: {  	s26 =	simm.s32 $execute0_lowered;
	[smem:$0x3FD2] =	sst s25  }
0xa6: {  	s5 =	sshll.u32 s26, $0x1;
	_ =	strace $0x8000004C;
	[dreg:$0x1] =	wrdreg $0xFFFFFFFF  }
0xa7: {  	s28 =	simm.s32 $_size_execute0_lowered;
	s3 =	sadd.s32 s3, s5;
	[dreg:$0x0] =	wrdreg $0x0  }
0xa8: {  	s5 =	sshll.u32 s28, $0x1;
	[dreg:$0x2] =	wrdreg s3  }
0xa9: {  	[dreg:$0x3] =	wrdreg s5  }
0xaa: {  	[dreg:$0x4] =	wrdreg $0xC0  }
0xab: {  	_ =	task [dreg:s7], $0x5FFFF  }
0xac: {  	[dreg:$0x1] =	wrdreg $0xFFFFFFFF  }
0xad: {  	[dreg:$0x0] =	wrdreg $0x60  }
0xae: {  	[dreg:$0x2] =	wrdreg s2  }
0xaf: {  	[dreg:$0x3] =	wrdreg s24  }
0xb0: {  	[dreg:$0x4] =	wrdreg $0xC6000  }
0xb1: {  	[dreg:$0x5] =	wrdreg $0x9  }
0xb2: {  	_ =	task.clear_ibuf [dreg:s7], $0x6FFFF;
	_ =	strace $0x9000004C  }
0xb3: {  	s29 =	simm.s32 $0x9;
	_ =	strace $0x8000004E  }
0xb4: {  	_ =	swait.ge [sflag:s29], $0x1  }
0xb5: {  	[sflag:s29] =	ssyncadd.s32 $0xFFFFFFFF  }
0xb6: {  	_ =	strace $0x9000004E  }
0xb7: {  	_ =	sfence  }
0xb8: {  	s30 =	sld [smem:$0x0];
	_ =	sdelay $0x2  }
0xb9: {  	s31 =	sshll.u32 s1, $0xD;
	s1 =	sshrl.u32 s1, $0x2  }
0xba: {  	s3 =	sand.u32 $0x4000, s31;
	s1 =	sadd.s32 s1, s30  }
0xbb: {  	s0 =	sor.u32 s3, s0;
	s1 =	sshll.u32 s1, $0x11  }
0xbc: {  	s0 =	sor.u32 s1, s0  }
0xbd: {  	s0 =	sadd.s32 $0x8F2B, s0  }
0xbe: {  	[sflag:s0] =	ssyncadd.remote.s32 $0x1  }
0xbf: {  	_ =	sfence.sel $0xFFFF  }
0xc0: {  	[dreg:$0x0] =	wrdreg $0xFFFFFFFF;
	(pc) =	sbr.abs _section_cstart, $3  }
0xc1: {  	[dreg:$0x1] =	wrdreg $0xFFFFFFFF  }
0xc2: {  	_ =	task.clear_ibuf [dreg:s7], $0x2FFFF;
	_ =	strace $0x9FFFFFFF  }
0xc3: {  	(tm) =	ssettm $0x7FFFFFFF  }
tec
execute0_lowered:
.L_overlay_start_1:
0x0: {  	(tag) =	ssettag $0x1  }
0x1: {  	s0 =	rddreg [dreg:$0x0]  }
0x2: {  	s1 =	srdreg.scid;
	s5 =	rddreg [dreg:$0x1]  }
0x3: {  	s3 =	rddreg [dreg:$0x2];
	s2 =	stileid.u32  }
0x4: {  	s28 =	simm.s32 $0x10;
	s30 =	simm.s32 $0x80;
	s31 =	simm.s32 $0x100  }
0x5: {  	s1 =	sand.u32 $0x1, s1;
	s6 =	sadd.s32 $0x1A00, s5;
	s24 =	smul.u32 $0x4F, s2  }
0x6: {  	s17 =	sadd.s32 $0xB800, s5;
	s25 =	smul.u32 $0x4F000, s2;
	s4 =	sshll.u32 s1, $0x4  }
0x7: {  	s18 =	sadd.s32 $0x3C800, s5;
	s21 =	smul.u32 $0x138800, s1;
	s4 =	sor.u32 s2, s4  }
0x8: {  	p0 =	seq.s32 s2, $0x0;
	p2 =	seq.s32 s2, $0xF;
	s8 =	smul.u32 $0x2780, s4  }
0x9: {  	s7 =	ssub.s32 $0x2, s1;
	p1 =	seq.s32 s1, $0x1;
	s4 =	smul.u32 $0x4F0, s4  }
0xa: {  	s9 =	sshrl.u32 s7, $0x1;
	p0 =	por !p0, !p1;
	s26 =	sshrl.u32 s25, $0x2  }
0xb: {  	s7 =	ssub.s32 s7, s9;
	s8 =	sshrl.u32 s8, $0x3;
	s12 =	sadd.s32 s6, s4  }
0xc: {  	s4 =	sadd.s32 s17, s4;
	[dreg:$0x4] =	wrdreg s12;
	s13 =	sadd.s32 $0x10, s8  }
0xd: {  	p0 =	por !p0, !p0;
	[dreg:$0x5] =	wrdreg s4;
	s14 =	sadd.s32 s6, s13  }
0xe: {  	s15 =	sadd.s32 $0x20, s8;
	s4 =	sadd.s32 s17, s13;
	[dreg:$0x6] =	wrdreg s14  }
0xf: {  	s19 =	sadd.s32 $0x30, s8;
	s16 =	sadd.s32 s6, s15;
	[dreg:$0x7] =	wrdreg s4  }
0x10: {  	s20 =	sadd.s32 s6, s19;
	s13 =	sadd.s32 $0x40, s8;
	[dreg:$0x8] =	wrdreg s16  }
0x11: {  	s8 =	sadd.s32 $0x50, s8;
	s4 =	sadd.s32 s17, s15;
	[dreg:$0xa] =	wrdreg s20  }
0x12: {  	s16 =	smul.u32 $0x13C00, s2;
	s12 =	sadd.s32 s6, s13;
	s13 =	sadd.s32 s17, s13  }
0x13: {  	s14 =	sadd.s32 s6, s8;
	s15 =	sadd.s32 s17, s8;
	s20 =	smul.u32 $0x4F0, s1  }
0x14: {  	[dreg:$0x9] =	wrdreg s4;
	s4 =	sadd.s32 s17, s19;
	s19 =	smul.u32 $0x4F00, s1  }
0x15: {  	s1 =	sor.u32 s1, s2;
	[dreg:$0xb] =	wrdreg s4;
	s22 =	sadd.s32 s16, s21  }
0x16: {  	s4 =	sshrl.u32 s21, $0x3;
	s20 =	sadd.s32 s24, s20;
	s21 =	sadd.s32 $0x15600, s5  }
0x17: {  	s5 =	sadd.s32 s26, s3;
	p1 =	sne.s32 s1, $0x0;
	s1 =	sadd.s32 $0x128400, s3  }
0x18: {  	s26 =	smul.u32 $0x4F0, s2;
	s8 =	sshrl.u32 s22, $0x3;
	s23 =	sadd.s32 s18, s4  }
.Ltmp0:
0x19: {  	s4 =	sadd.s32 s19, s17;
	s29 =	sadd.s32 s19, s6;
	(pc) =	sbr.rel .LBB2_1-.Ltmp0, $4  }
0x1a: {  	s19 =	simm.s32 $0x0;
	s6 =	simm.s32 @!p0 $0x0;
	s24 =	sshrl.u32 @p2 s1, $0x3  }
0x1b: {  	s25 =	sshrl.u32 @!p2 s5, $0x3;
	s1 =	simm.s32 $0x0;
	s16 =	sadd.s32 s18, s8  }
0x1c: {  	[smem:$0x7FF] =	sst s19;
	s6 =	simm.s32 @p0 $0x1;
	s22 =	sadd.s32 $0x25080, s23  }
0x1d: {  	s23 =	smax.u32 s7, $0x1;
	_ =	strace $0x8000004D;
	[smem:$0x7FD] =	sst s6  }
.LBB2_13:
0x1e: {  	[bflag:$0x0] =	sbarrier.arrive $0xFFFF;
	s5 =	simm.s32 @p2 $0x1FD0  }
0x1f: {  	[hbm:s22], [sflag:s5] =	dma.local @p2 [spmem:s24], $0x2080  }
0x20: {  	s5 =	simm.s32 @p2 $0x10  }
0x21: {  	_ =	swait.ge @p2 [sflag:s5], $0x2080  }
0x22: {  	s6 =	sshll.u32 @!p2 s2, $0x6;
	s1 =	sadd.s32 $0x1, s1;
	[sflag:s5] =	ssyncset.done @p2 $0x0  }
0x23: {  	p0 =	sne.s32 s1, s23;
	[sflag:s5] =	ssyncadd.s32 @p2 $0xFFFFDF80;
	s5 =	sor.u32 @!p2 $0x1C10, s6  }
0x24: {  	[hbm:s16], [sflag:s5] =	dma.local @!p2 [spmem:s25], $0x2780  }
.Ltmp1:
0x25: {  	_ = 	snop;
	(pc) =	sbr.rel @!p0 .LBB2_14-.Ltmp1, $4  }
0x26: {  	s5 =	simm.s32 @!p2 $0x10  }
0x27: {  	_ =	swait.ge @!p2 [sflag:s5], $0x2780  }
0x28: {  	[sflag:s5] =	ssyncset.done @!p2 $0x0  }
0x29: {  	[sflag:s5] =	ssyncadd.s32 @!p2 $0xFFFFD880  }
.LBB2_1:
0x2a: {  	s5 =	sshll.u32 @!p1 s2, $0x6  }
0x2b: {  	s6 =	sshrl.u32 @!p1 s3, $0x3;
	s5 =	sor.u32 @!p1 $0x1C10, s5  }
0x2c: {  	[spmem:s6], [sflag:s5] =	dma.local @!p1 [hbm:s0], $0x27100  }
0x2d: {  	s5 =	simm.s32 @!p1 $0x10  }
0x2e: {  	_ =	swait.ge @!p1 [sflag:s5], $0x27100  }
0x2f: {  	s9 =	sld [smem:$0x7FD];
	_ =	sdelay $0x2  }
0x30: {  	[sflag:s5] =	ssyncset.done @!p1 $0x0;
	p0 =	seq.s32 s9, $0x1  }
0x31: {  	[sflag:s5] =	ssyncadd.s32 @!p1 $0xFFFD8F00;
	s5 =	sshrl.u32 @p0 s3, $0x3;
	s6 =	simm.s32 @p0 $0x1C10  }
0x32: {  	[spmem:s5], [sflag:s6] =	dma.local @p0 [hbm:s21], $0x27100  }
0x33: {  	s5 =	simm.s32 @p0 $0x10  }
0x34: {  	_ =	swait.ge @p0 [sflag:s5], $0x27100  }
0x35: {  	[sflag:s5] =	ssyncset.done @p0 $0x0  }
0x36: {  	[sflag:s5] =	ssyncadd.s32 @p0 $0xFFFD8F00  }
0x37: {  	[bflag:$0x0] =	sbarrier.arrive $0xFFFF  }
0x38: {  	s10 =	rddreg [dreg:$0x4]  }
0x39: {  	[tilespmem:s19], [sflag:$0x10] =	stream.linear.gather [hbm4b:s10+s19], $0x80, $0x38;
	[tilespmem:$0x1FE80] =	vst v63  }
0x3a: {  	_ =	swait.ge [sflag:s28], $0x80  }
0x3b: {  	[sflag:s28] =	ssyncset.done $0x0  }
0x3c: {  	s17 =	simm.s32 $0x300;
	s11 =	rddreg [dreg:$0x5];
	[sflag:s28] =	ssyncadd.s32 $0xFFFFFF80  }
0x3d: {  	[tilespmem:s17], [sflag:$0x10] =	stream.linear.gather [hbm4b:s11+s19], $0x80, $0x38;
	[tilespmem:$0x1FE80] =	vst v63  }
0x3e: {  	_ =	swait.ge [sflag:s28], $0x80  }
0x3f: {  	[sflag:s28] =	ssyncset.done $0x0  }
0x40: {  	s18 =	simm.s32 $0x600;
	[sflag:s28] =	ssyncadd.s32 $0xFFFFFF80  }
0x41: {  	[tilespmem:s18], [sflag:$0x1] =	stream.indirect.gather [hbm4b:s0+s30], $0x80, s19, s30, $0xb8;
	[tilespmem:$0x1FE80] =	vst v63  }
0x42: {  	s6 =	rddreg [dreg:$0x6]  }
0x43: {  	[tilespmem:s30], [sflag:$0x10] =	stream.linear.gather [hbm4b:s6+s19], $0x80, $0x38;
	[tilespmem:$0x1FE80] =	vst v63  }
0x44: {  	_ =	swait.ge [sflag:s28], $0x80  }
0x45: {  	[sflag:s28] =	ssyncset.done $0x0  }
0x46: {  	s8 =	simm.s32 $0x380;
	s7 =	rddreg [dreg:$0x7];
	[sflag:s28] =	ssyncadd.s32 $0xFFFFFF80  }
0x47: {  	[tilespmem:s8], [sflag:$0x10] =	stream.linear.gather [hbm4b:s7+s19], $0x80, $0x38;
	[tilespmem:$0x1FE80] =	vst v63  }
0x48: {  	_ =	swait.ge [sflag:s28], $0x80  }
0x49: {  	[sflag:s28] =	ssyncset.done $0x0  }
0x4a: {  	s9 =	simm.s32 $0x4600;
	[sflag:s28] =	ssyncadd.s32 $0xFFFFFF80  }
0x4b: {  	[tilespmem:s9], [sflag:$0x2] =	stream.indirect.gather [hbm4b:s0+s30], $0x80, s30, s30, $0xb8;
	[tilespmem:$0x1FE80] =	vst v63  }
0x4c: {  	s10 =	rddreg [dreg:$0x8]  }
0x4d: {  	[tilespmem:s31], [sflag:$0x10] =	stream.linear.gather [hbm4b:s10+s19], $0x80, $0x38;
	[tilespmem:$0x1FE80] =	vst v63  }
0x4e: {  	_ =	swait.ge [sflag:s28], $0x80  }
0x4f: {  	[sflag:s28] =	ssyncset.done $0x0  }
0x50: {  	s17 =	simm.s32 $0x400;
	s11 =	rddreg [dreg:$0x9];
	[sflag:s28] =	ssyncadd.s32 $0xFFFFFF80  }
0x51: {  	[tilespmem:s17], [sflag:$0x10] =	stream.linear.gather [hbm4b:s11+s19], $0x80, $0x38;
	[tilespmem:$0x1FE80] =	vst v63  }
0x52: {  	_ =	swait.ge [sflag:s28], $0x80  }
0x53: {  	[sflag:s28] =	ssyncset.done $0x0  }
0x54: {  	s18 =	simm.s32 $0x8600;
	[sflag:s28] =	ssyncadd.s32 $0xFFFFFF80  }
0x55: {  	[tilespmem:s18], [sflag:$0x3] =	stream.indirect.gather [hbm4b:s0+s30], $0x80, s31, s30, $0xb8;
	[tilespmem:$0x1FE80] =	vst v63  }
0x56: {  	s7 =	simm.s32 $0x180;
	s6 =	rddreg [dreg:$0xa]  }
0x57: {  	[tilespmem:s7], [sflag:$0x7] =	stream.linear.gather [hbm4b:s6+s19], $0x80, $0x38;
	[tilespmem:$0x1FE80] =	vst v63  }
0x58: {  	s9 =	simm.s32 $0x480;
	s8 =	rddreg [dreg:$0xb]  }
0x59: {  	[tilespmem:s9], [sflag:$0xD] =	stream.linear.gather [hbm4b:s8+s19], $0x80, $0x38;
	[tilespmem:$0x1FE80] =	vst v63  }
0x5a: {  	s10 =	simm.s32 $0x200  }
0x5b: {  	[tilespmem:s10], [sflag:$0x8] =	stream.linear.gather [hbm4b:s12+s19], $0x80, $0x38;
	[tilespmem:$0x1FE80] =	vst v63  }
0x5c: {  	s11 =	simm.s32 $0x500  }
0x5d: {  	[tilespmem:s11], [sflag:$0xE] =	stream.linear.gather [hbm4b:s13+s19], $0x80, $0x38;
	[tilespmem:$0x1FE80] =	vst v63  }
.Ltmp2:
0x5e: {  	s17 =	simm.s32 $0x280;
	(pc) =	sbr.rel .LBB2_2-.Ltmp2, $4  }
0x5f: {  	[tilespmem:s17], [sflag:$0x9] =	stream.linear.gather [hbm4b:s14+s19], $0x80, $0x38;
	[tilespmem:$0x1FE80] =	vst v63  }
0x60: {  	s5 =	simm.s32 $0x0;
	s18 =	simm.s32 $0x580  }
0x61: {  	[tilespmem:s18], [sflag:$0xF] =	stream.linear.gather [hbm4b:s15+s19], $0x80, $0x38;
	[tilespmem:$0x1FE80] =	vst v63  }
0x62: {  	s6 =	simm.s32 $0x0;
	s17 =	smov.u32 s4;
	s18 =	smov.u32 s29  }
.LBB2_12:
0x63: {  	s5 =	sadd.s32 $0x6, s5  }
0x64: {  	p0 =	sne.s32 s5, $0x54  }
.Ltmp3:
0x65: {  	_ = 	snop;
	(pc) =	sbr.rel @!p0 .LBB2_13-.Ltmp3, $2  }
0x66: {  	_ =	sdelay $0x2  }
0x67: {  	s6 =	sadd.s32 $0x1, s6;
	s17 =	sadd.s32 $0x60, s17;
	s18 =	sadd.s32 $0x60, s18  }
.LBB2_2:
0x68: {  	s7 =	sadd.s32 s5, s20  }
0x69: {  	p3 =	sgt.u32 s7, $0x9C3  }
0x6a: {  	s8 =	simm.s32 @!p3 $0x1  }
0x6b: {  	_ =	swait.ge @!p3 [sflag:s8], $0x4000  }
0x6c: {  	s9 =	simm.s32 @!p3 $0x300;
	[sflag:s8] =	ssyncset.done @!p3 $0x0  }
0x6d: {  	s10 =	simm.s32 @!p3 $0x600;
	[sflag:s8] =	ssyncadd.s32 @!p3 $0xFFFFC000;
	s8 =	simm.s32 @!p3 $0x80  }
0x6e: {  	[spmem:s3] =	stream.indirect.scatter.add.f32 @!p3 [tilespmem:s10], [sflag:$0x10], $0x80, s9, s8, $0xb8;
	[tilespmem:$0x1FE80] =	vst v63  }
0x6f: {  	p4 =	seq.s32 @!p3 s5, $0x4E;
	s8 =	sadd.s32 @!p3 s5, s20  }
0x70: {  	p5 =	por p4, p3;
	s9 =	sadd.s32 @!p3 $0x3, s8  }
0x71: {  	s10 =	simm.s32 @!p3 $0x10;
	p6 =	sgt.u32 @!p5 s9, $0x9C3  }
0x72: {  	_ =	swait.ge @!p3 [sflag:s10], $0x4000;
	p6 =	por @!p3 p6, p4  }
0x73: {  	[sflag:s10] =	ssyncset.done @!p3 $0x0;
	p6 =	por p6, p3  }
0x74: {  	[sflag:s10] =	ssyncadd.s32 @!p3 $0xFFFFC000;
	s9 =	simm.s32 @!p6 $0x7  }
0x75: {  	s8 =	sadd.s32 @!p3 $0x6, s8;
	_ =	swait.ge @!p6 [sflag:s9], $0x80  }
0x76: {  	p5 =	sgt.u32 @!p5 s8, $0x9C3;
	[sflag:s9] =	ssyncset.done @!p6 $0x0  }
0x77: {  	p4 =	por @!p3 p5, p4;
	[sflag:s9] =	ssyncadd.s32 @!p6 $0xFFFFFF80;
	s9 =	simm.s32 @!p6 $0xD  }
0x78: {  	p3 =	por p4, p3;
	_ =	swait.ge @!p6 [sflag:s9], $0x80  }
0x79: {  	s10 =	simm.s32 @!p6 $0x180;
	s11 =	simm.s32 @!p6 $0x600;
	[sflag:s9] =	ssyncset.done @!p6 $0x0  }
0x7a: {  	s8 =	sadd.s32 @!p3 s18, s26;
	[sflag:s9] =	ssyncadd.s32 @!p6 $0xFFFFFF80;
	s9 =	simm.s32 @!p6 $0x80  }
0x7b: {  	[tilespmem:s11], [sflag:$0x1] =	stream.indirect.gather @!p6 [hbm4b:s0+s9], $0x80, s10, s9, $0xb8;
	[tilespmem:$0x1FE80] =	vst v63  }
0x7c: {  	s8 =	sadd.s32 @!p3 $0x60, s8;
	s9 =	simm.s32 @!p3 $0x0  }
0x7d: {  	[tilespmem:s9], [sflag:$0x4] =	stream.linear.gather @!p3 [hbm4b:s8+s9], $0x80, $0x38;
	[tilespmem:$0x1FE80] =	vst v63  }
0x7e: {  	s8 =	sadd.s32 @!p3 s17, s26  }
0x7f: {  	s10 =	simm.s32 @!p3 $0x300;
	s8 =	sadd.s32 @!p3 $0x60, s8  }
0x80: {  	[tilespmem:s10], [sflag:$0xA] =	stream.linear.gather @!p3 [hbm4b:s8+s9], $0x80, $0x38;
	[tilespmem:$0x1FE80] =	vst v63  }
0x81: {  	s8 =	sadd.s32 $0x1, s5  }
0x82: {  	p3 =	sgt.u32 s8, $0x4E  }
.Ltmp4:
0x83: {  	_ = 	snop;
	(pc) =	sbr.rel @p3 .LBB2_4-.Ltmp4, $1  }
0x84: {  	_ =	sdelay $0x3  }
0x85: {  	s8 =	sadd.s32 s20, s8  }
0x86: {  	p3 =	sgt.u32 s8, $0x9C3  }
0x87: {  	s8 =	simm.s32 @!p3 $0x2  }
0x88: {  	_ =	swait.ge @!p3 [sflag:s8], $0x4000  }
0x89: {  	s9 =	simm.s32 @!p3 $0x380;
	[sflag:s8] =	ssyncset.done @!p3 $0x0  }
0x8a: {  	s10 =	simm.s32 @!p3 $0x4600;
	[sflag:s8] =	ssyncadd.s32 @!p3 $0xFFFFC000;
	s8 =	simm.s32 @!p3 $0x80  }
0x8b: {  	[spmem:s3] =	stream.indirect.scatter.add.f32 @!p3 [tilespmem:s10], [sflag:$0x10], $0x80, s9, s8, $0xb8;
	[tilespmem:$0x1FE80] =	vst v63  }
0x8c: {  	s8 =	sadd.s32 @!p3 s5, s20  }
0x8d: {  	s9 =	simm.s32 @!p3 $0x10;
	s10 =	sadd.s32 @!p3 $0x4, s8  }
0x8e: {  	_ =	swait.ge @!p3 [sflag:s9], $0x4000;
	p4 =	sgt.u32 @!p3 s10, $0x9C3  }
0x8f: {  	[sflag:s9] =	ssyncset.done @!p3 $0x0;
	p4 =	por p4, p3  }
0x90: {  	[sflag:s9] =	ssyncadd.s32 @!p3 $0xFFFFC000;
	s9 =	simm.s32 @!p4 $0x8  }
0x91: {  	_ =	swait.ge @!p4 [sflag:s9], $0x80  }
0x92: {  	[sflag:s9] =	ssyncset.done @!p4 $0x0  }
0x93: {  	[sflag:s9] =	ssyncadd.s32 @!p4 $0xFFFFFF80;
	s9 =	simm.s32 @!p4 $0xE  }
0x94: {  	_ =	swait.ge @!p4 [sflag:s9], $0x80  }
0x95: {  	s10 =	simm.s32 @!p4 $0x200;
	[sflag:s9] =	ssyncset.done @!p4 $0x0  }
0x96: {  	s11 =	simm.s32 @!p4 $0x4600;
	[sflag:s9] =	ssyncadd.s32 @!p4 $0xFFFFFF80;
	s9 =	simm.s32 @!p4 $0x80  }
0x97: {  	[tilespmem:s11], [sflag:$0x2] =	stream.indirect.gather @!p4 [hbm4b:s0+s9], $0x80, s10, s9, $0xb8;
	[tilespmem:$0x1FE80] =	vst v63  }
0x98: {  	p4 =	sgt.u32 @!p3 s6, $0xB  }
0x99: {  	s8 =	sadd.s32 @!p3 $0x7, s8;
	p5 =	por p4, p3  }
0x9a: {  	p5 =	sgt.u32 @!p5 s8, $0x9C3  }
0x9b: {  	p4 =	por @!p3 p5, p4  }
0x9c: {  	p3 =	por p4, p3  }
0x9d: {  	s8 =	sadd.s32 @!p3 s18, s26  }
0x9e: {  	s9 =	simm.s32 @!p3 $0x0;
	s10 =	simm.s32 @!p3 $0x80;
	s8 =	sadd.s32 @!p3 $0x70, s8  }
0x9f: {  	[tilespmem:s10], [sflag:$0x5] =	stream.linear.gather @!p3 [hbm4b:s8+s9], $0x80, $0x38;
	[tilespmem:$0x1FE80] =	vst v63  }
0xa0: {  	s8 =	sadd.s32 @!p3 s17, s26  }
0xa1: {  	s10 =	simm.s32 @!p3 $0x380;
	s8 =	sadd.s32 @!p3 $0x70, s8  }
0xa2: {  	[tilespmem:s10], [sflag:$0xB] =	stream.linear.gather @!p3 [hbm4b:s8+s9], $0x80, $0x38;
	[tilespmem:$0x1FE80] =	vst v63  }
.LBB2_4:
0xa3: {  	p3 =	seq.s32 s5, $0x4E  }
.Ltmp5:
0xa4: {  	_ = 	snop;
	(pc) =	sbr.rel @p3 .LBB2_6-.Ltmp5, $1  }
0xa5: {  	_ =	sdelay $0x3  }
0xa6: {  	s8 =	sadd.s32 $0x2, s7  }
0xa7: {  	p4 =	sgt.u32 s8, $0x9C3  }
0xa8: {  	s8 =	simm.s32 @!p4 $0x3  }
0xa9: {  	_ =	swait.ge @!p4 [sflag:s8], $0x4000  }
0xaa: {  	s9 =	simm.s32 @!p4 $0x400;
	[sflag:s8] =	ssyncset.done @!p4 $0x0  }
0xab: {  	s10 =	simm.s32 @!p4 $0x8600;
	[sflag:s8] =	ssyncadd.s32 @!p4 $0xFFFFC000;
	s8 =	simm.s32 @!p4 $0x80  }
0xac: {  	[spmem:s3] =	stream.indirect.scatter.add.f32 @!p4 [tilespmem:s10], [sflag:$0x10], $0x80, s9, s8, $0xb8;
	[tilespmem:$0x1FE80] =	vst v63  }
0xad: {  	s8 =	sadd.s32 @!p4 s5, s20  }
0xae: {  	s9 =	simm.s32 @!p4 $0x10;
	s10 =	sadd.s32 @!p4 $0x5, s8  }
0xaf: {  	_ =	swait.ge @!p4 [sflag:s9], $0x4000;
	p5 =	sgt.u32 @!p4 s10, $0x9C3  }
0xb0: {  	[sflag:s9] =	ssyncset.done @!p4 $0x0;
	p5 =	por p5, p4  }
0xb1: {  	[sflag:s9] =	ssyncadd.s32 @!p4 $0xFFFFC000;
	s9 =	simm.s32 @!p5 $0x9  }
0xb2: {  	_ =	swait.ge @!p5 [sflag:s9], $0x80  }
0xb3: {  	[sflag:s9] =	ssyncset.done @!p5 $0x0  }
0xb4: {  	[sflag:s9] =	ssyncadd.s32 @!p5 $0xFFFFFF80;
	s9 =	simm.s32 @!p5 $0xF  }
0xb5: {  	_ =	swait.ge @!p5 [sflag:s9], $0x80  }
0xb6: {  	s10 =	simm.s32 @!p5 $0x280;
	[sflag:s9] =	ssyncset.done @!p5 $0x0  }
0xb7: {  	s11 =	simm.s32 @!p5 $0x8600;
	[sflag:s9] =	ssyncadd.s32 @!p5 $0xFFFFFF80;
	s9 =	simm.s32 @!p5 $0x80  }
0xb8: {  	[tilespmem:s11], [sflag:$0x3] =	stream.indirect.gather @!p5 [hbm4b:s0+s9], $0x80, s10, s9, $0xb8;
	[tilespmem:$0x1FE80] =	vst v63  }
0xb9: {  	p5 =	sgt.u32 @!p4 s6, $0xB  }
0xba: {  	s8 =	sadd.s32 @!p4 $0x8, s8;
	p6 =	por p5, p4  }
0xbb: {  	p6 =	sgt.u32 @!p6 s8, $0x9C3  }
0xbc: {  	p5 =	por @!p4 p6, p5  }
0xbd: {  	p4 =	por p5, p4  }
0xbe: {  	s8 =	sadd.s32 @!p4 s18, s26  }
0xbf: {  	s9 =	simm.s32 @!p4 $0x0;
	s10 =	simm.s32 @!p4 $0x100;
	s8 =	sadd.s32 @!p4 $0x80, s8  }
0xc0: {  	[tilespmem:s10], [sflag:$0x6] =	stream.linear.gather @!p4 [hbm4b:s8+s9], $0x80, $0x38;
	[tilespmem:$0x1FE80] =	vst v63  }
0xc1: {  	s8 =	sadd.s32 @!p4 s17, s26  }
0xc2: {  	s10 =	simm.s32 @!p4 $0x400;
	s8 =	sadd.s32 @!p4 $0x80, s8  }
0xc3: {  	[tilespmem:s10], [sflag:$0xC] =	stream.linear.gather @!p4 [hbm4b:s8+s9], $0x80, $0x38;
	[tilespmem:$0x1FE80] =	vst v63  }
.LBB2_6:
.Ltmp6:
0xc4: {  	(pc) =	sbr.rel @p3 .LBB2_8-.Ltmp6, $1  }
0xc5: {  	_ =	sdelay $0x3  }
0xc6: {  	s8 =	sadd.s32 $0x3, s7  }
0xc7: {  	p4 =	sgt.u32 s8, $0x9C3  }
0xc8: {  	s8 =	simm.s32 @!p4 $0x1  }
0xc9: {  	_ =	swait.ge @!p4 [sflag:s8], $0x4000  }
0xca: {  	s9 =	simm.s32 @!p4 $0x480;
	[sflag:s8] =	ssyncset.done @!p4 $0x0  }
0xcb: {  	s10 =	simm.s32 @!p4 $0x600;
	[sflag:s8] =	ssyncadd.s32 @!p4 $0xFFFFC000;
	s8 =	simm.s32 @!p4 $0x80  }
0xcc: {  	[spmem:s3] =	stream.indirect.scatter.add.f32 @!p4 [tilespmem:s10], [sflag:$0x10], $0x80, s9, s8, $0xb8;
	[tilespmem:$0x1FE80] =	vst v63  }
0xcd: {  	s8 =	sadd.s32 @!p4 s5, s20  }
0xce: {  	s9 =	simm.s32 @!p4 $0x10;
	s10 =	sadd.s32 @!p4 $0x6, s8  }
0xcf: {  	_ =	swait.ge @!p4 [sflag:s9], $0x4000;
	p5 =	sgt.u32 @!p4 s10, $0x9C3  }
0xd0: {  	[sflag:s9] =	ssyncset.done @!p4 $0x0;
	p5 =	por p5, p4  }
0xd1: {  	[sflag:s9] =	ssyncadd.s32 @!p4 $0xFFFFC000;
	s9 =	simm.s32 @!p5 $0x4  }
0xd2: {  	_ =	swait.ge @!p5 [sflag:s9], $0x80  }
0xd3: {  	[sflag:s9] =	ssyncset.done @!p5 $0x0  }
0xd4: {  	[sflag:s9] =	ssyncadd.s32 @!p5 $0xFFFFFF80;
	s9 =	simm.s32 @!p5 $0xA  }
0xd5: {  	_ =	swait.ge @!p5 [sflag:s9], $0x80  }
0xd6: {  	s10 =	simm.s32 @!p5 $0x0;
	[sflag:s9] =	ssyncset.done @!p5 $0x0  }
0xd7: {  	s11 =	simm.s32 @!p5 $0x600;
	[sflag:s9] =	ssyncadd.s32 @!p5 $0xFFFFFF80;
	s9 =	simm.s32 @!p5 $0x80  }
0xd8: {  	[tilespmem:s11], [sflag:$0x1] =	stream.indirect.gather @!p5 [hbm4b:s0+s9], $0x80, s10, s9, $0xb8;
	[tilespmem:$0x1FE80] =	vst v63  }
0xd9: {  	p5 =	sgt.u32 @!p4 s6, $0xB  }
0xda: {  	s8 =	sadd.s32 @!p4 $0x9, s8;
	p6 =	por p5, p4  }
0xdb: {  	p6 =	sgt.u32 @!p6 s8, $0x9C3  }
0xdc: {  	p5 =	por @!p4 p6, p5  }
0xdd: {  	p4 =	por p5, p4  }
0xde: {  	s8 =	sadd.s32 @!p4 s18, s26  }
0xdf: {  	s9 =	simm.s32 @!p4 $0x0;
	s10 =	simm.s32 @!p4 $0x180;
	s8 =	sadd.s32 @!p4 $0x90, s8  }
0xe0: {  	[tilespmem:s10], [sflag:$0x7] =	stream.linear.gather @!p4 [hbm4b:s8+s9], $0x80, $0x38;
	[tilespmem:$0x1FE80] =	vst v63  }
0xe1: {  	s8 =	sadd.s32 @!p4 s17, s26  }
0xe2: {  	s10 =	simm.s32 @!p4 $0x480;
	s8 =	sadd.s32 @!p4 $0x90, s8  }
0xe3: {  	[tilespmem:s10], [sflag:$0xD] =	stream.linear.gather @!p4 [hbm4b:s8+s9], $0x80, $0x38;
	[tilespmem:$0x1FE80] =	vst v63  }
.LBB2_8:
.Ltmp7:
0xe4: {  	(pc) =	sbr.rel @p3 .LBB2_10-.Ltmp7, $1  }
0xe5: {  	_ =	sdelay $0x3  }
0xe6: {  	s8 =	sadd.s32 $0x4, s7  }
0xe7: {  	p4 =	sgt.u32 s8, $0x9C3  }
0xe8: {  	s8 =	simm.s32 @!p4 $0x2  }
0xe9: {  	_ =	swait.ge @!p4 [sflag:s8], $0x4000  }
0xea: {  	s9 =	simm.s32 @!p4 $0x500;
	[sflag:s8] =	ssyncset.done @!p4 $0x0  }
0xeb: {  	s10 =	simm.s32 @!p4 $0x4600;
	[sflag:s8] =	ssyncadd.s32 @!p4 $0xFFFFC000;
	s8 =	simm.s32 @!p4 $0x80  }
0xec: {  	[spmem:s3] =	stream.indirect.scatter.add.f32 @!p4 [tilespmem:s10], [sflag:$0x10], $0x80, s9, s8, $0xb8;
	[tilespmem:$0x1FE80] =	vst v63  }
0xed: {  	p5 =	sgt.u32 @!p4 s6, $0xB;
	s8 =	sadd.s32 @!p4 s5, s20  }
0xee: {  	p6 =	por p5, p4;
	s9 =	sadd.s32 @!p4 $0x7, s8  }
0xef: {  	s10 =	simm.s32 @!p4 $0x10;
	p0 =	sgt.u32 @!p6 s9, $0x9C3  }
0xf0: {  	_ =	swait.ge @!p4 [sflag:s10], $0x4000;
	p0 =	por @!p4 p0, p5  }
0xf1: {  	[sflag:s10] =	ssyncset.done @!p4 $0x0;
	p0 =	por p0, p4  }
0xf2: {  	[sflag:s10] =	ssyncadd.s32 @!p4 $0xFFFFC000;
	s9 =	simm.s32 @!p0 $0x5  }
0xf3: {  	_ =	swait.ge @!p0 [sflag:s9], $0x80  }
0xf4: {  	[sflag:s9] =	ssyncset.done @!p0 $0x0  }
0xf5: {  	[sflag:s9] =	ssyncadd.s32 @!p0 $0xFFFFFF80;
	s9 =	simm.s32 @!p0 $0xB  }
0xf6: {  	_ =	swait.ge @!p0 [sflag:s9], $0x80  }
0xf7: {  	s8 =	sadd.s32 @!p4 $0xA, s8;
	[sflag:s9] =	ssyncset.done @!p0 $0x0  }
0xf8: {  	s10 =	simm.s32 @!p0 $0x4600;
	[sflag:s9] =	ssyncadd.s32 @!p0 $0xFFFFFF80;
	s9 =	simm.s32 @!p0 $0x80  }
0xf9: {  	[tilespmem:s10], [sflag:$0x2] =	stream.indirect.gather @!p0 [hbm4b:s0+s9], $0x80, s9, s9, $0xb8;
	[tilespmem:$0x1FE80] =	vst v63  }
0xfa: {  	p0 =	sgt.u32 @!p6 s8, $0x9C3  }
0xfb: {  	p0 =	por @!p4 p0, p5  }
0xfc: {  	p0 =	por p0, p4  }
0xfd: {  	s8 =	sadd.s32 @!p0 s18, s26  }
0xfe: {  	s9 =	simm.s32 @!p0 $0x0;
	s10 =	simm.s32 @!p0 $0x200;
	s8 =	sadd.s32 @!p0 $0xA0, s8  }
0xff: {  	[tilespmem:s10], [sflag:$0x8] =	stream.linear.gather @!p0 [hbm4b:s8+s9], $0x80, $0x38;
	[tilespmem:$0x1FE80] =	vst v63  }
0x100: {  	s8 =	sadd.s32 @!p0 s17, s26  }
0x101: {  	s10 =	simm.s32 @!p0 $0x500;
	s8 =	sadd.s32 @!p0 $0xA0, s8  }
0x102: {  	[tilespmem:s10], [sflag:$0xE] =	stream.linear.gather @!p0 [hbm4b:s8+s9], $0x80, $0x38;
	[tilespmem:$0x1FE80] =	vst v63  }
.LBB2_10:
.Ltmp8:
0x103: {  	(pc) =	sbr.rel @p3 .LBB2_12-.Ltmp8, $1  }
0x104: {  	_ =	sdelay $0x3  }
0x105: {  	s7 =	sadd.s32 $0x5, s7  }
0x106: {  	p3 =	sgt.u32 s7, $0x9C3  }
0x107: {  	s7 =	simm.s32 @!p3 $0x3  }
0x108: {  	_ =	swait.ge @!p3 [sflag:s7], $0x4000  }
0x109: {  	s8 =	simm.s32 @!p3 $0x580;
	[sflag:s7] =	ssyncset.done @!p3 $0x0  }
0x10a: {  	s9 =	simm.s32 @!p3 $0x8600;
	[sflag:s7] =	ssyncadd.s32 @!p3 $0xFFFFC000;
	s7 =	simm.s32 @!p3 $0x80  }
0x10b: {  	[spmem:s3] =	stream.indirect.scatter.add.f32 @!p3 [tilespmem:s9], [sflag:$0x10], $0x80, s8, s7, $0xb8;
	[tilespmem:$0x1FE80] =	vst v63  }
0x10c: {  	p4 =	sgt.u32 @!p3 s6, $0xB;
	s7 =	sadd.s32 @!p3 s5, s20  }
0x10d: {  	p5 =	por p4, p3;
	s8 =	sadd.s32 @!p3 $0x8, s7  }
0x10e: {  	s9 =	simm.s32 @!p3 $0x10;
	p0 =	sgt.u32 @!p5 s8, $0x9C3  }
0x10f: {  	_ =	swait.ge @!p3 [sflag:s9], $0x4000;
	p0 =	por @!p3 p0, p4  }
0x110: {  	[sflag:s9] =	ssyncset.done @!p3 $0x0;
	p0 =	por p0, p3  }
0x111: {  	[sflag:s9] =	ssyncadd.s32 @!p3 $0xFFFFC000;
	s8 =	simm.s32 @!p0 $0x6  }
0x112: {  	_ =	swait.ge @!p0 [sflag:s8], $0x80  }
0x113: {  	[sflag:s8] =	ssyncset.done @!p0 $0x0  }
0x114: {  	[sflag:s8] =	ssyncadd.s32 @!p0 $0xFFFFFF80;
	s8 =	simm.s32 @!p0 $0xC  }
0x115: {  	_ =	swait.ge @!p0 [sflag:s8], $0x80  }
0x116: {  	s7 =	sadd.s32 @!p3 $0xB, s7;
	s9 =	simm.s32 @!p0 $0x100;
	[sflag:s8] =	ssyncset.done @!p0 $0x0  }
0x117: {  	s10 =	simm.s32 @!p0 $0x8600;
	[sflag:s8] =	ssyncadd.s32 @!p0 $0xFFFFFF80;
	s8 =	simm.s32 @!p0 $0x80  }
0x118: {  	[tilespmem:s10], [sflag:$0x3] =	stream.indirect.gather @!p0 [hbm4b:s0+s8], $0x80, s9, s8, $0xb8;
	[tilespmem:$0x1FE80] =	vst v63  }
0x119: {  	p0 =	sgt.u32 @!p5 s7, $0x9C3  }
0x11a: {  	p0 =	por @!p3 p0, p4  }
0x11b: {  	p0 =	por p0, p3  }
0x11c: {  	s7 =	sadd.s32 @!p0 s18, s26;
	s8 =	simm.s32 @!p0 $0x0  }
.Ltmp9:
0x11d: {  	s9 =	simm.s32 @!p0 $0x280;
	s7 =	sadd.s32 @!p0 $0xB0, s7;
	(pc) =	sbr.rel .LBB2_12-.Ltmp9, $4  }
0x11e: {  	[tilespmem:s9], [sflag:$0x9] =	stream.linear.gather @!p0 [hbm4b:s7+s8], $0x80, $0x38;
	[tilespmem:$0x1FE80] =	vst v63  }
0x11f: {  	s7 =	sadd.s32 @!p0 s17, s26  }
0x120: {  	s9 =	simm.s32 @!p0 $0x580;
	s7 =	sadd.s32 @!p0 $0xB0, s7  }
0x121: {  	[tilespmem:s9], [sflag:$0xF] =	stream.linear.gather @!p0 [hbm4b:s7+s8], $0x80, $0x38;
	[tilespmem:$0x1FE80] =	vst v63  }
.LBB2_14:
0x122: {  	_ =	sfence.sel $0x180000  }
0x123: {  	[bflag:$0x0] =	sbarrier.arrive $0xFFFF  }
0x124: {  	_ =	strace $0x9000004D  }
0x125: {  	[bflag:$0x2] =	sbarrier.arrive $0xFFFF  }
0x126: {  	p0 =	sne.s32 s2, $0x0;
	s0 =	rddreg [dreg:$0x3]  }
0x127: {  	s0 =	sadd.s32 @!p0 $0x100000, s0  }
0x128: {  	[sflag:s0] =	ssyncadd.tile.s32 @!p0 $0x1;
	_ =	shalt  }
.Lfunc_end2:
_tile_overlayer_lowered:
.L_overlay_start_2:
0x129: {  	(tag) =	ssettag $0x2  }
0x12a: {  	s0 =	rddreg [dreg:$0x0];
	s2 =	stileid.u32  }
0x12b: {  	s1 =	rddreg [dreg:$0x1];
	p0 =	sne.s32 s2, $0x0  }
0x12c: {  	s3 =	rddreg [dreg:$0x2];
	[bflag:$0x3] =	sbarrier.arrive $0xFFFF;
	s2 =	simm.s32 @!p0 $0x1C10  }
0x12d: {  	[timem:s3], [sflag:s2] =	dma.local @!p0 [hbm:s0], s1  }
0x12e: {  	s0 =	simm.s32 @!p0 $0x10  }
0x12f: {  	_ =	swait.ge @!p0 [sflag:s0], s1  }
0x130: {  	s1 =	ssub.s32 @!p0 $0x0, s1;
	[sflag:s0] =	ssyncset.done @!p0 $0x0  }
0x131: {  	[sflag:s0] =	ssyncadd.s32 @!p0 s1  }
0x132: {  	[bflag:$0x3] =	sbarrier.arrive $0xFFFF  }
0x133: {  	_ =	shalt  }

// kernel: kernel.8.cloned.1.call-start
scs
__scs_entry_jumppad:
0x0: {  	(pc) =	sbr.rel $0x88, $3  }
0x1: {  	(tag) =	ssettag $0x0;
	lr =	simm.s32 $0x1  }
0x2: {  	[smem:$0x3F9B] =	sst lr;
	_ =	strace $0xD0000000  }
0x3: {  	_ = 	snop  }
0x4: {  	_ = 	snop  }
0x5: {  	_ = 	snop  }
0x6: {  	_ = 	snop  }
0x7: {  	_ = 	snop  }
__scs_overlays_trampoline_lowered:
0x8: {  	[smem:$0x3FAA] =	sst s0  }
0x9: {  	[smem:$0x3FAB] =	sst s1  }
0xa: {  	[smem:$0x3FAC] =	sst s2  }
0xb: {  	[smem:$0x3FAD] =	sst s3  }
0xc: {  	[smem:$0x3FAE] =	sst s4  }
0xd: {  	[smem:$0x3FAF] =	sst s5  }
0xe: {  	[smem:$0x3FB0] =	sst s6  }
0xf: {  	[smem:$0x3FB1] =	sst s7  }
0x10: {  	[smem:$0x3FB2] =	sst s8  }
0x11: {  	[smem:$0x3FB3] =	sst s9;
	s0 =	simm.s32 @!p0 $0x0  }
0x12: {  	s1 =	sld [smem:$0x3F99];
	s0 =	simm.s32 @p0 $0x1  }
0x13: {  	[smem:$0x3FB4] =	sst s0;
	s0 =	simm.s32 @!p1 $0x0  }
0x14: {  	s2 =	sld [smem:$0x3F98];
	s0 =	simm.s32 @p1 $0x1  }
0x15: {  	[smem:$0x3FB5] =	sst s0;
	s0 =	simm.s32 @!p2 $0x0  }
0x16: {  	s3 =	sld [smem:$0x3FDB];
	s0 =	simm.s32 @p2 $0x1  }
0x17: {  	s4 =	simm.s32 $0x1BF5;
	[smem:$0x3FB7] =	sst s0  }
0x18: {  	s0 =	sld [smem:$0x3F9A];
	_ =	swait.ge [sflag:s4], $0x0  }
0x19: {  	s7 =	sld [smem:$0x3F9B]  }
0x1a: {  	s8 =	sadd.s32 $0xFFFFE003, lr  }
0x1b: {  	s9 =	sadd.s32 $0xFFFFFEF7, lr;
	s5 =	simm.s32 $0xFFFFFFFF;
	p2 =	slt.u32 s8, $0xFFFFF086  }
0x1c: {  	p1 =	slt.u32 s9, $0xF7A;
	s5 =	simm.s32 @!p2 $0x0  }
0x1d: {  	s5 =	simm.s32 @p1 $0x1;
	p0 =	seq.s32 s7, s2  }
0x1e: {  	s7 =	smul.u32 @!p0 $0xF7A, s2;
	p2 =	seq.s32 @!p0 s5, $0x0  }
0x1f: {  	s9 =	smul.u32 $0xF7A, s1;
	s8 =	simm.s32 @!p0 $0x1BF5;
	p2 =	por !p2, p0  }
0x20: {  	[sflag:s8] =	ssyncset.s32 @!p0 $0xFFFFF086;
	s6 =	sadd.s32 @!p0 s3, s7;
	s7 =	simm.s32 @!p0 $0x108  }
0x21: {  	s3 =	sadd.s32 s3, s9;
	s6 =	sadd.s32 @!p0 $0x88, s6;
	s7 =	simm.s32 @p2 $0x1082  }
0x22: {  	[simem:s7], [sflag:s8] =	dma.local @!p0 [hbm:s6], $0xF7A  }
0x23: {  	s9 =	sor.u32 $0xD0000000, s2;
	s6 =	simm.s32 $0x108;
	_ =	swait.ge @!p0 [sflag:s8], $0x0  }
0x24: {  	s3 =	sadd.s32 $0x88, s3;
	s6 =	simm.s32 @!p1 $0x1082;
	[sflag:s4] =	ssyncset.s32 $0xFFFFF086  }
0x25: {  	[simem:s6], [sflag:s4] =	dma.local [hbm:s3], $0xF7A  }
0x26: {  	[smem:$0x3F9B] =	sst s1;
	(tag) =	ssettag s2;
	_ =	strace s9  }
0x27: {  	s1 =	sld [smem:$0x3FAB]  }
0x28: {  	s2 =	sld [smem:$0x3FAC]  }
0x29: {  	s4 =	sld [smem:$0x3FAE]  }
0x2a: {  	p0 =	seq.s32 s5, $0x0;
	s5 =	sld [smem:$0x3FAF]  }
0x2b: {  	s6 =	sld [smem:$0x3FB0]  }
0x2c: {  	s7 =	sld [smem:$0x3FB1]  }
0x2d: {  	s3 =	simm.s32 $0x108;
	s8 =	sld [smem:$0x3FB2]  }
0x2e: {  	s3 =	simm.s32 @!p0 $0x1082;
	s9 =	sld [smem:$0x3FB3]  }
0x2f: {  	lr =	sadd.s32 s0, s3;
	s0 =	sld [smem:$0x3FAA]  }
0x30: {  	s3 =	sld [smem:$0x3FAD]  }
0x31: {  	[smem:$0x3FB6] =	sst s10  }
0x32: {  	s10 =	sld [smem:$0x3FB4];
	_ =	sdelay $0x3  }
0x33: {  	p0 =	seq.s32 s10, $0x1;
	s10 =	sld [smem:$0x3FB6];
	_ =	sdelay $0x3  }
0x34: {  	[smem:$0x3FB6] =	sst s10  }
0x35: {  	s10 =	sld [smem:$0x3FB5];
	_ =	sdelay $0x3  }
0x36: {  	p1 =	seq.s32 s10, $0x1;
	s10 =	sld [smem:$0x3FB6];
	_ =	sdelay $0x3  }
0x37: {  	[smem:$0x3FB6] =	sst s10  }
0x38: {  	s10 =	sld [smem:$0x3FB7]  }
0x39: {  	_ = 	snop;
	(pc) =	sbr.ind lr, $3  }
0x3a: {  	_ = 	snop  }
0x3b: {  	_ = 	snop  }
0x3c: {  	p2 =	seq.s32 s10, $0x1;
	s10 =	sld [smem:$0x3FB6]  }
0x3d: {  	_ =	shalt  }
0x3e: {  	_ =	shalt  }
0x3f: {  	_ =	shalt  }
0x40: {  	_ =	shalt  }
0x41: {  	_ =	shalt  }
0x42: {  	_ =	shalt  }
0x43: {  	_ =	shalt  }
0x44: {  	_ =	shalt  }
0x45: {  	_ =	shalt  }
0x46: {  	_ =	shalt  }
0x47: {  	_ =	shalt  }
0x48: {  	_ =	shalt  }
0x49: {  	_ =	shalt  }
0x4a: {  	_ =	shalt  }
0x4b: {  	_ =	shalt  }
0x4c: {  	_ =	shalt  }
0x4d: {  	_ =	shalt  }
0x4e: {  	_ =	shalt  }
0x4f: {  	_ =	shalt  }
0x50: {  	_ =	shalt  }
0x51: {  	_ =	shalt  }
0x52: {  	_ =	shalt  }
0x53: {  	_ =	shalt  }
0x54: {  	_ =	shalt  }
0x55: {  	_ =	shalt  }
0x56: {  	_ =	shalt  }
0x57: {  	_ =	shalt  }
0x58: {  	_ =	shalt  }
0x59: {  	_ =	shalt  }
0x5a: {  	_ =	shalt  }
0x5b: {  	_ =	shalt  }
0x5c: {  	_ =	shalt  }
0x5d: {  	_ =	shalt  }
0x5e: {  	_ =	shalt  }
0x5f: {  	_ =	shalt  }
0x60: {  	_ =	shalt  }
0x61: {  	_ =	shalt  }
0x62: {  	_ =	shalt  }
0x63: {  	_ =	shalt  }
0x64: {  	_ =	shalt  }
0x65: {  	_ =	shalt  }
0x66: {  	_ =	shalt  }
0x67: {  	_ =	shalt  }
0x68: {  	_ =	shalt  }
0x69: {  	_ =	shalt  }
0x6a: {  	_ =	shalt  }
0x6b: {  	_ =	shalt  }
0x6c: {  	_ =	shalt  }
0x6d: {  	_ =	shalt  }
0x6e: {  	_ =	shalt  }
0x6f: {  	_ =	shalt  }
0x70: {  	_ =	shalt  }
0x71: {  	_ =	shalt  }
0x72: {  	_ =	shalt  }
0x73: {  	_ =	shalt  }
0x74: {  	_ =	shalt  }
0x75: {  	_ =	shalt  }
0x76: {  	_ =	shalt  }
0x77: {  	_ =	shalt  }
0x78: {  	_ =	shalt  }
0x79: {  	_ =	shalt  }
0x7a: {  	_ =	shalt  }
0x7b: {  	_ =	shalt  }
0x7c: {  	_ =	shalt  }
0x7d: {  	_ =	shalt  }
0x7e: {  	_ =	shalt  }
0x7f: {  	_ =	shalt  }
0x80: {  	_ =	shalt  }
0x81: {  	_ =	shalt  }
0x82: {  	_ =	shalt  }
0x83: {  	_ =	shalt  }
0x84: {  	_ =	shalt  }
0x85: {  	_ =	shalt  }
0x86: {  	_ =	shalt  }
0x87: {  	_ =	shalt  }
.Lfunc_end0:
.L_simem_size_0:
called_computation_lowered:
.L_overlay_start_0:
0x88: {  	s2 =	sld [smem:$0x3FD9]  }
0x89: {  	s3 =	sld [smem:$0x3FFE];
	_ =	sdelay $0x1  }
0x8a: {  	s1 =	srdreg.scid  }
0x8b: {  	s0 =	sand.u32 $0x1, s1  }
0x8c: {  	s17 =	sshll.u32 s0, $0xA;
	s2 =	sadd.s32 s3, s2  }
0x8d: {  	s2 =	sadd.s32 s2, s17  }
0x8e: {  	[smem:$0x3FC2] =	sst s2  }
0x8f: {  	_ = 	snop  }
0x90: {  	s2 =	sld [smem:$0x3FD0];
	(tm) =	ssettm $0x1  }
0x91: {  	s18 =	sld [smem:$0x3FFB];
	_ =	sdelay $0x3  }
0x92: {  	_ =	strace s18  }
0x93: {  	s3 =	sld [smem:$0x3FFC];
	_ =	sdelay $0x3  }
0x94: {  	_ =	strace s3  }
0x95: {  	s3 =	sld [smem:$0x3FFD];
	_ =	sdelay $0x3  }
0x96: {  	_ =	strace s3  }
0x97: {  	_ =	strace $0x8FFFFFFF  }
0x98: {  	s19 =	sld [smem:$0x3FDB];
	_ =	sdelay $0x1  }
0x99: {  	s4 =	simm.s32 $_scs_section_size  }
0x9a: {  	s5 =	simm.s32 $_size__tile_overlayer_lowered;
	s6 =	simm.s32 $_tile_overlayer_lowered  }
0x9b: {  	s22 =	simm.s32 $0x1BFF;
	s21 =	sshll.u32 s6, $0x1;
	s3 =	sadd.s32 s4, s19  }
0x9c: {  	s7 =	simm.s32 $0x0;
	s20 =	sshll.u32 s5, $0x1;
	s5 =	sadd.s32 s21, s3  }
0x9d: {  	[timem:s7], [sflag:s22] =	dma.local [hbm:s5], s20  }
0x9e: {  	_ =	swait.ge [sflag:s22], s20  }
0x9f: {  	s4 =	ssub.s32 $0x0, s20;
	[sflag:s22] =	ssyncset.done $0x0  }
0xa0: {  	[sflag:s22] =	ssyncadd.s32 s4;
	_ =	sdelay $0x1  }
0xa1: {  	s23 =	simm.s32 $0x1B8B  }
0xa2: {  	_ =	swait.ge [sflag:s23], $0x1  }
0xa3: {  	[sflag:s23] =	ssyncset.done $0x0  }
0xa4: {  	s25 =	simm.s32 $0x1B8E;
	s24 =	sld [smem:$0x3FFE];
	[sflag:s23] =	ssyncadd.s32 $0xFFFFFFFF  }
0xa5: {  	s26 =	simm.s32 $execute0_lowered;
	[smem:$0x3FD2] =	sst s25  }
0xa6: {  	s5 =	sshll.u32 s26, $0x1;
	_ =	strace $0x80000046;
	[dreg:$0x1] =	wrdreg $0xFFFFFFFF  }
0xa7: {  	s28 =	simm.s32 $_size_execute0_lowered;
	s3 =	sadd.s32 s3, s5;
	[dreg:$0x0] =	wrdreg $0x0  }
0xa8: {  	s5 =	sshll.u32 s28, $0x1;
	[dreg:$0x2] =	wrdreg s3  }
0xa9: {  	[dreg:$0x3] =	wrdreg s5  }
0xaa: {  	[dreg:$0x4] =	wrdreg $0xC0  }
0xab: {  	_ =	task [dreg:s7], $0x5FFFF  }
0xac: {  	[dreg:$0x1] =	wrdreg $0xFFFFFFFF  }
0xad: {  	[dreg:$0x0] =	wrdreg $0x60  }
0xae: {  	[dreg:$0x2] =	wrdreg s24  }
0xaf: {  	[dreg:$0x3] =	wrdreg s2  }
0xb0: {  	[dreg:$0x4] =	wrdreg $0x1800  }
0xb1: {  	[dreg:$0x5] =	wrdreg $0x9  }
0xb2: {  	_ =	task.clear_ibuf [dreg:s7], $0x6FFFF;
	_ =	strace $0x90000046  }
0xb3: {  	s29 =	simm.s32 $0x9;
	_ =	strace $0x80000048  }
0xb4: {  	_ =	swait.ge [sflag:s29], $0x1  }
0xb5: {  	[sflag:s29] =	ssyncadd.s32 $0xFFFFFFFF  }
0xb6: {  	_ =	strace $0x90000048  }
0xb7: {  	_ =	sfence  }
0xb8: {  	s30 =	sld [smem:$0x0];
	_ =	sdelay $0x2  }
0xb9: {  	s31 =	sshll.u32 s1, $0xD;
	s1 =	sshrl.u32 s1, $0x2  }
0xba: {  	s3 =	sand.u32 $0x4000, s31;
	s1 =	sadd.s32 s1, s30  }
0xbb: {  	s0 =	sor.u32 s3, s0;
	s1 =	sshll.u32 s1, $0x11  }
0xbc: {  	s0 =	sor.u32 s1, s0  }
0xbd: {  	s0 =	sadd.s32 $0x8F2B, s0  }
0xbe: {  	[sflag:s0] =	ssyncadd.remote.s32 $0x1  }
0xbf: {  	_ =	sfence.sel $0xFFFF  }
0xc0: {  	[dreg:$0x0] =	wrdreg $0xFFFFFFFF;
	(pc) =	sbr.abs _section_cstart, $3  }
0xc1: {  	[dreg:$0x1] =	wrdreg $0xFFFFFFFF  }
0xc2: {  	_ =	task.clear_ibuf [dreg:s7], $0x2FFFF;
	_ =	strace $0x9FFFFFFF  }
0xc3: {  	(tm) =	ssettm $0x7FFFFFFF  }
tec
execute0_lowered:
.L_overlay_start_1:
0x0: {  	(tag) =	ssettag $0x1  }
0x1: {  	s4 =	rddreg [dreg:$0x0]  }
0x2: {  	s5 =	rddreg [dreg:$0x1]  }
0x3: {  	s1 =	rddreg [dreg:$0x2];
	s3 =	srdreg.scid  }
0x4: {  	s0 =	rddreg [dreg:$0x3];
	s2 =	simm.s32 $0x0;
	s12 =	stileid.u32  }
0x5: {  	s6 =	sand.u32 $0x1, s3;
	[smem:$0x7FF] =	sst s2;
	s15 =	smul.u32 $0x4F, s12  }
0x6: {  	s11 =	sadd.s32 $0xB800, s4;
	s30 =	smul.u32 $0x4F0, s12;
	p0 =	sne.s32 s12, $0x0  }
0x7: {  	s3 =	sshll.u32 s6, $0x4;
	_ =	strace $0x80000047;
	s10 =	smul.u32 $0x4F0, s6  }
0x8: {  	s7 =	ssub.s32 $0x2, s6;
	s14 =	smul.u32 $0x4F00, s6;
	s16 =	sor.u32 s12, s3  }
0x9: {  	s3 =	sadd.s32 $0x15600, s4;
	s28 =	sshrl.u32 s7, $0x1;
	s12 =	sshrl.u32 @!p0 s1, $0x3  }
0xa: {  	s8 =	smul.u32 $0x2780, s16;
	s9 =	sadd.s32 s10, s4;
	s13 =	ssub.s32 s7, s28  }
0xb: {  	s29 =	smul.u32 $0x4F0, s16;
	s4 =	sadd.s32 s5, s10;
	s31 =	sadd.s32 s15, s10  }
0xc: {  	s15 =	simm.s32 $0x80;
	p1 =	seq.s32 s16, $0x1F;
	s16 =	simm.s32 $0x0  }
0xd: {  	s7 =	sadd.s32 $0x15800, s9;
	s8 =	sshrl.u32 s8, $0x3;
	s5 =	sadd.s32 s11, s29  }
0xe: {  	s8 =	sadd.s32 s11, s8;
	s9 =	sadd.s32 $0x4E0, s5;
	s11 =	sadd.s32 s14, s11  }
0xf: {  	s14 =	simm.s32 $0x3;
	s6 =	sadd.s32 $0x10, s8;
	s8 =	smax.u32 s13, $0x1  }
0x10: {  	s10 =	sadd.s32 s30, s11;
	s11 =	sadd.s32 $0x1, s31;
	s13 =	simm.s32 $0x100  }
.LBB2_1:
0x11: {  	s17 =	simm.s32 @!p0 $0x1C03  }
0x12: {  	[spmem:s12], [sflag:s17] =	dma.local @!p0 [hbm:s4], $0x4F0  }
0x13: {  	s17 =	simm.s32 @!p0 $0x3  }
0x14: {  	_ =	swait.ge @!p0 [sflag:s17], $0x4F0  }
0x15: {  	[sflag:s17] =	ssyncset.done @!p0 $0x0  }
0x16: {  	[sflag:s17] =	ssyncadd.s32 @!p0 $0xFFFFFB10  }
0x17: {  	[tilespmem:s13], [sflag:$0x3] =	stream.linear.gather [hbm4b:s3+s2], $0x80, $0x38;
	[tilespmem:$0x3F8] =	vst v63  }
0x18: {  	_ =	swait.ge [sflag:s14], $0x80  }
0x19: {  	[sflag:s14] =	ssyncset.done $0x0  }
0x1a: {  	s17 =	sadd.s32 $0xFFFFFFFF, s11;
	[sflag:s14] =	ssyncadd.s32 $0xFFFFFF80  }
0x1b: {  	p2 =	sgt.u32 s17, $0x9C3;
	[bflag:$0x0] =	sbarrier.arrive $0xFFFF  }
0x1c: {  	[tilespmem:s2], [sflag:$0x1] =	stream.linear.gather [hbm4b:s5+s2], $0x80, $0x38;
	[tilespmem:$0x3F8] =	vst v63  }
0x1d: {  	s18 =	simm.s32 @!p2 $0x1  }
0x1e: {  	[tilespmem:s15], [sflag:$0x2] =	stream.linear.gather [hbm4b:s6+s2], $0x80, $0x38;
	[tilespmem:$0x3F8] =	vst v63  }
0x1f: {  	p3 =	sgt.u32 @!p2 s17, $0x9C1;
	_ =	swait.ge @!p2 [sflag:s18], $0x80  }
0x20: {  	s17 =	simm.s32 @!p2 $0x100;
	s19 =	simm.s32 @!p2 $0x3;
	[sflag:s18] =	ssyncset.done @!p2 $0x0  }
0x21: {  	s20 =	simm.s32 @!p2 $0x0;
	[sflag:s18] =	ssyncadd.s32 @!p2 $0xFFFFFF80;
	s18 =	simm.s32 @!p2 $0x80  }
0x22: {  	[spmem:s1] =	stream.indirect.scatter.add.f32 @!p2 [tilespmem:s17], [sflag:$0x3], $0x1, s20, s18, $0xb8;
	[tilespmem:$0x3F8] =	vst v63  }
0x23: {  	p3 =	por p3, p2;
	_ =	swait.ge @!p2 [sflag:s19], $0x80  }
0x24: {  	s17 =	sadd.s32 @!p3 $0x0, s10;
	s18 =	simm.s32 @!p3 $0x0;
	[sflag:s19] =	ssyncset.done @!p2 $0x0  }
0x25: {  	s17 =	sadd.s32 @!p3 $0x20, s17;
	[sflag:s19] =	ssyncadd.s32 @!p2 $0xFFFFFF80;
	p2 =	sgt.u32 s11, $0x9C3  }
0x26: {  	[tilespmem:s18], [sflag:$0x1] =	stream.linear.gather @!p3 [hbm4b:s17+s18], $0x80, $0x38;
	[tilespmem:$0x3F8] =	vst v63  }
0x27: {  	s19 =	simm.s32 $0x40;
	s20 =	simm.s32 @!p2 $0x2  }
0x28: {  	s17 =	simm.s32 $0x20;
	s18 =	sadd.s32 $0x2, s11;
	_ =	swait.ge @!p2 [sflag:s20], $0x80  }
0x29: {  	s21 =	simm.s32 @!p2 $0x100;
	p3 =	sgt.u32 @!p2 s11, $0x9C1;
	[sflag:s20] =	ssyncset.done @!p2 $0x0  }
0x2a: {  	p3 =	por p3, p2;
	[sflag:s20] =	ssyncadd.s32 @!p2 $0xFFFFFF80;
	s20 =	simm.s32 @!p2 $0x80  }
0x2b: {  	[spmem:s1] =	stream.indirect.scatter.add.f32 @!p2 [tilespmem:s21], [sflag:$0x3], $0x1, s20, s20, $0xb8;
	[tilespmem:$0x3F8] =	vst v63  }
0x2c: {  	s23 =	sadd.s32 $0xFFFFFFFF, s18;
	s22 =	sadd.s32 @!p3 $0x0, s10;
	s20 =	simm.s32 @!p2 $0x3  }
0x2d: {  	s22 =	sadd.s32 @!p3 $0x30, s22;
	s21 =	simm.s32 @!p3 $0x80;
	_ =	swait.ge @!p2 [sflag:s20], $0x80  }
.LBB2_2:
0x2e: {  	p4 =	sgt.u32 s23, $0x9C3;
	[sflag:s20] =	ssyncset.done @!p2 $0x0;
	s24 =	simm.s32 @!p3 $0x0  }
0x2f: {  	s25 =	smov.u32 s17;
	s17 =	smov.u32 s19;
	s26 =	smov.u32 s18  }
0x30: {  	s28 =	simm.s32 @!p4 $0x1;
	p5 =	sgt.u32 @!p4 s23, $0x9C1;
	[sflag:s20] =	ssyncadd.s32 @!p2 $0xFFFFFF80  }
0x31: {  	[tilespmem:s21], [sflag:$0x2] =	stream.linear.gather @!p3 [hbm4b:s22+s24], $0x80, $0x38;
	[tilespmem:$0x3F8] =	vst v63  }
0x32: {  	s19 =	sadd.s32 $0x20, s19;
	p3 =	por p5, p4;
	_ =	swait.ge @!p4 [sflag:s28], $0x80  }
0x33: {  	s20 =	simm.s32 @!p4 $0x100;
	s21 =	simm.s32 @!p4 $0x3;
	[sflag:s28] =	ssyncset.done @!p4 $0x0  }
0x34: {  	s23 =	simm.s32 @!p4 $0x0;
	s22 =	simm.s32 @!p4 $0x80;
	[sflag:s28] =	ssyncadd.s32 @!p4 $0xFFFFFF80  }
0x35: {  	[spmem:s1] =	stream.indirect.scatter.add.f32 @!p4 [tilespmem:s20], [sflag:$0x3], $0x1, s23, s22, $0xb8;
	[tilespmem:$0x3F8] =	vst v63  }
0x36: {  	p5 =	sne.s32 s19, $0x4C0;
	s20 =	sadd.s32 @!p3 s25, s10;
	_ =	swait.ge @!p4 [sflag:s21], $0x80  }
0x37: {  	s18 =	sadd.s32 $0x2, s18;
	s20 =	sadd.s32 @!p3 $0x20, s20;
	[sflag:s21] =	ssyncset.done @!p4 $0x0  }
0x38: {  	p2 =	sgt.u32 s26, $0x9C3;
	[sflag:s21] =	ssyncadd.s32 @!p4 $0xFFFFFF80;
	s21 =	simm.s32 @!p3 $0x0  }
0x39: {  	[tilespmem:s21], [sflag:$0x1] =	stream.linear.gather @!p3 [hbm4b:s20+s21], $0x80, $0x38;
	[tilespmem:$0x3F8] =	vst v63  }
0x3a: {  	s22 =	simm.s32 @!p2 $0x100;
	s21 =	simm.s32 @!p2 $0x2;
	p3 =	sgt.u32 @!p2 s26, $0x9C1  }
.Ltmp0:
0x3b: {  	p3 =	por p3, p2;
	_ =	swait.ge @!p2 [sflag:s21], $0x80;
	(pc) =	sbr.rel @p5 .LBB2_2-.Ltmp0, $4  }
0x3c: {  	s20 =	simm.s32 @!p2 $0x3;
	s24 =	sadd.s32 @!p3 s25, s10;
	[sflag:s21] =	ssyncset.done @!p2 $0x0  }
0x3d: {  	s23 =	simm.s32 @!p2 $0x80;
	[sflag:s21] =	ssyncadd.s32 @!p2 $0xFFFFFF80;
	s21 =	simm.s32 @!p3 $0x80  }
0x3e: {  	[spmem:s1] =	stream.indirect.scatter.add.f32 @!p2 [tilespmem:s22], [sflag:$0x3], $0x1, s23, s23, $0xb8;
	[tilespmem:$0x3F8] =	vst v63  }
0x3f: {  	s23 =	sadd.s32 $0xFFFFFFFF, s18;
	s22 =	sadd.s32 @!p3 $0x30, s24;
	_ =	swait.ge @!p2 [sflag:s20], $0x80  }
0x40: {  	p4 =	sgt.u32 s23, $0x9C3;
	[sflag:s20] =	ssyncset.done @!p2 $0x0  }
0x41: {  	s19 =	simm.s32 @!p3 $0x0;
	s24 =	simm.s32 @!p4 $0x1;
	[sflag:s20] =	ssyncadd.s32 @!p2 $0xFFFFFF80  }
0x42: {  	[tilespmem:s21], [sflag:$0x2] =	stream.linear.gather @!p3 [hbm4b:s22+s19], $0x80, $0x38;
	[tilespmem:$0x3F8] =	vst v63  }
0x43: {  	p5 =	sgt.u32 @!p4 s23, $0x9C1;
	_ =	swait.ge @!p4 [sflag:s24], $0x80  }
0x44: {  	s20 =	simm.s32 @!p4 $0x3;
	s19 =	simm.s32 @!p4 $0x100;
	[sflag:s24] =	ssyncset.done @!p4 $0x0  }
0x45: {  	s21 =	simm.s32 @!p4 $0x80;
	s22 =	simm.s32 @!p4 $0x0;
	[sflag:s24] =	ssyncadd.s32 @!p4 $0xFFFFFF80  }
0x46: {  	[spmem:s1] =	stream.indirect.scatter.add.f32 @!p4 [tilespmem:s19], [sflag:$0x3], $0x1, s22, s21, $0xb8;
	[tilespmem:$0x3F8] =	vst v63  }
0x47: {  	p3 =	por p5, p4;
	_ =	swait.ge @!p4 [sflag:s20], $0x80  }
0x48: {  	p2 =	sgt.u32 s18, $0x9C3;
	s19 =	sadd.s32 @!p3 s17, s10;
	[sflag:s20] =	ssyncset.done @!p4 $0x0  }
0x49: {  	s19 =	sadd.s32 @!p3 $0x20, s19;
	[sflag:s20] =	ssyncadd.s32 @!p4 $0xFFFFFF80;
	s20 =	simm.s32 @!p3 $0x0  }
0x4a: {  	[tilespmem:s20], [sflag:$0x1] =	stream.linear.gather @!p3 [hbm4b:s19+s20], $0x80, $0x38;
	[tilespmem:$0x3F8] =	vst v63  }
0x4b: {  	s19 =	simm.s32 @!p2 $0x2  }
0x4c: {  	s20 =	simm.s32 @!p2 $0x100;
	_ =	swait.ge @!p2 [sflag:s19], $0x80  }
0x4d: {  	p3 =	sgt.u32 @!p2 s18, $0x9C1;
	s18 =	simm.s32 @!p2 $0x3;
	[sflag:s19] =	ssyncset.done @!p2 $0x0  }
0x4e: {  	p3 =	por p3, p2;
	[sflag:s19] =	ssyncadd.s32 @!p2 $0xFFFFFF80;
	s19 =	simm.s32 @!p2 $0x80  }
0x4f: {  	[spmem:s1] =	stream.indirect.scatter.add.f32 @!p2 [tilespmem:s20], [sflag:$0x3], $0x1, s19, s19, $0xb8;
	[tilespmem:$0x3F8] =	vst v63  }
0x50: {  	s17 =	sadd.s32 @!p3 s17, s10;
	_ =	swait.ge @!p2 [sflag:s18], $0x80  }
0x51: {  	s17 =	sadd.s32 @!p3 $0x30, s17;
	[sflag:s18] =	ssyncset.done @!p2 $0x0  }
0x52: {  	s19 =	simm.s32 @!p3 $0x80;
	s20 =	simm.s32 @!p3 $0x0;
	[sflag:s18] =	ssyncadd.s32 @!p2 $0xFFFFFF80  }
0x53: {  	[tilespmem:s19], [sflag:$0x2] =	stream.linear.gather @!p3 [hbm4b:s17+s20], $0x80, $0x38;
	[tilespmem:$0x3F8] =	vst v63  }
0x54: {  	s17 =	simm.s32 @!p1 $0x1  }
0x55: {  	_ =	swait.ge @!p1 [sflag:s17], $0x80  }
0x56: {  	s21 =	simm.s32 @!p1 $0x3;
	s18 =	simm.s32 @!p1 $0x80;
	[sflag:s17] =	ssyncset.done @!p1 $0x0  }
0x57: {  	s19 =	simm.s32 @!p1 $0x0;
	s20 =	simm.s32 @!p1 $0x100;
	[sflag:s17] =	ssyncadd.s32 @!p1 $0xFFFFFF80  }
0x58: {  	[spmem:s1] =	stream.indirect.scatter.add.f32 @!p1 [tilespmem:s20], [sflag:$0x3], $0x1, s19, s18, $0xb8;
	[tilespmem:$0x3F8] =	vst v63  }
0x59: {  	_ =	swait.ge @!p1 [sflag:s21], $0x80  }
0x5a: {  	[sflag:s21] =	ssyncset.done @!p1 $0x0  }
0x5b: {  	s22 =	simm.s32 @!p1 $0x2;
	[sflag:s21] =	ssyncadd.s32 @!p1 $0xFFFFFF80  }
0x5c: {  	[tilespmem:s19], [sflag:$0x1] =	stream.linear.gather @!p1 [hbm4b:s9+s19], $0x80, $0x38;
	[tilespmem:$0x3F8] =	vst v63  }
0x5d: {  	_ =	swait.ge @!p1 [sflag:s22], $0x80  }
0x5e: {  	[sflag:s22] =	ssyncset.done @!p1 $0x0  }
0x5f: {  	[sflag:s22] =	ssyncadd.s32 @!p1 $0xFFFFFF80  }
0x60: {  	[spmem:s1] =	stream.indirect.scatter.add.f32 @!p1 [tilespmem:s20], [sflag:$0x3], $0x1, s18, s18, $0xb8;
	[tilespmem:$0x3F8] =	vst v63  }
0x61: {  	_ =	swait.ge @!p1 [sflag:s21], $0x80  }
0x62: {  	[sflag:s21] =	ssyncset.done @!p1 $0x0  }
0x63: {  	[sflag:s21] =	ssyncadd.s32 @!p1 $0xFFFFFF80  }
0x64: {  	_ =	swait.ge @!p1 [sflag:s17], $0x80  }
0x65: {  	[sflag:s17] =	ssyncset.done @!p1 $0x0  }
0x66: {  	[sflag:s17] =	ssyncadd.s32 @!p1 $0xFFFFFF80  }
0x67: {  	[spmem:s1] =	stream.indirect.scatter.add.f32 @!p1 [tilespmem:s20], [sflag:$0x3], $0x1, s19, s18, $0xb8;
	[tilespmem:$0x3F8] =	vst v63  }
0x68: {  	_ =	swait.ge @!p1 [sflag:s21], $0x80  }
0x69: {  	[sflag:s21] =	ssyncset.done @!p1 $0x0  }
0x6a: {  	s16 =	sadd.s32 $0x1, s16;
	[sflag:s21] =	ssyncadd.s32 @!p1 $0xFFFFFF80  }
0x6b: {  	p2 =	sne.s32 s16, s8;
	s17 =	simm.s32 @!p0 $0x1C03;
	[bflag:$0x0] =	sbarrier.arrive $0xFFFF  }
0x6c: {  	[hbm:s7], [sflag:s17] =	dma.local @!p0 [spmem:s12], $0x4F0  }
.Ltmp1:
0x6d: {  	_ = 	snop;
	(pc) =	sbr.rel @p2 .LBB2_1-.Ltmp1, $4  }
0x6e: {  	s17 =	simm.s32 @!p0 $0x3  }
0x6f: {  	_ =	swait.ge @!p0 [sflag:s17], $0x4F0  }
0x70: {  	[sflag:s17] =	ssyncset.done @!p0 $0x0  }
0x71: {  	[sflag:s17] =	ssyncadd.s32 @!p0 $0xFFFFFB10  }
0x72: {  	_ =	sfence.sel $0x180000  }
0x73: {  	[bflag:$0x0] =	sbarrier.arrive $0xFFFF  }
0x74: {  	_ =	strace $0x90000047  }
0x75: {  	s0 =	sadd.s32 @!p0 $0x100000, s0;
	[bflag:$0x2] =	sbarrier.arrive $0xFFFF  }
0x76: {  	[sflag:s0] =	ssyncadd.tile.s32 @!p0 $0x1;
	_ =	shalt  }
.Lfunc_end2:
_tile_overlayer_lowered:
.L_overlay_start_2:
0x77: {  	(tag) =	ssettag $0x2  }
0x78: {  	s0 =	rddreg [dreg:$0x0];
	s2 =	stileid.u32  }
0x79: {  	s1 =	rddreg [dreg:$0x1];
	p0 =	sne.s32 s2, $0x0  }
0x7a: {  	s3 =	rddreg [dreg:$0x2];
	[bflag:$0x3] =	sbarrier.arrive $0xFFFF;
	s2 =	simm.s32 @!p0 $0x1C03  }
0x7b: {  	[timem:s3], [sflag:s2] =	dma.local @!p0 [hbm:s0], s1  }
0x7c: {  	s0 =	simm.s32 @!p0 $0x3  }
0x7d: {  	_ =	swait.ge @!p0 [sflag:s0], s1  }
0x7e: {  	s1 =	ssub.s32 @!p0 $0x0, s1;
	[sflag:s0] =	ssyncset.done @!p0 $0x0  }
0x7f: {  	[sflag:s0] =	ssyncadd.s32 @!p0 s1  }
0x80: {  	[bflag:$0x3] =	sbarrier.arrive $0xFFFF  }
0x81: {  	_ =	shalt  }

</sc_bundles>
